<compile_context>
chip_gen: v7x
topology: tpu7x:2x2x1
jax: 0.10.2.dev20260603
libtpu: 0.0.44.dev20260713+nightly
codegen_flags: <defaults>
</compile_context>

<pallas_src>
import functools

import jax
import jax.numpy as jnp
from jax import lax
from jax.experimental import pallas as pl
from jax.experimental.pallas import tpu as pltpu
from jax.experimental.pallas import tpu_sc as plsc

B = 4
L = 512
H = 12
MAXS = 512
TAB = 2 * MAXS

NC = 2
NS = 16
LANES = 16
NW = NC * NS
WPB = NW // B
RPW = L // WPB
NSLOT = 4

HP = H // 2
RS = HP + 1
TW = TAB * RS


def _project_body(pe_ref, w_ref, b_ref, o_ref):
    for k in range(4):
        t = jnp.dot(pe_ref[k], w_ref[k], preferred_element_type=jnp.float32)
        if k == 0:
            t = t + b_ref[:]
        o_ref[k] = t


_project = pl.pallas_call(
    _project_body,
    out_shape=jax.ShapeDtypeStruct((4, TAB, H), jnp.float32),
)


@functools.partial(
    pl.kernel,
    mesh=plsc.VectorSubcoreMesh(core_axis_name="c", subcore_axis_name="s"),
    out_type=jax.ShapeDtypeStruct((B, H, L, L), jnp.float32),
    compiler_params=pltpu.CompilerParams(needs_layout_passes=False),
    scratch_types=[
        pltpu.VMEM((4 * TW,), jnp.int32),
        pltpu.VMEM((L,), jnp.int32),
        pltpu.VMEM((L,), jnp.int32),
        pltpu.VMEM((H, L), jnp.float32),
        pltpu.VMEM((H, L), jnp.float32),
        pltpu.VMEM((H, L), jnp.float32),
        pltpu.VMEM((H, L), jnp.float32),
        pltpu.SemaphoreType.DMA,
        pltpu.SemaphoreType.DMA,
        pltpu.SemaphoreType.DMA,
        pltpu.SemaphoreType.DMA,
    ],
)
def _sc_fuse(t_hbm, ps_hbm, pe_hbm, out_hbm, t_vm, ps_vm, pe_vm,
             buf0, buf1, buf2, buf3, sem0, sem1, sem2, sem3):
    wid = lax.axis_index("s") * NC + lax.axis_index("c")
    bidx = wid // WPB
    pltpu.sync_copy(t_hbm, t_vm)
    pltpu.sync_copy(ps_hbm.at[bidx], ps_vm)
    pltpu.sync_copy(pe_hbm.at[bidx], pe_vm)

    lane = lax.iota(jnp.int32, LANES)
    bufs = (buf0, buf1, buf2, buf3)
    sems = (sem0, sem1, sem2, sem3)

    def group_body(g, _):
        for pb in range(NSLOT):
            r = g * NSLOT + pb
            i_loc = (wid % WPB) * RPW + r
            buf = bufs[pb]
            sem = sems[pb]

            @pl.when(g > 0)
            def _drain():
                pltpu.make_async_copy(
                    buf,
                    out_hbm.at[0, :, 0, :],
                    sem,
                ).wait()

            siv = plsc.load_gather(ps_vm, [jnp.full((LANES,), i_loc, jnp.int32)])
            eiv = plsc.load_gather(pe_vm, [jnp.full((LANES,), i_loc, jnp.int32)])
            a_s = (siv + MAXS) * RS
            a_e = (eiv + MAXS) * RS + 2 * TW

            @plsc.parallel_loop(0, L, LANES, unroll=2)
            def jv_body(jv, a_s=a_s, a_e=a_e, buf=buf):
                jvec = jnp.full((LANES,), jv, jnp.int32) + lane
                psj = plsc.load_gather(ps_vm, [jvec])
                pej = plsc.load_gather(pe_vm, [jvec])
                psj_r = psj * RS
                pej_r = pej * RS - TW
                i_ss = a_s - psj_r
                i_se = a_s - pej_r
                i_es = a_e - psj_r
                i_ee = a_e - pej_r
                for hp in range(HP):
                    a1 = plsc.bitcast(plsc.load_gather(t_vm, [i_ss + hp]), jnp.bfloat16)
                    a2 = plsc.bitcast(plsc.load_gather(t_vm, [i_se + hp]), jnp.bfloat16)
                    a3 = plsc.bitcast(plsc.load_gather(t_vm, [i_es + hp]), jnp.bfloat16)
                    a4 = plsc.bitcast(plsc.load_gather(t_vm, [i_ee + hp]), jnp.bfloat16)
                    s = (a1 + a2) + (a3 + a4)
                    s = jnp.maximum(s, jnp.bfloat16(0))
                    v_even, v_odd = plsc.unpack(s, format=plsc.PackFormat.INTERLEAVED)
                    plsc.store_scatter(
                        buf, [jnp.full((LANES,), 2 * hp, jnp.int32), jvec], v_even)
                    plsc.store_scatter(
                        buf, [jnp.full((LANES,), 2 * hp + 1, jnp.int32), jvec], v_odd)

            pltpu.async_copy(
                buf,
                out_hbm.at[bidx, :, i_loc, :],
                sem,
            )
        return 0

    lax.fori_loop(0, RPW // NSLOT, group_body, 0)
    for pb in range(NSLOT):
        pltpu.make_async_copy(
            bufs[pb],
            out_hbm.at[0, :, 0, :],
            sems[pb],
        ).wait()


def kernel(pos_s, pos_e, pe_ss, pe_se, pe_es, pe_ee, W, b):
    ps = pos_s.astype(jnp.int32)
    pe = pos_e.astype(jnp.int32)
    tables = jnp.stack([pe_ss, pe_se, pe_es, pe_ee])
    wr = W.reshape(4, H, H)
    t = _project(tables, wr, b.reshape(1, H))
    t_pk = jax.lax.bitcast_convert_type(
        t.astype(jnp.bfloat16).reshape(4, TAB, HP, 2), jnp.int32)
    t_pk = jnp.pad(t_pk, ((0, 0), (0, 0), (0, RS - HP))).reshape(4 * TW)
    return _sc_fuse(t_pk, ps, pe)

# --- scband reference (transcript-rebuilt; emitter-appended) ---
"""Pipeline reference for scband-four-pos-fusion-embedding-31379031064638 (READ-ONLY COPY).

The authoritative reference and input builder live on the scoring server;
editing this copy changes nothing except your own understanding.
"""

import jax, jax.numpy as jnp
import numpy as np

NUM_HEADS = 12
MAX_SEQ_LEN = 512
TABLE_SIZE = 2 * MAX_SEQ_LEN  # relative offsets + max_seq_len land in [1, 2*max_seq_len-1]
BATCH = 4
SEQ = 512


def setup_inputs(seed: int = 0) -> dict:
    key = jax.random.key(seed)
    ks = jax.random.split(key, 8)
    pos_s = jax.random.randint(ks[0], (BATCH, SEQ), 0, MAX_SEQ_LEN, dtype=jnp.int64 if jax.config.jax_enable_x64 else jnp.int32)
    pos_e = jax.random.randint(ks[1], (BATCH, SEQ), 0, MAX_SEQ_LEN, dtype=jnp.int64 if jax.config.jax_enable_x64 else jnp.int32)
    pe_ss = jax.random.normal(ks[2], (TABLE_SIZE, NUM_HEADS), dtype=jnp.float32) * 0.02
    pe_se = jax.random.normal(ks[3], (TABLE_SIZE, NUM_HEADS), dtype=jnp.float32) * 0.02
    pe_es = jax.random.normal(ks[4], (TABLE_SIZE, NUM_HEADS), dtype=jnp.float32) * 0.02
    pe_ee = jax.random.normal(ks[5], (TABLE_SIZE, NUM_HEADS), dtype=jnp.float32) * 0.02
    W = jax.random.normal(ks[6], (NUM_HEADS * 4, NUM_HEADS), dtype=jnp.float32) * 0.02
    b = jnp.zeros((NUM_HEADS,), dtype=jnp.float32)
    return {"pos_s": pos_s, "pos_e": pos_e, "pe_ss": pe_ss, "pe_se": pe_se,
            "pe_es": pe_es, "pe_ee": pe_ee, "W": W, "b": b}


def reference(pos_s, pos_e, pe_ss, pe_se, pe_es, pe_ee, W, b):
    # relative offset grids, shifted by max_seq_len -> valid embedding indices
    idx_ss = pos_s[:, :, None] - pos_s[:, None, :] + MAX_SEQ_LEN
    idx_se = pos_s[:, :, None] - pos_e[:, None, :] + MAX_SEQ_LEN
    idx_es = pos_e[:, :, None] - pos_s[:, None, :] + MAX_SEQ_LEN
    idx_ee = pos_e[:, :, None] - pos_e[:, None, :] + MAX_SEQ_LEN
    # embedding gathers -> [B, L, L, H]
    e_ss = jnp.take(pe_ss, idx_ss, axis=0)
    e_se = jnp.take(pe_se, idx_se, axis=0)
    e_es = jnp.take(pe_es, idx_es, axis=0)
    e_ee = jnp.take(pe_ee, idx_ee, axis=0)
    pe_4 = jnp.concatenate([e_ss, e_se, e_es, e_ee], axis=-1)  # [B, L, L, 4H]
    fused = jax.nn.relu(jnp.dot(pe_4, W) + b)  # [B, L, L, H]
    rel_pos_embedding = jnp.transpose(fused, (0, 3, 1, 2))  # [B, H, L, L]
    return rel_pos_embedding

if __name__ == "__main__":
    import jax
    _d = setup_inputs()
    print(jax.jit(kernel)(*tuple(_d.values())))

</pallas_src>

<mosaic_0001>
#map = affine_map<(d0, d1) -> (0)>
#map1 = affine_map<(d0, d1) -> (0, 0)>
#map2 = affine_map<(d0, d1) -> (0, 0, 0, 0)>
module attributes {stable_mosaic.version = 14 : i64} {
  func.func @_sc_fuse(%arg0: i32, %arg1: i32, %arg2: memref<28672xi32, #tpu.memory_space<hbm>>, %arg3: memref<4x512xi32, #tpu.memory_space<hbm>>, %arg4: memref<4x512xi32, #tpu.memory_space<hbm>>, %arg5: memref<4x12x512x512xf32, #tpu.memory_space<hbm>>, %arg6: memref<28672xi32, #tpu.memory_space<vmem>>, %arg7: memref<512xi32, #tpu.memory_space<vmem>>, %arg8: memref<512xi32, #tpu.memory_space<vmem>>, %arg9: memref<12x512xf32, #tpu.memory_space<vmem>>, %arg10: memref<12x512xf32, #tpu.memory_space<vmem>>, %arg11: memref<12x512xf32, #tpu.memory_space<vmem>>, %arg12: memref<12x512xf32, #tpu.memory_space<vmem>>, %arg13: memref<!tpu.dma_semaphore, #tpu.memory_space<semaphore_mem>>, %arg14: memref<!tpu.dma_semaphore, #tpu.memory_space<semaphore_mem>>, %arg15: memref<!tpu.dma_semaphore, #tpu.memory_space<semaphore_mem>>, %arg16: memref<!tpu.dma_semaphore, #tpu.memory_space<semaphore_mem>>) attributes {dimension_semantics = [#tpu.dimension_semantics<core_parallel>, #tpu.dimension_semantics<subcore_parallel>], iteration_bounds = array<i64: 2, 16>, scalar_prefetch = 0 : i64, scratch_operands = 11 : i64, tpu.core_type = #tpu.core_type<sc_vector_subcore>, window_params = [{transform_indices = #map}, {transform_indices = #map1}, {transform_indices = #map1}, {transform_indices = #map2}]} {
    %mul3A = arith.constant 2 : i32
    %mul3A_0 = arith.muli %arg1, %mul3A : i32
    %add3A = arith.addi %mul3A_0, %arg0 : i32
    %jit3A = arith.constant 8 : i32
    %div3A = arith.divsi %add3A, %jit3A : i32
    %sign3A = arith.constant 0 : i32
    %sign3A_1 = arith.cmpi sgt, %add3A, %sign3A : i32
    %sign3A_2 = arith.extui %sign3A_1 : i1 to i32
    %sign3A_3 = arith.constant 0 : i32
    %sign3A_4 = arith.cmpi slt, %add3A, %sign3A_3 : i32
    %sign3A_5 = arith.extui %sign3A_4 : i1 to i32
    %sign3A_6 = arith.subi %sign3A_2, %sign3A_5 : i32
    %sign3A_7 = arith.constant 0 : i32
    %sign3A_8 = arith.cmpi sgt, %jit3A, %sign3A_7 : i32
    %sign3A_9 = arith.extui %sign3A_8 : i1 to i32
    %sign3A_10 = arith.constant 0 : i32
    %sign3A_11 = arith.cmpi slt, %jit3A, %sign3A_10 : i32
    %sign3A_12 = arith.extui %sign3A_11 : i1 to i32
    %sign3A_13 = arith.subi %sign3A_9, %sign3A_12 : i32
    %ne3A = arith.cmpi ne, %sign3A_6, %sign3A_13 : i32
    %rem3A = arith.remsi %add3A, %jit3A : i32
    %ne3A_14 = arith.constant 0 : i32
    %ne3A_15 = arith.cmpi ne, %rem3A, %ne3A_14 : i32
    %and3A = arith.andi %ne3A, %ne3A_15 : i1
    %sub3A = arith.constant 1 : i32
    %sub3A_16 = arith.subi %div3A, %sub3A : i32
    %select_n3A = arith.select %and3A, %sub3A_16, %div3A : i32
    "tpu.region"() ({
      %run_scoped3A = tpu.sem_alloc : memref<!tpu.dma_semaphore, #tpu.memory_space<semaphore_mem>>
      tpu.enqueue_dma source(%arg2 : memref<28672xi32, #tpu.memory_space<hbm>>) target(%arg6 : memref<28672xi32, #tpu.memory_space<vmem>>) target_semaphore(%run_scoped3A : memref<!tpu.dma_semaphore, #tpu.memory_space<semaphore_mem>>)
      tpu.wait_dma2 semaphore(%run_scoped3A : memref<!tpu.dma_semaphore, #tpu.memory_space<semaphore_mem>>) src(%arg2 : memref<28672xi32, #tpu.memory_space<hbm>>) dst(%arg6 : memref<28672xi32, #tpu.memory_space<vmem>>)
      tpu.yield
    }) : () -> ()
    "tpu.region"() ({
      %run_scoped3A = tpu.sem_alloc : memref<!tpu.dma_semaphore, #tpu.memory_space<semaphore_mem>>
      %dma_start3A = arith.constant 0 : i32
      %dma_start3A_62 = tpu.memref_slice %arg3[%select_n3A, %dma_start3A] : memref<4x512xi32, #tpu.memory_space<hbm>> -> memref<1x512xi32, #tpu.memory_space<hbm>>
      %dma_start3A_63 = tpu.memref_squeeze %dma_start3A_62 : memref<1x512xi32, #tpu.memory_space<hbm>> -> memref<512xi32, #tpu.memory_space<hbm>>
      %dma_start3A_64 = arith.constant 0 : i32
      %dma_start3A_65 = tpu.memref_slice %arg3[%select_n3A, %dma_start3A_64] : memref<4x512xi32, #tpu.memory_space<hbm>> -> memref<1x512xi32, #tpu.memory_space<hbm>>
      %dma_start3A_66 = tpu.memref_squeeze %dma_start3A_65 : memref<1x512xi32, #tpu.memory_space<hbm>> -> memref<512xi32, #tpu.memory_space<hbm>>
      tpu.enqueue_dma source(%dma_start3A_66 : memref<512xi32, #tpu.memory_space<hbm>>) target(%arg7 : memref<512xi32, #tpu.memory_space<vmem>>) target_semaphore(%run_scoped3A : memref<!tpu.dma_semaphore, #tpu.memory_space<semaphore_mem>>)
      %dma_wait3A_67 = arith.constant 0 : i32
      %dma_wait3A_68 = tpu.memref_slice %arg3[%select_n3A, %dma_wait3A_67] : memref<4x512xi32, #tpu.memory_space<hbm>> -> memref<1x512xi32, #tpu.memory_space<hbm>>
      %dma_wait3A_69 = tpu.memref_squeeze %dma_wait3A_68 : memref<1x512xi32, #tpu.memory_space<hbm>> -> memref<512xi32, #tpu.memory_space<hbm>>
      %dma_wait3A_70 = arith.constant 0 : i32
      %dma_wait3A_71 = tpu.memref_slice %arg3[%select_n3A, %dma_wait3A_70] : memref<4x512xi32, #tpu.memory_space<hbm>> -> memref<1x512xi32, #tpu.memory_space<hbm>>
      %dma_wait3A_72 = tpu.memref_squeeze %dma_wait3A_71 : memref<1x512xi32, #tpu.memory_space<hbm>> -> memref<512xi32, #tpu.memory_space<hbm>>
      tpu.wait_dma2 semaphore(%run_scoped3A : memref<!tpu.dma_semaphore, #tpu.memory_space<semaphore_mem>>) src(%dma_wait3A_72 : memref<512xi32, #tpu.memory_space<hbm>>) dst(%arg7 : memref<512xi32, #tpu.memory_space<vmem>>)
      tpu.yield
    }) : () -> ()
    "tpu.region"() ({
      %run_scoped3A = tpu.sem_alloc : memref<!tpu.dma_semaphore, #tpu.memory_space<semaphore_mem>>
      %dma_start3A = arith.constant 0 : i32
      %dma_start3A_62 = tpu.memref_slice %arg4[%select_n3A, %dma_start3A] : memref<4x512xi32, #tpu.memory_space<hbm>> -> memref<1x512xi32, #tpu.memory_space<hbm>>
      %dma_start3A_63 = tpu.memref_squeeze %dma_start3A_62 : memref<1x512xi32, #tpu.memory_space<hbm>> -> memref<512xi32, #tpu.memory_space<hbm>>
      %dma_start3A_64 = arith.constant 0 : i32
      %dma_start3A_65 = tpu.memref_slice %arg4[%select_n3A, %dma_start3A_64] : memref<4x512xi32, #tpu.memory_space<hbm>> -> memref<1x512xi32, #tpu.memory_space<hbm>>
      %dma_start3A_66 = tpu.memref_squeeze %dma_start3A_65 : memref<1x512xi32, #tpu.memory_space<hbm>> -> memref<512xi32, #tpu.memory_space<hbm>>
      tpu.enqueue_dma source(%dma_start3A_66 : memref<512xi32, #tpu.memory_space<hbm>>) target(%arg8 : memref<512xi32, #tpu.memory_space<vmem>>) target_semaphore(%run_scoped3A : memref<!tpu.dma_semaphore, #tpu.memory_space<semaphore_mem>>)
      %dma_wait3A_67 = arith.constant 0 : i32
      %dma_wait3A_68 = tpu.memref_slice %arg4[%select_n3A, %dma_wait3A_67] : memref<4x512xi32, #tpu.memory_space<hbm>> -> memref<1x512xi32, #tpu.memory_space<hbm>>
      %dma_wait3A_69 = tpu.memref_squeeze %dma_wait3A_68 : memref<1x512xi32, #tpu.memory_space<hbm>> -> memref<512xi32, #tpu.memory_space<hbm>>
      %dma_wait3A_70 = arith.constant 0 : i32
      %dma_wait3A_71 = tpu.memref_slice %arg4[%select_n3A, %dma_wait3A_70] : memref<4x512xi32, #tpu.memory_space<hbm>> -> memref<1x512xi32, #tpu.memory_space<hbm>>
      %dma_wait3A_72 = tpu.memref_squeeze %dma_wait3A_71 : memref<1x512xi32, #tpu.memory_space<hbm>> -> memref<512xi32, #tpu.memory_space<hbm>>
      tpu.wait_dma2 semaphore(%run_scoped3A : memref<!tpu.dma_semaphore, #tpu.memory_space<semaphore_mem>>) src(%dma_wait3A_72 : memref<512xi32, #tpu.memory_space<hbm>>) dst(%arg8 : memref<512xi32, #tpu.memory_space<vmem>>)
      tpu.yield
    }) : () -> ()
    %iota3A = tpu.iota {dimensions = array<i32: 0>} : vector<16xi32>
    %scan3A = arith.constant 0 : i32
    %scan3A_17 = arith.constant 0 : i32
    %scan3A_18 = arith.constant 16 : i32
    %scan3A_19 = arith.addi %scan3A_17, %scan3A_18 : i32
    %scan3A_20 = arith.constant 1 : i32
    %scan3A_21 = scf.for %scan3A_62 = %scan3A_17 to %scan3A_19 step %scan3A_20 iter_args(%scan3A_63 = %scan3A) -> (i32)  : i32 {
      %mul3A_64 = arith.constant 4 : i32
      %mul3A_65 = arith.muli %scan3A_62, %mul3A_64 : i32
      %add3A_66 = arith.constant 0 : i32
      %add3A_67 = arith.addi %mul3A_65, %add3A_66 : i32
      %jit3A_68 = arith.constant 8 : i32
      %eq3A = arith.constant 0 : i32
      %eq3A_69 = arith.cmpi eq, %jit3A_68, %eq3A : i32
      %jit3A_70 = arith.constant 1 : i32
      %select_n3A_71 = arith.select %eq3A_69, %jit3A_70, %jit3A_68 : i32
      %rem3A_72 = arith.remsi %add3A, %select_n3A_71 : i32
      %ne3A_73 = arith.constant 0 : i32
      %ne3A_74 = arith.cmpi ne, %rem3A_72, %ne3A_73 : i32
      %lt3A = arith.constant 0 : i32
      %lt3A_75 = arith.cmpi slt, %rem3A_72, %lt3A : i32
      %lt3A_76 = arith.constant 0 : i32
      %lt3A_77 = arith.cmpi slt, %select_n3A_71, %lt3A_76 : i32
      %ne3A_78 = arith.xori %lt3A_75, %lt3A_77 : i1
      %and3A_79 = arith.andi %ne3A_78, %ne3A_74 : i1
      %add3A_80 = arith.addi %rem3A_72, %select_n3A_71 : i32
      %select_n3A_81 = arith.select %and3A_79, %add3A_80, %rem3A_72 : i32
      %mul3A_82 = arith.constant 64 : i32
      %mul3A_83 = arith.muli %select_n3A_81, %mul3A_82 : i32
      %add3A_84 = arith.addi %mul3A_83, %add3A_67 : i32
      %gt3A = arith.constant 0 : i32
      %gt3A_85 = arith.cmpi sgt, %scan3A_62, %gt3A : i32
      %convert_element_type3A = arith.extui %gt3A_85 : i1 to i32
      %cond3A = arith.constant 0 : i32
      %cond3A_86 = arith.cmpi ne, %convert_element_type3A, %cond3A : i32
      scf.if %cond3A_86 {
        %dma_wait3A_288 = arith.constant 0 : i32
        %dma_wait3A_289 = arith.constant 0 : i32
        %dma_wait3A_290 = arith.constant 0 : i32
        %dma_wait3A_291 = arith.constant 0 : i32
        %dma_wait3A_292 = tpu.memref_slice %arg5[%dma_wait3A_288, %dma_wait3A_290, %dma_wait3A_289, %dma_wait3A_291] : memref<4x12x512x512xf32, #tpu.memory_space<hbm>> -> memref<1x12x1x512xf32, #tpu.memory_space<hbm>>
        %dma_wait3A_293 = tpu.memref_squeeze %dma_wait3A_292 : memref<1x12x1x512xf32, #tpu.memory_space<hbm>> -> memref<12x512xf32, #tpu.memory_space<hbm>>
        %dma_wait3A_294 = arith.constant 0 : i32
        %dma_wait3A_295 = arith.constant 0 : i32
        %dma_wait3A_296 = tpu.memref_slice %arg5[%dma_wait3A_288, %dma_wait3A_294, %dma_wait3A_289, %dma_wait3A_295] : memref<4x12x512x512xf32, #tpu.memory_space<hbm>> -> memref<1x12x1x512xf32, #tpu.memory_space<hbm>>
        %dma_wait3A_297 = tpu.memref_squeeze %dma_wait3A_296 : memref<1x12x1x512xf32, #tpu.memory_space<hbm>> -> memref<12x512xf32, #tpu.memory_space<hbm>>
        tpu.wait_dma2 semaphore(%arg13 : memref<!tpu.dma_semaphore, #tpu.memory_space<semaphore_mem>>) src(%arg9 : memref<12x512xf32, #tpu.memory_space<vmem>>) dst(%dma_wait3A_297 : memref<12x512xf32, #tpu.memory_space<hbm>>)
      } else {
      }
      %broadcast_in_dim3A = vector.broadcast %add3A_84 : i32 to vector<16xi32>
      %gather3A = tpu.vector_load_idx %arg7[%broadcast_in_dim3A] : memref<512xi32, #tpu.memory_space<vmem>>[vector<16xi32>], vector<16xi32>,
      %broadcast_in_dim3A_87 = vector.broadcast %add3A_84 : i32 to vector<16xi32>
      %gather3A_88 = tpu.vector_load_idx %arg8[%broadcast_in_dim3A_87] : memref<512xi32, #tpu.memory_space<vmem>>[vector<16xi32>], vector<16xi32>,
      %add3A_89 = arith.constant 512 : i32
      %add3A_90 = vector.broadcast %add3A_89 : i32 to vector<16xi32>
      %add3A_91 = arith.addi %gather3A, %add3A_90 : vector<16xi32>
      %mul3A_92 = arith.constant 7 : i32
      %mul3A_93 = vector.broadcast %mul3A_92 : i32 to vector<16xi32>
      %mul3A_94 = arith.muli %add3A_91, %mul3A_93 : vector<16xi32>
      %add3A_95 = arith.constant 512 : i32
      %add3A_96 = vector.broadcast %add3A_95 : i32 to vector<16xi32>
      %add3A_97 = arith.addi %gather3A_88, %add3A_96 : vector<16xi32>
      %mul3A_98 = arith.constant 7 : i32
      %mul3A_99 = vector.broadcast %mul3A_98 : i32 to vector<16xi32>
      %mul3A_100 = arith.muli %add3A_97, %mul3A_99 : vector<16xi32>
      %add3A_101 = arith.constant 14336 : i32
      %add3A_102 = vector.broadcast %add3A_101 : i32 to vector<16xi32>
      %add3A_103 = arith.addi %mul3A_100, %add3A_102 : vector<16xi32>
      %parallel_loop3A = arith.constant 0 : i32
      %parallel_loop3A_104 = arith.constant 512 : i32
      %parallel_loop3A_105 = arith.constant 16 : i32
      scf.for %parallel_loop3A_288 = %parallel_loop3A to %parallel_loop3A_104 step %parallel_loop3A_105  : i32 {
        %parallel_loop3A_289 = vector.broadcast %parallel_loop3A_288 : i32 to vector<16xi32>
        %parallel_loop3A_290 = arith.addi %parallel_loop3A_289, %iota3A : vector<16xi32>
        %parallel_loop3A_291 = tpu.vector_load_idx %arg7[%parallel_loop3A_290] : memref<512xi32, #tpu.memory_space<vmem>>[vector<16xi32>], vector<16xi32>,
        %parallel_loop3A_292 = tpu.vector_load_idx %arg8[%parallel_loop3A_290] : memref<512xi32, #tpu.memory_space<vmem>>[vector<16xi32>], vector<16xi32>,
        %parallel_loop3A_293 = arith.constant 7 : i32
        %parallel_loop3A_294 = vector.broadcast %parallel_loop3A_293 : i32 to vector<16xi32>
        %parallel_loop3A_295 = arith.muli %parallel_loop3A_291, %parallel_loop3A_294 : vector<16xi32>
        %parallel_loop3A_296 = arith.constant 7 : i32
        %parallel_loop3A_297 = vector.broadcast %parallel_loop3A_296 : i32 to vector<16xi32>
        %parallel_loop3A_298 = arith.muli %parallel_loop3A_292, %parallel_loop3A_297 : vector<16xi32>
        %parallel_loop3A_299 = arith.constant 7168 : i32
        %parallel_loop3A_300 = vector.broadcast %parallel_loop3A_299 : i32 to vector<16xi32>
        %parallel_loop3A_301 = arith.subi %parallel_loop3A_298, %parallel_loop3A_300 : vector<16xi32>
        %parallel_loop3A_302 = arith.subi %mul3A_94, %parallel_loop3A_295 : vector<16xi32>
        %parallel_loop3A_303 = arith.subi %mul3A_94, %parallel_loop3A_301 : vector<16xi32>
        %parallel_loop3A_304 = arith.subi %add3A_103, %parallel_loop3A_295 : vector<16xi32>
        %parallel_loop3A_305 = arith.subi %add3A_103, %parallel_loop3A_301 : vector<16xi32>
        %parallel_loop3A_306 = arith.constant 0 : i32
        %parallel_loop3A_307 = vector.broadcast %parallel_loop3A_306 : i32 to vector<16xi32>
        %parallel_loop3A_308 = arith.addi %parallel_loop3A_302, %parallel_loop3A_307 : vector<16xi32>
        %parallel_loop3A_309 = tpu.vector_load_idx %arg6[%parallel_loop3A_308] : memref<28672xi32, #tpu.memory_space<vmem>>[vector<16xi32>], vector<16xi32>,
        %parallel_loop3A_310 = vector.bitcast %parallel_loop3A_309 : vector<16xi32> to vector<32xbf16>
        %parallel_loop3A_311 = arith.constant 0 : i32
        %parallel_loop3A_312 = vector.broadcast %parallel_loop3A_311 : i32 to vector<16xi32>
        %parallel_loop3A_313 = arith.addi %parallel_loop3A_303, %parallel_loop3A_312 : vector<16xi32>
        %parallel_loop3A_314 = tpu.vector_load_idx %arg6[%parallel_loop3A_313] : memref<28672xi32, #tpu.memory_space<vmem>>[vector<16xi32>], vector<16xi32>,
        %parallel_loop3A_315 = vector.bitcast %parallel_loop3A_314 : vector<16xi32> to vector<32xbf16>
        %parallel_loop3A_316 = arith.constant 0 : i32
        %parallel_loop3A_317 = vector.broadcast %parallel_loop3A_316 : i32 to vector<16xi32>
        %parallel_loop3A_318 = arith.addi %parallel_loop3A_304, %parallel_loop3A_317 : vector<16xi32>
        %parallel_loop3A_319 = tpu.vector_load_idx %arg6[%parallel_loop3A_318] : memref<28672xi32, #tpu.memory_space<vmem>>[vector<16xi32>], vector<16xi32>,
        %parallel_loop3A_320 = vector.bitcast %parallel_loop3A_319 : vector<16xi32> to vector<32xbf16>
        %parallel_loop3A_321 = arith.constant 0 : i32
        %parallel_loop3A_322 = vector.broadcast %parallel_loop3A_321 : i32 to vector<16xi32>
        %parallel_loop3A_323 = arith.addi %parallel_loop3A_305, %parallel_loop3A_322 : vector<16xi32>
        %parallel_loop3A_324 = tpu.vector_load_idx %arg6[%parallel_loop3A_323] : memref<28672xi32, #tpu.memory_space<vmem>>[vector<16xi32>], vector<16xi32>,
        %parallel_loop3A_325 = vector.bitcast %parallel_loop3A_324 : vector<16xi32> to vector<32xbf16>
        %parallel_loop3A_326 = arith.addf %parallel_loop3A_310, %parallel_loop3A_315 : vector<32xbf16>
        %parallel_loop3A_327 = arith.addf %parallel_loop3A_320, %parallel_loop3A_325 : vector<32xbf16>
        %parallel_loop3A_328 = arith.addf %parallel_loop3A_326, %parallel_loop3A_327 : vector<32xbf16>
        %parallel_loop3A_329 = arith.constant 0.000000e+00 : bf16
        %parallel_loop3A_330 = vector.broadcast %parallel_loop3A_329 : bf16 to vector<32xbf16>
        %parallel_loop3A_331 = arith.maximumf %parallel_loop3A_328, %parallel_loop3A_330 : vector<32xbf16>
        %parallel_loop3A_332 = tpu.unpack_subelements %parallel_loop3A_331, 0 {pack_format = #tpu.pack_format<interleaved>} : vector<32xbf16> -> vector<16xf32>
        %parallel_loop3A_333 = tpu.unpack_subelements %parallel_loop3A_331, 1 {pack_format = #tpu.pack_format<interleaved>} : vector<32xbf16> -> vector<16xf32>
        %parallel_loop3A_334 = arith.constant 0 : i32
        %parallel_loop3A_335 = vector.broadcast %parallel_loop3A_334 : i32 to vector<16xi32>
        tpu.vector_store_idx %arg9[%parallel_loop3A_335, %parallel_loop3A_290], %parallel_loop3A_332 : memref<12x512xf32, #tpu.memory_space<vmem>>[vector<16xi32>, vector<16xi32>], vector<16xf32>,
        %parallel_loop3A_336 = arith.constant 1 : i32
        %parallel_loop3A_337 = vector.broadcast %parallel_loop3A_336 : i32 to vector<16xi32>
        tpu.vector_store_idx %arg9[%parallel_loop3A_337, %parallel_loop3A_290], %parallel_loop3A_333 : memref<12x512xf32, #tpu.memory_space<vmem>>[vector<16xi32>, vector<16xi32>], vector<16xf32>,
        %parallel_loop3A_338 = arith.constant 1 : i32
        %parallel_loop3A_339 = vector.broadcast %parallel_loop3A_338 : i32 to vector<16xi32>
        %parallel_loop3A_340 = arith.addi %parallel_loop3A_302, %parallel_loop3A_339 : vector<16xi32>
        %parallel_loop3A_341 = tpu.vector_load_idx %arg6[%parallel_loop3A_340] : memref<28672xi32, #tpu.memory_space<vmem>>[vector<16xi32>], vector<16xi32>,
        %parallel_loop3A_342 = vector.bitcast %parallel_loop3A_341 : vector<16xi32> to vector<32xbf16>
        %parallel_loop3A_343 = arith.constant 1 : i32
        %parallel_loop3A_344 = vector.broadcast %parallel_loop3A_343 : i32 to vector<16xi32>
        %parallel_loop3A_345 = arith.addi %parallel_loop3A_303, %parallel_loop3A_344 : vector<16xi32>
        %parallel_loop3A_346 = tpu.vector_load_idx %arg6[%parallel_loop3A_345] : memref<28672xi32, #tpu.memory_space<vmem>>[vector<16xi32>], vector<16xi32>,
        %parallel_loop3A_347 = vector.bitcast %parallel_loop3A_346 : vector<16xi32> to vector<32xbf16>
        %parallel_loop3A_348 = arith.constant 1 : i32
        %parallel_loop3A_349 = vector.broadcast %parallel_loop3A_348 : i32 to vector<16xi32>
        %parallel_loop3A_350 = arith.addi %parallel_loop3A_304, %parallel_loop3A_349 : vector<16xi32>
        %parallel_loop3A_351 = tpu.vector_load_idx %arg6[%parallel_loop3A_350] : memref<28672xi32, #tpu.memory_space<vmem>>[vector<16xi32>], vector<16xi32>,
        %parallel_loop3A_352 = vector.bitcast %parallel_loop3A_351 : vector<16xi32> to vector<32xbf16>
        %parallel_loop3A_353 = arith.constant 1 : i32
        %parallel_loop3A_354 = vector.broadcast %parallel_loop3A_353 : i32 to vector<16xi32>
        %parallel_loop3A_355 = arith.addi %parallel_loop3A_305, %parallel_loop3A_354 : vector<16xi32>
        %parallel_loop3A_356 = tpu.vector_load_idx %arg6[%parallel_loop3A_355] : memref<28672xi32, #tpu.memory_space<vmem>>[vector<16xi32>], vector<16xi32>,
        %parallel_loop3A_357 = vector.bitcast %parallel_loop3A_356 : vector<16xi32> to vector<32xbf16>
        %parallel_loop3A_358 = arith.addf %parallel_loop3A_342, %parallel_loop3A_347 : vector<32xbf16>
        %parallel_loop3A_359 = arith.addf %parallel_loop3A_352, %parallel_loop3A_357 : vector<32xbf16>
        %parallel_loop3A_360 = arith.addf %parallel_loop3A_358, %parallel_loop3A_359 : vector<32xbf16>
        %parallel_loop3A_361 = arith.constant 0.000000e+00 : bf16
        %parallel_loop3A_362 = vector.broadcast %parallel_loop3A_361 : bf16 to vector<32xbf16>
        %parallel_loop3A_363 = arith.maximumf %parallel_loop3A_360, %parallel_loop3A_362 : vector<32xbf16>
        %parallel_loop3A_364 = tpu.unpack_subelements %parallel_loop3A_363, 0 {pack_format = #tpu.pack_format<interleaved>} : vector<32xbf16> -> vector<16xf32>
        %parallel_loop3A_365 = tpu.unpack_subelements %parallel_loop3A_363, 1 {pack_format = #tpu.pack_format<interleaved>} : vector<32xbf16> -> vector<16xf32>
        %parallel_loop3A_366 = arith.constant 2 : i32
        %parallel_loop3A_367 = vector.broadcast %parallel_loop3A_366 : i32 to vector<16xi32>
        tpu.vector_store_idx %arg9[%parallel_loop3A_367, %parallel_loop3A_290], %parallel_loop3A_364 : memref<12x512xf32, #tpu.memory_space<vmem>>[vector<16xi32>, vector<16xi32>], vector<16xf32>,
        %parallel_loop3A_368 = arith.constant 3 : i32
        %parallel_loop3A_369 = vector.broadcast %parallel_loop3A_368 : i32 to vector<16xi32>
        tpu.vector_store_idx %arg9[%parallel_loop3A_369, %parallel_loop3A_290], %parallel_loop3A_365 : memref<12x512xf32, #tpu.memory_space<vmem>>[vector<16xi32>, vector<16xi32>], vector<16xf32>,
        %parallel_loop3A_370 = arith.constant 2 : i32
        %parallel_loop3A_371 = vector.broadcast %parallel_loop3A_370 : i32 to vector<16xi32>
        %parallel_loop3A_372 = arith.addi %parallel_loop3A_302, %parallel_loop3A_371 : vector<16xi32>
        %parallel_loop3A_373 = tpu.vector_load_idx %arg6[%parallel_loop3A_372] : memref<28672xi32, #tpu.memory_space<vmem>>[vector<16xi32>], vector<16xi32>,
        %parallel_loop3A_374 = vector.bitcast %parallel_loop3A_373 : vector<16xi32> to vector<32xbf16>
        %parallel_loop3A_375 = arith.constant 2 : i32
        %parallel_loop3A_376 = vector.broadcast %parallel_loop3A_375 : i32 to vector<16xi32>
        %parallel_loop3A_377 = arith.addi %parallel_loop3A_303, %parallel_loop3A_376 : vector<16xi32>
        %parallel_loop3A_378 = tpu.vector_load_idx %arg6[%parallel_loop3A_377] : memref<28672xi32, #tpu.memory_space<vmem>>[vector<16xi32>], vector<16xi32>,
        %parallel_loop3A_379 = vector.bitcast %parallel_loop3A_378 : vector<16xi32> to vector<32xbf16>
        %parallel_loop3A_380 = arith.constant 2 : i32
        %parallel_loop3A_381 = vector.broadcast %parallel_loop3A_380 : i32 to vector<16xi32>
        %parallel_loop3A_382 = arith.addi %parallel_loop3A_304, %parallel_loop3A_381 : vector<16xi32>
        %parallel_loop3A_383 = tpu.vector_load_idx %arg6[%parallel_loop3A_382] : memref<28672xi32, #tpu.memory_space<vmem>>[vector<16xi32>], vector<16xi32>,
        %parallel_loop3A_384 = vector.bitcast %parallel_loop3A_383 : vector<16xi32> to vector<32xbf16>
        %parallel_loop3A_385 = arith.constant 2 : i32
        %parallel_loop3A_386 = vector.broadcast %parallel_loop3A_385 : i32 to vector<16xi32>
        %parallel_loop3A_387 = arith.addi %parallel_loop3A_305, %parallel_loop3A_386 : vector<16xi32>
        %parallel_loop3A_388 = tpu.vector_load_idx %arg6[%parallel_loop3A_387] : memref<28672xi32, #tpu.memory_space<vmem>>[vector<16xi32>], vector<16xi32>,
        %parallel_loop3A_389 = vector.bitcast %parallel_loop3A_388 : vector<16xi32> to vector<32xbf16>
        %parallel_loop3A_390 = arith.addf %parallel_loop3A_374, %parallel_loop3A_379 : vector<32xbf16>
        %parallel_loop3A_391 = arith.addf %parallel_loop3A_384, %parallel_loop3A_389 : vector<32xbf16>
        %parallel_loop3A_392 = arith.addf %parallel_loop3A_390, %parallel_loop3A_391 : vector<32xbf16>
        %parallel_loop3A_393 = arith.constant 0.000000e+00 : bf16
        %parallel_loop3A_394 = vector.broadcast %parallel_loop3A_393 : bf16 to vector<32xbf16>
        %parallel_loop3A_395 = arith.maximumf %parallel_loop3A_392, %parallel_loop3A_394 : vector<32xbf16>
        %parallel_loop3A_396 = tpu.unpack_subelements %parallel_loop3A_395, 0 {pack_format = #tpu.pack_format<interleaved>} : vector<32xbf16> -> vector<16xf32>
        %parallel_loop3A_397 = tpu.unpack_subelements %parallel_loop3A_395, 1 {pack_format = #tpu.pack_format<interleaved>} : vector<32xbf16> -> vector<16xf32>
        %parallel_loop3A_398 = arith.constant 4 : i32
        %parallel_loop3A_399 = vector.broadcast %parallel_loop3A_398 : i32 to vector<16xi32>
        tpu.vector_store_idx %arg9[%parallel_loop3A_399, %parallel_loop3A_290], %parallel_loop3A_396 : memref<12x512xf32, #tpu.memory_space<vmem>>[vector<16xi32>, vector<16xi32>], vector<16xf32>,
        %parallel_loop3A_400 = arith.constant 5 : i32
        %parallel_loop3A_401 = vector.broadcast %parallel_loop3A_400 : i32 to vector<16xi32>
        tpu.vector_store_idx %arg9[%parallel_loop3A_401, %parallel_loop3A_290], %parallel_loop3A_397 : memref<12x512xf32, #tpu.memory_space<vmem>>[vector<16xi32>, vector<16xi32>], vector<16xf32>,
        %parallel_loop3A_402 = arith.constant 3 : i32
        %parallel_loop3A_403 = vector.broadcast %parallel_loop3A_402 : i32 to vector<16xi32>
        %parallel_loop3A_404 = arith.addi %parallel_loop3A_302, %parallel_loop3A_403 : vector<16xi32>
        %parallel_loop3A_405 = tpu.vector_load_idx %arg6[%parallel_loop3A_404] : memref<28672xi32, #tpu.memory_space<vmem>>[vector<16xi32>], vector<16xi32>,
        %parallel_loop3A_406 = vector.bitcast %parallel_loop3A_405 : vector<16xi32> to vector<32xbf16>
        %parallel_loop3A_407 = arith.constant 3 : i32
        %parallel_loop3A_408 = vector.broadcast %parallel_loop3A_407 : i32 to vector<16xi32>
        %parallel_loop3A_409 = arith.addi %parallel_loop3A_303, %parallel_loop3A_408 : vector<16xi32>
        %parallel_loop3A_410 = tpu.vector_load_idx %arg6[%parallel_loop3A_409] : memref<28672xi32, #tpu.memory_space<vmem>>[vector<16xi32>], vector<16xi32>,
        %parallel_loop3A_411 = vector.bitcast %parallel_loop3A_410 : vector<16xi32> to vector<32xbf16>
        %parallel_loop3A_412 = arith.constant 3 : i32
        %parallel_loop3A_413 = vector.broadcast %parallel_loop3A_412 : i32 to vector<16xi32>
        %parallel_loop3A_414 = arith.addi %parallel_loop3A_304, %parallel_loop3A_413 : vector<16xi32>
        %parallel_loop3A_415 = tpu.vector_load_idx %arg6[%parallel_loop3A_414] : memref<28672xi32, #tpu.memory_space<vmem>>[vector<16xi32>], vector<16xi32>,
        %parallel_loop3A_416 = vector.bitcast %parallel_loop3A_415 : vector<16xi32> to vector<32xbf16>
        %parallel_loop3A_417 = arith.constant 3 : i32
        %parallel_loop3A_418 = vector.broadcast %parallel_loop3A_417 : i32 to vector<16xi32>
        %parallel_loop3A_419 = arith.addi %parallel_loop3A_305, %parallel_loop3A_418 : vector<16xi32>
        %parallel_loop3A_420 = tpu.vector_load_idx %arg6[%parallel_loop3A_419] : memref<28672xi32, #tpu.memory_space<vmem>>[vector<16xi32>], vector<16xi32>,
        %parallel_loop3A_421 = vector.bitcast %parallel_loop3A_420 : vector<16xi32> to vector<32xbf16>
        %parallel_loop3A_422 = arith.addf %parallel_loop3A_406, %parallel_loop3A_411 : vector<32xbf16>
        %parallel_loop3A_423 = arith.addf %parallel_loop3A_416, %parallel_loop3A_421 : vector<32xbf16>
        %parallel_loop3A_424 = arith.addf %parallel_loop3A_422, %parallel_loop3A_423 : vector<32xbf16>
        %parallel_loop3A_425 = arith.constant 0.000000e+00 : bf16
        %parallel_loop3A_426 = vector.broadcast %parallel_loop3A_425 : bf16 to vector<32xbf16>
        %parallel_loop3A_427 = arith.maximumf %parallel_loop3A_424, %parallel_loop3A_426 : vector<32xbf16>
        %parallel_loop3A_428 = tpu.unpack_subelements %parallel_loop3A_427, 0 {pack_format = #tpu.pack_format<interleaved>} : vector<32xbf16> -> vector<16xf32>
        %parallel_loop3A_429 = tpu.unpack_subelements %parallel_loop3A_427, 1 {pack_format = #tpu.pack_format<interleaved>} : vector<32xbf16> -> vector<16xf32>
        %parallel_loop3A_430 = arith.constant 6 : i32
        %parallel_loop3A_431 = vector.broadcast %parallel_loop3A_430 : i32 to vector<16xi32>
        tpu.vector_store_idx %arg9[%parallel_loop3A_431, %parallel_loop3A_290], %parallel_loop3A_428 : memref<12x512xf32, #tpu.memory_space<vmem>>[vector<16xi32>, vector<16xi32>], vector<16xf32>,
        %parallel_loop3A_432 = arith.constant 7 : i32
        %parallel_loop3A_433 = vector.broadcast %parallel_loop3A_432 : i32 to vector<16xi32>
        tpu.vector_store_idx %arg9[%parallel_loop3A_433, %parallel_loop3A_290], %parallel_loop3A_429 : memref<12x512xf32, #tpu.memory_space<vmem>>[vector<16xi32>, vector<16xi32>], vector<16xf32>,
        %parallel_loop3A_434 = arith.constant 4 : i32
        %parallel_loop3A_435 = vector.broadcast %parallel_loop3A_434 : i32 to vector<16xi32>
        %parallel_loop3A_436 = arith.addi %parallel_loop3A_302, %parallel_loop3A_435 : vector<16xi32>
        %parallel_loop3A_437 = tpu.vector_load_idx %arg6[%parallel_loop3A_436] : memref<28672xi32, #tpu.memory_space<vmem>>[vector<16xi32>], vector<16xi32>,
        %parallel_loop3A_438 = vector.bitcast %parallel_loop3A_437 : vector<16xi32> to vector<32xbf16>
        %parallel_loop3A_439 = arith.constant 4 : i32
        %parallel_loop3A_440 = vector.broadcast %parallel_loop3A_439 : i32 to vector<16xi32>
        %parallel_loop3A_441 = arith.addi %parallel_loop3A_303, %parallel_loop3A_440 : vector<16xi32>
        %parallel_loop3A_442 = tpu.vector_load_idx %arg6[%parallel_loop3A_441] : memref<28672xi32, #tpu.memory_space<vmem>>[vector<16xi32>], vector<16xi32>,
        %parallel_loop3A_443 = vector.bitcast %parallel_loop3A_442 : vector<16xi32> to vector<32xbf16>
        %parallel_loop3A_444 = arith.constant 4 : i32
        %parallel_loop3A_445 = vector.broadcast %parallel_loop3A_444 : i32 to vector<16xi32>
        %parallel_loop3A_446 = arith.addi %parallel_loop3A_304, %parallel_loop3A_445 : vector<16xi32>
        %parallel_loop3A_447 = tpu.vector_load_idx %arg6[%parallel_loop3A_446] : memref<28672xi32, #tpu.memory_space<vmem>>[vector<16xi32>], vector<16xi32>,
        %parallel_loop3A_448 = vector.bitcast %parallel_loop3A_447 : vector<16xi32> to vector<32xbf16>
        %parallel_loop3A_449 = arith.constant 4 : i32
        %parallel_loop3A_450 = vector.broadcast %parallel_loop3A_449 : i32 to vector<16xi32>
        %parallel_loop3A_451 = arith.addi %parallel_loop3A_305, %parallel_loop3A_450 : vector<16xi32>
        %parallel_loop3A_452 = tpu.vector_load_idx %arg6[%parallel_loop3A_451] : memref<28672xi32, #tpu.memory_space<vmem>>[vector<16xi32>], vector<16xi32>,
        %parallel_loop3A_453 = vector.bitcast %parallel_loop3A_452 : vector<16xi32> to vector<32xbf16>
        %parallel_loop3A_454 = arith.addf %parallel_loop3A_438, %parallel_loop3A_443 : vector<32xbf16>
        %parallel_loop3A_455 = arith.addf %parallel_loop3A_448, %parallel_loop3A_453 : vector<32xbf16>
        %parallel_loop3A_456 = arith.addf %parallel_loop3A_454, %parallel_loop3A_455 : vector<32xbf16>
        %parallel_loop3A_457 = arith.constant 0.000000e+00 : bf16
        %parallel_loop3A_458 = vector.broadcast %parallel_loop3A_457 : bf16 to vector<32xbf16>
        %parallel_loop3A_459 = arith.maximumf %parallel_loop3A_456, %parallel_loop3A_458 : vector<32xbf16>
        %parallel_loop3A_460 = tpu.unpack_subelements %parallel_loop3A_459, 0 {pack_format = #tpu.pack_format<interleaved>} : vector<32xbf16> -> vector<16xf32>
        %parallel_loop3A_461 = tpu.unpack_subelements %parallel_loop3A_459, 1 {pack_format = #tpu.pack_format<interleaved>} : vector<32xbf16> -> vector<16xf32>
        %parallel_loop3A_462 = arith.constant 8 : i32
        %parallel_loop3A_463 = vector.broadcast %parallel_loop3A_462 : i32 to vector<16xi32>
        tpu.vector_store_idx %arg9[%parallel_loop3A_463, %parallel_loop3A_290], %parallel_loop3A_460 : memref<12x512xf32, #tpu.memory_space<vmem>>[vector<16xi32>, vector<16xi32>], vector<16xf32>,
        %parallel_loop3A_464 = arith.constant 9 : i32
        %parallel_loop3A_465 = vector.broadcast %parallel_loop3A_464 : i32 to vector<16xi32>
        tpu.vector_store_idx %arg9[%parallel_loop3A_465, %parallel_loop3A_290], %parallel_loop3A_461 : memref<12x512xf32, #tpu.memory_space<vmem>>[vector<16xi32>, vector<16xi32>], vector<16xf32>,
        %parallel_loop3A_466 = arith.constant 5 : i32
        %parallel_loop3A_467 = vector.broadcast %parallel_loop3A_466 : i32 to vector<16xi32>
        %parallel_loop3A_468 = arith.addi %parallel_loop3A_302, %parallel_loop3A_467 : vector<16xi32>
        %parallel_loop3A_469 = tpu.vector_load_idx %arg6[%parallel_loop3A_468] : memref<28672xi32, #tpu.memory_space<vmem>>[vector<16xi32>], vector<16xi32>,
        %parallel_loop3A_470 = vector.bitcast %parallel_loop3A_469 : vector<16xi32> to vector<32xbf16>
        %parallel_loop3A_471 = arith.constant 5 : i32
        %parallel_loop3A_472 = vector.broadcast %parallel_loop3A_471 : i32 to vector<16xi32>
        %parallel_loop3A_473 = arith.addi %parallel_loop3A_303, %parallel_loop3A_472 : vector<16xi32>
        %parallel_loop3A_474 = tpu.vector_load_idx %arg6[%parallel_loop3A_473] : memref<28672xi32, #tpu.memory_space<vmem>>[vector<16xi32>], vector<16xi32>,
        %parallel_loop3A_475 = vector.bitcast %parallel_loop3A_474 : vector<16xi32> to vector<32xbf16>
        %parallel_loop3A_476 = arith.constant 5 : i32
        %parallel_loop3A_477 = vector.broadcast %parallel_loop3A_476 : i32 to vector<16xi32>
        %parallel_loop3A_478 = arith.addi %parallel_loop3A_304, %parallel_loop3A_477 : vector<16xi32>
        %parallel_loop3A_479 = tpu.vector_load_idx %arg6[%parallel_loop3A_478] : memref<28672xi32, #tpu.memory_space<vmem>>[vector<16xi32>], vector<16xi32>,
        %parallel_loop3A_480 = vector.bitcast %parallel_loop3A_479 : vector<16xi32> to vector<32xbf16>
        %parallel_loop3A_481 = arith.constant 5 : i32
        %parallel_loop3A_482 = vector.broadcast %parallel_loop3A_481 : i32 to vector<16xi32>
        %parallel_loop3A_483 = arith.addi %parallel_loop3A_305, %parallel_loop3A_482 : vector<16xi32>
        %parallel_loop3A_484 = tpu.vector_load_idx %arg6[%parallel_loop3A_483] : memref<28672xi32, #tpu.memory_space<vmem>>[vector<16xi32>], vector<16xi32>,
        %parallel_loop3A_485 = vector.bitcast %parallel_loop3A_484 : vector<16xi32> to vector<32xbf16>
        %parallel_loop3A_486 = arith.addf %parallel_loop3A_470, %parallel_loop3A_475 : vector<32xbf16>
        %parallel_loop3A_487 = arith.addf %parallel_loop3A_480, %parallel_loop3A_485 : vector<32xbf16>
        %parallel_loop3A_488 = arith.addf %parallel_loop3A_486, %parallel_loop3A_487 : vector<32xbf16>
        %parallel_loop3A_489 = arith.constant 0.000000e+00 : bf16
        %parallel_loop3A_490 = vector.broadcast %parallel_loop3A_489 : bf16 to vector<32xbf16>
        %parallel_loop3A_491 = arith.maximumf %parallel_loop3A_488, %parallel_loop3A_490 : vector<32xbf16>
        %parallel_loop3A_492 = tpu.unpack_subelements %parallel_loop3A_491, 0 {pack_format = #tpu.pack_format<interleaved>} : vector<32xbf16> -> vector<16xf32>
        %parallel_loop3A_493 = tpu.unpack_subelements %parallel_loop3A_491, 1 {pack_format = #tpu.pack_format<interleaved>} : vector<32xbf16> -> vector<16xf32>
        %parallel_loop3A_494 = arith.constant 10 : i32
        %parallel_loop3A_495 = vector.broadcast %parallel_loop3A_494 : i32 to vector<16xi32>
        tpu.vector_store_idx %arg9[%parallel_loop3A_495, %parallel_loop3A_290], %parallel_loop3A_492 : memref<12x512xf32, #tpu.memory_space<vmem>>[vector<16xi32>, vector<16xi32>], vector<16xf32>,
        %parallel_loop3A_496 = arith.constant 11 : i32
        %parallel_loop3A_497 = vector.broadcast %parallel_loop3A_496 : i32 to vector<16xi32>
        tpu.vector_store_idx %arg9[%parallel_loop3A_497, %parallel_loop3A_290], %parallel_loop3A_493 : memref<12x512xf32, #tpu.memory_space<vmem>>[vector<16xi32>, vector<16xi32>], vector<16xf32>,
      } {sc.loop_unroll_factor = 2 : i64, sc.parallel_access}
      %dma_start3A = arith.constant 0 : i32
      %dma_start3A_106 = arith.constant 0 : i32
      %dma_start3A_107 = tpu.memref_slice %arg5[%select_n3A, %dma_start3A, %add3A_84, %dma_start3A_106] : memref<4x12x512x512xf32, #tpu.memory_space<hbm>> -> memref<1x12x1x512xf32, #tpu.memory_space<hbm>>
      %dma_start3A_108 = tpu.memref_squeeze %dma_start3A_107 : memref<1x12x1x512xf32, #tpu.memory_space<hbm>> -> memref<12x512xf32, #tpu.memory_space<hbm>>
      %dma_start3A_109 = arith.constant 0 : i32
      %dma_start3A_110 = arith.constant 0 : i32
      %dma_start3A_111 = tpu.memref_slice %arg5[%select_n3A, %dma_start3A_109, %add3A_84, %dma_start3A_110] : memref<4x12x512x512xf32, #tpu.memory_space<hbm>> -> memref<1x12x1x512xf32, #tpu.memory_space<hbm>>
      %dma_start3A_112 = tpu.memref_squeeze %dma_start3A_111 : memref<1x12x1x512xf32, #tpu.memory_space<hbm>> -> memref<12x512xf32, #tpu.memory_space<hbm>>
      tpu.enqueue_dma source(%arg9 : memref<12x512xf32, #tpu.memory_space<vmem>>) target(%dma_start3A_112 : memref<12x512xf32, #tpu.memory_space<hbm>>) target_semaphore(%arg13 : memref<!tpu.dma_semaphore, #tpu.memory_space<semaphore_mem>>)
      %mul3A_113 = arith.constant 4 : i32
      %mul3A_114 = arith.muli %scan3A_62, %mul3A_113 : i32
      %add3A_115 = arith.constant 1 : i32
      %add3A_116 = arith.addi %mul3A_114, %add3A_115 : i32
      %jit3A_117 = arith.constant 8 : i32
      %eq3A_118 = arith.constant 0 : i32
      %eq3A_119 = arith.cmpi eq, %jit3A_117, %eq3A_118 : i32
      %jit3A_120 = arith.constant 1 : i32
      %select_n3A_121 = arith.select %eq3A_119, %jit3A_120, %jit3A_117 : i32
      %rem3A_122 = arith.remsi %add3A, %select_n3A_121 : i32
      %ne3A_123 = arith.constant 0 : i32
      %ne3A_124 = arith.cmpi ne, %rem3A_122, %ne3A_123 : i32
      %lt3A_125 = arith.constant 0 : i32
      %lt3A_126 = arith.cmpi slt, %rem3A_122, %lt3A_125 : i32
      %lt3A_127 = arith.constant 0 : i32
      %lt3A_128 = arith.cmpi slt, %select_n3A_121, %lt3A_127 : i32
      %ne3A_129 = arith.xori %lt3A_126, %lt3A_128 : i1
      %and3A_130 = arith.andi %ne3A_129, %ne3A_124 : i1
      %add3A_131 = arith.addi %rem3A_122, %select_n3A_121 : i32
      %select_n3A_132 = arith.select %and3A_130, %add3A_131, %rem3A_122 : i32
      %mul3A_133 = arith.constant 64 : i32
      %mul3A_134 = arith.muli %select_n3A_132, %mul3A_133 : i32
      %add3A_135 = arith.addi %mul3A_134, %add3A_116 : i32
      %gt3A_136 = arith.constant 0 : i32
      %gt3A_137 = arith.cmpi sgt, %scan3A_62, %gt3A_136 : i32
      %convert_element_type3A_138 = arith.extui %gt3A_137 : i1 to i32
      %cond3A_139 = arith.constant 0 : i32
      %cond3A_140 = arith.cmpi ne, %convert_element_type3A_138, %cond3A_139 : i32
      scf.if %cond3A_140 {
        %dma_wait3A_288 = arith.constant 0 : i32
        %dma_wait3A_289 = arith.constant 0 : i32
        %dma_wait3A_290 = arith.constant 0 : i32
        %dma_wait3A_291 = arith.constant 0 : i32
        %dma_wait3A_292 = tpu.memref_slice %arg5[%dma_wait3A_288, %dma_wait3A_290, %dma_wait3A_289, %dma_wait3A_291] : memref<4x12x512x512xf32, #tpu.memory_space<hbm>> -> memref<1x12x1x512xf32, #tpu.memory_space<hbm>>
        %dma_wait3A_293 = tpu.memref_squeeze %dma_wait3A_292 : memref<1x12x1x512xf32, #tpu.memory_space<hbm>> -> memref<12x512xf32, #tpu.memory_space<hbm>>
        %dma_wait3A_294 = arith.constant 0 : i32
        %dma_wait3A_295 = arith.constant 0 : i32
        %dma_wait3A_296 = tpu.memref_slice %arg5[%dma_wait3A_288, %dma_wait3A_294, %dma_wait3A_289, %dma_wait3A_295] : memref<4x12x512x512xf32, #tpu.memory_space<hbm>> -> memref<1x12x1x512xf32, #tpu.memory_space<hbm>>
        %dma_wait3A_297 = tpu.memref_squeeze %dma_wait3A_296 : memref<1x12x1x512xf32, #tpu.memory_space<hbm>> -> memref<12x512xf32, #tpu.memory_space<hbm>>
        tpu.wait_dma2 semaphore(%arg14 : memref<!tpu.dma_semaphore, #tpu.memory_space<semaphore_mem>>) src(%arg10 : memref<12x512xf32, #tpu.memory_space<vmem>>) dst(%dma_wait3A_297 : memref<12x512xf32, #tpu.memory_space<hbm>>)
      } else {
      }
      %broadcast_in_dim3A_141 = vector.broadcast %add3A_135 : i32 to vector<16xi32>
      %gather3A_142 = tpu.vector_load_idx %arg7[%broadcast_in_dim3A_141] : memref<512xi32, #tpu.memory_space<vmem>>[vector<16xi32>], vector<16xi32>,
      %broadcast_in_dim3A_143 = vector.broadcast %add3A_135 : i32 to vector<16xi32>
      %gather3A_144 = tpu.vector_load_idx %arg8[%broadcast_in_dim3A_143] : memref<512xi32, #tpu.memory_space<vmem>>[vector<16xi32>], vector<16xi32>,
      %add3A_145 = arith.constant 512 : i32
      %add3A_146 = vector.broadcast %add3A_145 : i32 to vector<16xi32>
      %add3A_147 = arith.addi %gather3A_142, %add3A_146 : vector<16xi32>
      %mul3A_148 = arith.constant 7 : i32
      %mul3A_149 = vector.broadcast %mul3A_148 : i32 to vector<16xi32>
      %mul3A_150 = arith.muli %add3A_147, %mul3A_149 : vector<16xi32>
      %add3A_151 = arith.constant 512 : i32
      %add3A_152 = vector.broadcast %add3A_151 : i32 to vector<16xi32>
      %add3A_153 = arith.addi %gather3A_144, %add3A_152 : vector<16xi32>
      %mul3A_154 = arith.constant 7 : i32
      %mul3A_155 = vector.broadcast %mul3A_154 : i32 to vector<16xi32>
      %mul3A_156 = arith.muli %add3A_153, %mul3A_155 : vector<16xi32>
      %add3A_157 = arith.constant 14336 : i32
      %add3A_158 = vector.broadcast %add3A_157 : i32 to vector<16xi32>
      %add3A_159 = arith.addi %mul3A_156, %add3A_158 : vector<16xi32>
      %parallel_loop3A_160 = arith.constant 0 : i32
      %parallel_loop3A_161 = arith.constant 512 : i32
      %parallel_loop3A_162 = arith.constant 16 : i32
      scf.for %parallel_loop3A_288 = %parallel_loop3A_160 to %parallel_loop3A_161 step %parallel_loop3A_162  : i32 {
        %parallel_loop3A_289 = vector.broadcast %parallel_loop3A_288 : i32 to vector<16xi32>
        %parallel_loop3A_290 = arith.addi %parallel_loop3A_289, %iota3A : vector<16xi32>
        %parallel_loop3A_291 = tpu.vector_load_idx %arg7[%parallel_loop3A_290] : memref<512xi32, #tpu.memory_space<vmem>>[vector<16xi32>], vector<16xi32>,
        %parallel_loop3A_292 = tpu.vector_load_idx %arg8[%parallel_loop3A_290] : memref<512xi32, #tpu.memory_space<vmem>>[vector<16xi32>], vector<16xi32>,
        %parallel_loop3A_293 = arith.constant 7 : i32
        %parallel_loop3A_294 = vector.broadcast %parallel_loop3A_293 : i32 to vector<16xi32>
        %parallel_loop3A_295 = arith.muli %parallel_loop3A_291, %parallel_loop3A_294 : vector<16xi32>
        %parallel_loop3A_296 = arith.constant 7 : i32
        %parallel_loop3A_297 = vector.broadcast %parallel_loop3A_296 : i32 to vector<16xi32>
        %parallel_loop3A_298 = arith.muli %parallel_loop3A_292, %parallel_loop3A_297 : vector<16xi32>
        %parallel_loop3A_299 = arith.constant 7168 : i32
        %parallel_loop3A_300 = vector.broadcast %parallel_loop3A_299 : i32 to vector<16xi32>
        %parallel_loop3A_301 = arith.subi %parallel_loop3A_298, %parallel_loop3A_300 : vector<16xi32>
        %parallel_loop3A_302 = arith.subi %mul3A_150, %parallel_loop3A_295 : vector<16xi32>
        %parallel_loop3A_303 = arith.subi %mul3A_150, %parallel_loop3A_301 : vector<16xi32>
        %parallel_loop3A_304 = arith.subi %add3A_159, %parallel_loop3A_295 : vector<16xi32>
        %parallel_loop3A_305 = arith.subi %add3A_159, %parallel_loop3A_301 : vector<16xi32>
        %parallel_loop3A_306 = arith.constant 0 : i32
        %parallel_loop3A_307 = vector.broadcast %parallel_loop3A_306 : i32 to vector<16xi32>
        %parallel_loop3A_308 = arith.addi %parallel_loop3A_302, %parallel_loop3A_307 : vector<16xi32>
        %parallel_loop3A_309 = tpu.vector_load_idx %arg6[%parallel_loop3A_308] : memref<28672xi32, #tpu.memory_space<vmem>>[vector<16xi32>], vector<16xi32>,
        %parallel_loop3A_310 = vector.bitcast %parallel_loop3A_309 : vector<16xi32> to vector<32xbf16>
        %parallel_loop3A_311 = arith.constant 0 : i32
        %parallel_loop3A_312 = vector.broadcast %parallel_loop3A_311 : i32 to vector<16xi32>
        %parallel_loop3A_313 = arith.addi %parallel_loop3A_303, %parallel_loop3A_312 : vector<16xi32>
        %parallel_loop3A_314 = tpu.vector_load_idx %arg6[%parallel_loop3A_313] : memref<28672xi32, #tpu.memory_space<vmem>>[vector<16xi32>], vector<16xi32>,
        %parallel_loop3A_315 = vector.bitcast %parallel_loop3A_314 : vector<16xi32> to vector<32xbf16>
        %parallel_loop3A_316 = arith.constant 0 : i32
        %parallel_loop3A_317 = vector.broadcast %parallel_loop3A_316 : i32 to vector<16xi32>
        %parallel_loop3A_318 = arith.addi %parallel_loop3A_304, %parallel_loop3A_317 : vector<16xi32>
        %parallel_loop3A_319 = tpu.vector_load_idx %arg6[%parallel_loop3A_318] : memref<28672xi32, #tpu.memory_space<vmem>>[vector<16xi32>], vector<16xi32>,
        %parallel_loop3A_320 = vector.bitcast %parallel_loop3A_319 : vector<16xi32> to vector<32xbf16>
        %parallel_loop3A_321 = arith.constant 0 : i32
        %parallel_loop3A_322 = vector.broadcast %parallel_loop3A_321 : i32 to vector<16xi32>
        %parallel_loop3A_323 = arith.addi %parallel_loop3A_305, %parallel_loop3A_322 : vector<16xi32>
        %parallel_loop3A_324 = tpu.vector_load_idx %arg6[%parallel_loop3A_323] : memref<28672xi32, #tpu.memory_space<vmem>>[vector<16xi32>], vector<16xi32>,
        %parallel_loop3A_325 = vector.bitcast %parallel_loop3A_324 : vector<16xi32> to vector<32xbf16>
        %parallel_loop3A_326 = arith.addf %parallel_loop3A_310, %parallel_loop3A_315 : vector<32xbf16>
        %parallel_loop3A_327 = arith.addf %parallel_loop3A_320, %parallel_loop3A_325 : vector<32xbf16>
        %parallel_loop3A_328 = arith.addf %parallel_loop3A_326, %parallel_loop3A_327 : vector<32xbf16>
        %parallel_loop3A_329 = arith.constant 0.000000e+00 : bf16
        %parallel_loop3A_330 = vector.broadcast %parallel_loop3A_329 : bf16 to vector<32xbf16>
        %parallel_loop3A_331 = arith.maximumf %parallel_loop3A_328, %parallel_loop3A_330 : vector<32xbf16>
        %parallel_loop3A_332 = tpu.unpack_subelements %parallel_loop3A_331, 0 {pack_format = #tpu.pack_format<interleaved>} : vector<32xbf16> -> vector<16xf32>
        %parallel_loop3A_333 = tpu.unpack_subelements %parallel_loop3A_331, 1 {pack_format = #tpu.pack_format<interleaved>} : vector<32xbf16> -> vector<16xf32>
        %parallel_loop3A_334 = arith.constant 0 : i32
        %parallel_loop3A_335 = vector.broadcast %parallel_loop3A_334 : i32 to vector<16xi32>
        tpu.vector_store_idx %arg10[%parallel_loop3A_335, %parallel_loop3A_290], %parallel_loop3A_332 : memref<12x512xf32, #tpu.memory_space<vmem>>[vector<16xi32>, vector<16xi32>], vector<16xf32>,
        %parallel_loop3A_336 = arith.constant 1 : i32
        %parallel_loop3A_337 = vector.broadcast %parallel_loop3A_336 : i32 to vector<16xi32>
        tpu.vector_store_idx %arg10[%parallel_loop3A_337, %parallel_loop3A_290], %parallel_loop3A_333 : memref<12x512xf32, #tpu.memory_space<vmem>>[vector<16xi32>, vector<16xi32>], vector<16xf32>,
        %parallel_loop3A_338 = arith.constant 1 : i32
        %parallel_loop3A_339 = vector.broadcast %parallel_loop3A_338 : i32 to vector<16xi32>
        %parallel_loop3A_340 = arith.addi %parallel_loop3A_302, %parallel_loop3A_339 : vector<16xi32>
        %parallel_loop3A_341 = tpu.vector_load_idx %arg6[%parallel_loop3A_340] : memref<28672xi32, #tpu.memory_space<vmem>>[vector<16xi32>], vector<16xi32>,
        %parallel_loop3A_342 = vector.bitcast %parallel_loop3A_341 : vector<16xi32> to vector<32xbf16>
        %parallel_loop3A_343 = arith.constant 1 : i32
        %parallel_loop3A_344 = vector.broadcast %parallel_loop3A_343 : i32 to vector<16xi32>
        %parallel_loop3A_345 = arith.addi %parallel_loop3A_303, %parallel_loop3A_344 : vector<16xi32>
        %parallel_loop3A_346 = tpu.vector_load_idx %arg6[%parallel_loop3A_345] : memref<28672xi32, #tpu.memory_space<vmem>>[vector<16xi32>], vector<16xi32>,
        %parallel_loop3A_347 = vector.bitcast %parallel_loop3A_346 : vector<16xi32> to vector<32xbf16>
        %parallel_loop3A_348 = arith.constant 1 : i32
        %parallel_loop3A_349 = vector.broadcast %parallel_loop3A_348 : i32 to vector<16xi32>
        %parallel_loop3A_350 = arith.addi %parallel_loop3A_304, %parallel_loop3A_349 : vector<16xi32>
        %parallel_loop3A_351 = tpu.vector_load_idx %arg6[%parallel_loop3A_350] : memref<28672xi32, #tpu.memory_space<vmem>>[vector<16xi32>], vector<16xi32>,
        %parallel_loop3A_352 = vector.bitcast %parallel_loop3A_351 : vector<16xi32> to vector<32xbf16>
        %parallel_loop3A_353 = arith.constant 1 : i32
        %parallel_loop3A_354 = vector.broadcast %parallel_loop3A_353 : i32 to vector<16xi32>
        %parallel_loop3A_355 = arith.addi %parallel_loop3A_305, %parallel_loop3A_354 : vector<16xi32>
        %parallel_loop3A_356 = tpu.vector_load_idx %arg6[%parallel_loop3A_355] : memref<28672xi32, #tpu.memory_space<vmem>>[vector<16xi32>], vector<16xi32>,
        %parallel_loop3A_357 = vector.bitcast %parallel_loop3A_356 : vector<16xi32> to vector<32xbf16>
        %parallel_loop3A_358 = arith.addf %parallel_loop3A_342, %parallel_loop3A_347 : vector<32xbf16>
        %parallel_loop3A_359 = arith.addf %parallel_loop3A_352, %parallel_loop3A_357 : vector<32xbf16>
        %parallel_loop3A_360 = arith.addf %parallel_loop3A_358, %parallel_loop3A_359 : vector<32xbf16>
        %parallel_loop3A_361 = arith.constant 0.000000e+00 : bf16
        %parallel_loop3A_362 = vector.broadcast %parallel_loop3A_361 : bf16 to vector<32xbf16>
        %parallel_loop3A_363 = arith.maximumf %parallel_loop3A_360, %parallel_loop3A_362 : vector<32xbf16>
        %parallel_loop3A_364 = tpu.unpack_subelements %parallel_loop3A_363, 0 {pack_format = #tpu.pack_format<interleaved>} : vector<32xbf16> -> vector<16xf32>
        %parallel_loop3A_365 = tpu.unpack_subelements %parallel_loop3A_363, 1 {pack_format = #tpu.pack_format<interleaved>} : vector<32xbf16> -> vector<16xf32>
        %parallel_loop3A_366 = arith.constant 2 : i32
        %parallel_loop3A_367 = vector.broadcast %parallel_loop3A_366 : i32 to vector<16xi32>
        tpu.vector_store_idx %arg10[%parallel_loop3A_367, %parallel_loop3A_290], %parallel_loop3A_364 : memref<12x512xf32, #tpu.memory_space<vmem>>[vector<16xi32>, vector<16xi32>], vector<16xf32>,
        %parallel_loop3A_368 = arith.constant 3 : i32
        %parallel_loop3A_369 = vector.broadcast %parallel_loop3A_368 : i32 to vector<16xi32>
        tpu.vector_store_idx %arg10[%parallel_loop3A_369, %parallel_loop3A_290], %parallel_loop3A_365 : memref<12x512xf32, #tpu.memory_space<vmem>>[vector<16xi32>, vector<16xi32>], vector<16xf32>,
        %parallel_loop3A_370 = arith.constant 2 : i32
        %parallel_loop3A_371 = vector.broadcast %parallel_loop3A_370 : i32 to vector<16xi32>
        %parallel_loop3A_372 = arith.addi %parallel_loop3A_302, %parallel_loop3A_371 : vector<16xi32>
        %parallel_loop3A_373 = tpu.vector_load_idx %arg6[%parallel_loop3A_372] : memref<28672xi32, #tpu.memory_space<vmem>>[vector<16xi32>], vector<16xi32>,
        %parallel_loop3A_374 = vector.bitcast %parallel_loop3A_373 : vector<16xi32> to vector<32xbf16>
        %parallel_loop3A_375 = arith.constant 2 : i32
        %parallel_loop3A_376 = vector.broadcast %parallel_loop3A_375 : i32 to vector<16xi32>
        %parallel_loop3A_377 = arith.addi %parallel_loop3A_303, %parallel_loop3A_376 : vector<16xi32>
        %parallel_loop3A_378 = tpu.vector_load_idx %arg6[%parallel_loop3A_377] : memref<28672xi32, #tpu.memory_space<vmem>>[vector<16xi32>], vector<16xi32>,
        %parallel_loop3A_379 = vector.bitcast %parallel_loop3A_378 : vector<16xi32> to vector<32xbf16>
        %parallel_loop3A_380 = arith.constant 2 : i32
        %parallel_loop3A_381 = vector.broadcast %parallel_loop3A_380 : i32 to vector<16xi32>
        %parallel_loop3A_382 = arith.addi %parallel_loop3A_304, %parallel_loop3A_381 : vector<16xi32>
        %parallel_loop3A_383 = tpu.vector_load_idx %arg6[%parallel_loop3A_382] : memref<28672xi32, #tpu.memory_space<vmem>>[vector<16xi32>], vector<16xi32>,
        %parallel_loop3A_384 = vector.bitcast %parallel_loop3A_383 : vector<16xi32> to vector<32xbf16>
        %parallel_loop3A_385 = arith.constant 2 : i32
        %parallel_loop3A_386 = vector.broadcast %parallel_loop3A_385 : i32 to vector<16xi32>
        %parallel_loop3A_387 = arith.addi %parallel_loop3A_305, %parallel_loop3A_386 : vector<16xi32>
        %parallel_loop3A_388 = tpu.vector_load_idx %arg6[%parallel_loop3A_387] : memref<28672xi32, #tpu.memory_space<vmem>>[vector<16xi32>], vector<16xi32>,
        %parallel_loop3A_389 = vector.bitcast %parallel_loop3A_388 : vector<16xi32> to vector<32xbf16>
        %parallel_loop3A_390 = arith.addf %parallel_loop3A_374, %parallel_loop3A_379 : vector<32xbf16>
        %parallel_loop3A_391 = arith.addf %parallel_loop3A_384, %parallel_loop3A_389 : vector<32xbf16>
        %parallel_loop3A_392 = arith.addf %parallel_loop3A_390, %parallel_loop3A_391 : vector<32xbf16>
        %parallel_loop3A_393 = arith.constant 0.000000e+00 : bf16
        %parallel_loop3A_394 = vector.broadcast %parallel_loop3A_393 : bf16 to vector<32xbf16>
        %parallel_loop3A_395 = arith.maximumf %parallel_loop3A_392, %parallel_loop3A_394 : vector<32xbf16>
        %parallel_loop3A_396 = tpu.unpack_subelements %parallel_loop3A_395, 0 {pack_format = #tpu.pack_format<interleaved>} : vector<32xbf16> -> vector<16xf32>
        %parallel_loop3A_397 = tpu.unpack_subelements %parallel_loop3A_395, 1 {pack_format = #tpu.pack_format<interleaved>} : vector<32xbf16> -> vector<16xf32>
        %parallel_loop3A_398 = arith.constant 4 : i32
        %parallel_loop3A_399 = vector.broadcast %parallel_loop3A_398 : i32 to vector<16xi32>
        tpu.vector_store_idx %arg10[%parallel_loop3A_399, %parallel_loop3A_290], %parallel_loop3A_396 : memref<12x512xf32, #tpu.memory_space<vmem>>[vector<16xi32>, vector<16xi32>], vector<16xf32>,
        %parallel_loop3A_400 = arith.constant 5 : i32
        %parallel_loop3A_401 = vector.broadcast %parallel_loop3A_400 : i32 to vector<16xi32>
        tpu.vector_store_idx %arg10[%parallel_loop3A_401, %parallel_loop3A_290], %parallel_loop3A_397 : memref<12x512xf32, #tpu.memory_space<vmem>>[vector<16xi32>, vector<16xi32>], vector<16xf32>,
        %parallel_loop3A_402 = arith.constant 3 : i32
        %parallel_loop3A_403 = vector.broadcast %parallel_loop3A_402 : i32 to vector<16xi32>
        %parallel_loop3A_404 = arith.addi %parallel_loop3A_302, %parallel_loop3A_403 : vector<16xi32>
        %parallel_loop3A_405 = tpu.vector_load_idx %arg6[%parallel_loop3A_404] : memref<28672xi32, #tpu.memory_space<vmem>>[vector<16xi32>], vector<16xi32>,
        %parallel_loop3A_406 = vector.bitcast %parallel_loop3A_405 : vector<16xi32> to vector<32xbf16>
        %parallel_loop3A_407 = arith.constant 3 : i32
        %parallel_loop3A_408 = vector.broadcast %parallel_loop3A_407 : i32 to vector<16xi32>
        %parallel_loop3A_409 = arith.addi %parallel_loop3A_303, %parallel_loop3A_408 : vector<16xi32>
        %parallel_loop3A_410 = tpu.vector_load_idx %arg6[%parallel_loop3A_409] : memref<28672xi32, #tpu.memory_space<vmem>>[vector<16xi32>], vector<16xi32>,
        %parallel_loop3A_411 = vector.bitcast %parallel_loop3A_410 : vector<16xi32> to vector<32xbf16>
        %parallel_loop3A_412 = arith.constant 3 : i32
        %parallel_loop3A_413 = vector.broadcast %parallel_loop3A_412 : i32 to vector<16xi32>
        %parallel_loop3A_414 = arith.addi %parallel_loop3A_304, %parallel_loop3A_413 : vector<16xi32>
        %parallel_loop3A_415 = tpu.vector_load_idx %arg6[%parallel_loop3A_414] : memref<28672xi32, #tpu.memory_space<vmem>>[vector<16xi32>], vector<16xi32>,
        %parallel_loop3A_416 = vector.bitcast %parallel_loop3A_415 : vector<16xi32> to vector<32xbf16>
        %parallel_loop3A_417 = arith.constant 3 : i32
        %parallel_loop3A_418 = vector.broadcast %parallel_loop3A_417 : i32 to vector<16xi32>
        %parallel_loop3A_419 = arith.addi %parallel_loop3A_305, %parallel_loop3A_418 : vector<16xi32>
        %parallel_loop3A_420 = tpu.vector_load_idx %arg6[%parallel_loop3A_419] : memref<28672xi32, #tpu.memory_space<vmem>>[vector<16xi32>], vector<16xi32>,
        %parallel_loop3A_421 = vector.bitcast %parallel_loop3A_420 : vector<16xi32> to vector<32xbf16>
        %parallel_loop3A_422 = arith.addf %parallel_loop3A_406, %parallel_loop3A_411 : vector<32xbf16>
        %parallel_loop3A_423 = arith.addf %parallel_loop3A_416, %parallel_loop3A_421 : vector<32xbf16>
        %parallel_loop3A_424 = arith.addf %parallel_loop3A_422, %parallel_loop3A_423 : vector<32xbf16>
        %parallel_loop3A_425 = arith.constant 0.000000e+00 : bf16
        %parallel_loop3A_426 = vector.broadcast %parallel_loop3A_425 : bf16 to vector<32xbf16>
        %parallel_loop3A_427 = arith.maximumf %parallel_loop3A_424, %parallel_loop3A_426 : vector<32xbf16>
        %parallel_loop3A_428 = tpu.unpack_subelements %parallel_loop3A_427, 0 {pack_format = #tpu.pack_format<interleaved>} : vector<32xbf16> -> vector<16xf32>
        %parallel_loop3A_429 = tpu.unpack_subelements %parallel_loop3A_427, 1 {pack_format = #tpu.pack_format<interleaved>} : vector<32xbf16> -> vector<16xf32>
        %parallel_loop3A_430 = arith.constant 6 : i32
        %parallel_loop3A_431 = vector.broadcast %parallel_loop3A_430 : i32 to vector<16xi32>
        tpu.vector_store_idx %arg10[%parallel_loop3A_431, %parallel_loop3A_290], %parallel_loop3A_428 : memref<12x512xf32, #tpu.memory_space<vmem>>[vector<16xi32>, vector<16xi32>], vector<16xf32>,
        %parallel_loop3A_432 = arith.constant 7 : i32
        %parallel_loop3A_433 = vector.broadcast %parallel_loop3A_432 : i32 to vector<16xi32>
        tpu.vector_store_idx %arg10[%parallel_loop3A_433, %parallel_loop3A_290], %parallel_loop3A_429 : memref<12x512xf32, #tpu.memory_space<vmem>>[vector<16xi32>, vector<16xi32>], vector<16xf32>,
        %parallel_loop3A_434 = arith.constant 4 : i32
        %parallel_loop3A_435 = vector.broadcast %parallel_loop3A_434 : i32 to vector<16xi32>
        %parallel_loop3A_436 = arith.addi %parallel_loop3A_302, %parallel_loop3A_435 : vector<16xi32>
        %parallel_loop3A_437 = tpu.vector_load_idx %arg6[%parallel_loop3A_436] : memref<28672xi32, #tpu.memory_space<vmem>>[vector<16xi32>], vector<16xi32>,
        %parallel_loop3A_438 = vector.bitcast %parallel_loop3A_437 : vector<16xi32> to vector<32xbf16>
        %parallel_loop3A_439 = arith.constant 4 : i32
        %parallel_loop3A_440 = vector.broadcast %parallel_loop3A_439 : i32 to vector<16xi32>
        %parallel_loop3A_441 = arith.addi %parallel_loop3A_303, %parallel_loop3A_440 : vector<16xi32>
        %parallel_loop3A_442 = tpu.vector_load_idx %arg6[%parallel_loop3A_441] : memref<28672xi32, #tpu.memory_space<vmem>>[vector<16xi32>], vector<16xi32>,
        %parallel_loop3A_443 = vector.bitcast %parallel_loop3A_442 : vector<16xi32> to vector<32xbf16>
        %parallel_loop3A_444 = arith.constant 4 : i32
        %parallel_loop3A_445 = vector.broadcast %parallel_loop3A_444 : i32 to vector<16xi32>
        %parallel_loop3A_446 = arith.addi %parallel_loop3A_304, %parallel_loop3A_445 : vector<16xi32>
        %parallel_loop3A_447 = tpu.vector_load_idx %arg6[%parallel_loop3A_446] : memref<28672xi32, #tpu.memory_space<vmem>>[vector<16xi32>], vector<16xi32>,
        %parallel_loop3A_448 = vector.bitcast %parallel_loop3A_447 : vector<16xi32> to vector<32xbf16>
        %parallel_loop3A_449 = arith.constant 4 : i32
        %parallel_loop3A_450 = vector.broadcast %parallel_loop3A_449 : i32 to vector<16xi32>
        %parallel_loop3A_451 = arith.addi %parallel_loop3A_305, %parallel_loop3A_450 : vector<16xi32>
        %parallel_loop3A_452 = tpu.vector_load_idx %arg6[%parallel_loop3A_451] : memref<28672xi32, #tpu.memory_space<vmem>>[vector<16xi32>], vector<16xi32>,
        %parallel_loop3A_453 = vector.bitcast %parallel_loop3A_452 : vector<16xi32> to vector<32xbf16>
        %parallel_loop3A_454 = arith.addf %parallel_loop3A_438, %parallel_loop3A_443 : vector<32xbf16>
        %parallel_loop3A_455 = arith.addf %parallel_loop3A_448, %parallel_loop3A_453 : vector<32xbf16>
        %parallel_loop3A_456 = arith.addf %parallel_loop3A_454, %parallel_loop3A_455 : vector<32xbf16>
        %parallel_loop3A_457 = arith.constant 0.000000e+00 : bf16
        %parallel_loop3A_458 = vector.broadcast %parallel_loop3A_457 : bf16 to vector<32xbf16>
        %parallel_loop3A_459 = arith.maximumf %parallel_loop3A_456, %parallel_loop3A_458 : vector<32xbf16>
        %parallel_loop3A_460 = tpu.unpack_subelements %parallel_loop3A_459, 0 {pack_format = #tpu.pack_format<interleaved>} : vector<32xbf16> -> vector<16xf32>
        %parallel_loop3A_461 = tpu.unpack_subelements %parallel_loop3A_459, 1 {pack_format = #tpu.pack_format<interleaved>} : vector<32xbf16> -> vector<16xf32>
        %parallel_loop3A_462 = arith.constant 8 : i32
        %parallel_loop3A_463 = vector.broadcast %parallel_loop3A_462 : i32 to vector<16xi32>
        tpu.vector_store_idx %arg10[%parallel_loop3A_463, %parallel_loop3A_290], %parallel_loop3A_460 : memref<12x512xf32, #tpu.memory_space<vmem>>[vector<16xi32>, vector<16xi32>], vector<16xf32>,
        %parallel_loop3A_464 = arith.constant 9 : i32
        %parallel_loop3A_465 = vector.broadcast %parallel_loop3A_464 : i32 to vector<16xi32>
        tpu.vector_store_idx %arg10[%parallel_loop3A_465, %parallel_loop3A_290], %parallel_loop3A_461 : memref<12x512xf32, #tpu.memory_space<vmem>>[vector<16xi32>, vector<16xi32>], vector<16xf32>,
        %parallel_loop3A_466 = arith.constant 5 : i32
        %parallel_loop3A_467 = vector.broadcast %parallel_loop3A_466 : i32 to vector<16xi32>
        %parallel_loop3A_468 = arith.addi %parallel_loop3A_302, %parallel_loop3A_467 : vector<16xi32>
        %parallel_loop3A_469 = tpu.vector_load_idx %arg6[%parallel_loop3A_468] : memref<28672xi32, #tpu.memory_space<vmem>>[vector<16xi32>], vector<16xi32>,
        %parallel_loop3A_470 = vector.bitcast %parallel_loop3A_469 : vector<16xi32> to vector<32xbf16>
        %parallel_loop3A_471 = arith.constant 5 : i32
        %parallel_loop3A_472 = vector.broadcast %parallel_loop3A_471 : i32 to vector<16xi32>
        %parallel_loop3A_473 = arith.addi %parallel_loop3A_303, %parallel_loop3A_472 : vector<16xi32>
        %parallel_loop3A_474 = tpu.vector_load_idx %arg6[%parallel_loop3A_473] : memref<28672xi32, #tpu.memory_space<vmem>>[vector<16xi32>], vector<16xi32>,
        %parallel_loop3A_475 = vector.bitcast %parallel_loop3A_474 : vector<16xi32> to vector<32xbf16>
        %parallel_loop3A_476 = arith.constant 5 : i32
        %parallel_loop3A_477 = vector.broadcast %parallel_loop3A_476 : i32 to vector<16xi32>
        %parallel_loop3A_478 = arith.addi %parallel_loop3A_304, %parallel_loop3A_477 : vector<16xi32>
        %parallel_loop3A_479 = tpu.vector_load_idx %arg6[%parallel_loop3A_478] : memref<28672xi32, #tpu.memory_space<vmem>>[vector<16xi32>], vector<16xi32>,
        %parallel_loop3A_480 = vector.bitcast %parallel_loop3A_479 : vector<16xi32> to vector<32xbf16>
        %parallel_loop3A_481 = arith.constant 5 : i32
        %parallel_loop3A_482 = vector.broadcast %parallel_loop3A_481 : i32 to vector<16xi32>
        %parallel_loop3A_483 = arith.addi %parallel_loop3A_305, %parallel_loop3A_482 : vector<16xi32>
        %parallel_loop3A_484 = tpu.vector_load_idx %arg6[%parallel_loop3A_483] : memref<28672xi32, #tpu.memory_space<vmem>>[vector<16xi32>], vector<16xi32>,
        %parallel_loop3A_485 = vector.bitcast %parallel_loop3A_484 : vector<16xi32> to vector<32xbf16>
        %parallel_loop3A_486 = arith.addf %parallel_loop3A_470, %parallel_loop3A_475 : vector<32xbf16>
        %parallel_loop3A_487 = arith.addf %parallel_loop3A_480, %parallel_loop3A_485 : vector<32xbf16>
        %parallel_loop3A_488 = arith.addf %parallel_loop3A_486, %parallel_loop3A_487 : vector<32xbf16>
        %parallel_loop3A_489 = arith.constant 0.000000e+00 : bf16
        %parallel_loop3A_490 = vector.broadcast %parallel_loop3A_489 : bf16 to vector<32xbf16>
        %parallel_loop3A_491 = arith.maximumf %parallel_loop3A_488, %parallel_loop3A_490 : vector<32xbf16>
        %parallel_loop3A_492 = tpu.unpack_subelements %parallel_loop3A_491, 0 {pack_format = #tpu.pack_format<interleaved>} : vector<32xbf16> -> vector<16xf32>
        %parallel_loop3A_493 = tpu.unpack_subelements %parallel_loop3A_491, 1 {pack_format = #tpu.pack_format<interleaved>} : vector<32xbf16> -> vector<16xf32>
        %parallel_loop3A_494 = arith.constant 10 : i32
        %parallel_loop3A_495 = vector.broadcast %parallel_loop3A_494 : i32 to vector<16xi32>
        tpu.vector_store_idx %arg10[%parallel_loop3A_495, %parallel_loop3A_290], %parallel_loop3A_492 : memref<12x512xf32, #tpu.memory_space<vmem>>[vector<16xi32>, vector<16xi32>], vector<16xf32>,
        %parallel_loop3A_496 = arith.constant 11 : i32
        %parallel_loop3A_497 = vector.broadcast %parallel_loop3A_496 : i32 to vector<16xi32>
        tpu.vector_store_idx %arg10[%parallel_loop3A_497, %parallel_loop3A_290], %parallel_loop3A_493 : memref<12x512xf32, #tpu.memory_space<vmem>>[vector<16xi32>, vector<16xi32>], vector<16xf32>,
      } {sc.loop_unroll_factor = 2 : i64, sc.parallel_access}
      %dma_start3A_163 = arith.constant 0 : i32
      %dma_start3A_164 = arith.constant 0 : i32
      %dma_start3A_165 = tpu.memref_slice %arg5[%select_n3A, %dma_start3A_163, %add3A_135, %dma_start3A_164] : memref<4x12x512x512xf32, #tpu.memory_space<hbm>> -> memref<1x12x1x512xf32, #tpu.memory_space<hbm>>
      %dma_start3A_166 = tpu.memref_squeeze %dma_start3A_165 : memref<1x12x1x512xf32, #tpu.memory_space<hbm>> -> memref<12x512xf32, #tpu.memory_space<hbm>>
      %dma_start3A_167 = arith.constant 0 : i32
      %dma_start3A_168 = arith.constant 0 : i32
      %dma_start3A_169 = tpu.memref_slice %arg5[%select_n3A, %dma_start3A_167, %add3A_135, %dma_start3A_168] : memref<4x12x512x512xf32, #tpu.memory_space<hbm>> -> memref<1x12x1x512xf32, #tpu.memory_space<hbm>>
      %dma_start3A_170 = tpu.memref_squeeze %dma_start3A_169 : memref<1x12x1x512xf32, #tpu.memory_space<hbm>> -> memref<12x512xf32, #tpu.memory_space<hbm>>
      tpu.enqueue_dma source(%arg10 : memref<12x512xf32, #tpu.memory_space<vmem>>) target(%dma_start3A_170 : memref<12x512xf32, #tpu.memory_space<hbm>>) target_semaphore(%arg14 : memref<!tpu.dma_semaphore, #tpu.memory_space<semaphore_mem>>)
      %mul3A_171 = arith.constant 4 : i32
      %mul3A_172 = arith.muli %scan3A_62, %mul3A_171 : i32
      %add3A_173 = arith.constant 2 : i32
      %add3A_174 = arith.addi %mul3A_172, %add3A_173 : i32
      %jit3A_175 = arith.constant 8 : i32
      %eq3A_176 = arith.constant 0 : i32
      %eq3A_177 = arith.cmpi eq, %jit3A_175, %eq3A_176 : i32
      %jit3A_178 = arith.constant 1 : i32
      %select_n3A_179 = arith.select %eq3A_177, %jit3A_178, %jit3A_175 : i32
      %rem3A_180 = arith.remsi %add3A, %select_n3A_179 : i32
      %ne3A_181 = arith.constant 0 : i32
      %ne3A_182 = arith.cmpi ne, %rem3A_180, %ne3A_181 : i32
      %lt3A_183 = arith.constant 0 : i32
      %lt3A_184 = arith.cmpi slt, %rem3A_180, %lt3A_183 : i32
      %lt3A_185 = arith.constant 0 : i32
      %lt3A_186 = arith.cmpi slt, %select_n3A_179, %lt3A_185 : i32
      %ne3A_187 = arith.xori %lt3A_184, %lt3A_186 : i1
      %and3A_188 = arith.andi %ne3A_187, %ne3A_182 : i1
      %add3A_189 = arith.addi %rem3A_180, %select_n3A_179 : i32
      %select_n3A_190 = arith.select %and3A_188, %add3A_189, %rem3A_180 : i32
      %mul3A_191 = arith.constant 64 : i32
      %mul3A_192 = arith.muli %select_n3A_190, %mul3A_191 : i32
      %add3A_193 = arith.addi %mul3A_192, %add3A_174 : i32
      %gt3A_194 = arith.constant 0 : i32
      %gt3A_195 = arith.cmpi sgt, %scan3A_62, %gt3A_194 : i32
      %convert_element_type3A_196 = arith.extui %gt3A_195 : i1 to i32
      %cond3A_197 = arith.constant 0 : i32
      %cond3A_198 = arith.cmpi ne, %convert_element_type3A_196, %cond3A_197 : i32
      scf.if %cond3A_198 {
        %dma_wait3A_288 = arith.constant 0 : i32
        %dma_wait3A_289 = arith.constant 0 : i32
        %dma_wait3A_290 = arith.constant 0 : i32
        %dma_wait3A_291 = arith.constant 0 : i32
        %dma_wait3A_292 = tpu.memref_slice %arg5[%dma_wait3A_288, %dma_wait3A_290, %dma_wait3A_289, %dma_wait3A_291] : memref<4x12x512x512xf32, #tpu.memory_space<hbm>> -> memref<1x12x1x512xf32, #tpu.memory_space<hbm>>
        %dma_wait3A_293 = tpu.memref_squeeze %dma_wait3A_292 : memref<1x12x1x512xf32, #tpu.memory_space<hbm>> -> memref<12x512xf32, #tpu.memory_space<hbm>>
        %dma_wait3A_294 = arith.constant 0 : i32
        %dma_wait3A_295 = arith.constant 0 : i32
        %dma_wait3A_296 = tpu.memref_slice %arg5[%dma_wait3A_288, %dma_wait3A_294, %dma_wait3A_289, %dma_wait3A_295] : memref<4x12x512x512xf32, #tpu.memory_space<hbm>> -> memref<1x12x1x512xf32, #tpu.memory_space<hbm>>
        %dma_wait3A_297 = tpu.memref_squeeze %dma_wait3A_296 : memref<1x12x1x512xf32, #tpu.memory_space<hbm>> -> memref<12x512xf32, #tpu.memory_space<hbm>>
        tpu.wait_dma2 semaphore(%arg15 : memref<!tpu.dma_semaphore, #tpu.memory_space<semaphore_mem>>) src(%arg11 : memref<12x512xf32, #tpu.memory_space<vmem>>) dst(%dma_wait3A_297 : memref<12x512xf32, #tpu.memory_space<hbm>>)
      } else {
      }
      %broadcast_in_dim3A_199 = vector.broadcast %add3A_193 : i32 to vector<16xi32>
      %gather3A_200 = tpu.vector_load_idx %arg7[%broadcast_in_dim3A_199] : memref<512xi32, #tpu.memory_space<vmem>>[vector<16xi32>], vector<16xi32>,
      %broadcast_in_dim3A_201 = vector.broadcast %add3A_193 : i32 to vector<16xi32>
      %gather3A_202 = tpu.vector_load_idx %arg8[%broadcast_in_dim3A_201] : memref<512xi32, #tpu.memory_space<vmem>>[vector<16xi32>], vector<16xi32>,
      %add3A_203 = arith.constant 512 : i32
      %add3A_204 = vector.broadcast %add3A_203 : i32 to vector<16xi32>
      %add3A_205 = arith.addi %gather3A_200, %add3A_204 : vector<16xi32>
      %mul3A_206 = arith.constant 7 : i32
      %mul3A_207 = vector.broadcast %mul3A_206 : i32 to vector<16xi32>
      %mul3A_208 = arith.muli %add3A_205, %mul3A_207 : vector<16xi32>
      %add3A_209 = arith.constant 512 : i32
      %add3A_210 = vector.broadcast %add3A_209 : i32 to vector<16xi32>
      %add3A_211 = arith.addi %gather3A_202, %add3A_210 : vector<16xi32>
      %mul3A_212 = arith.constant 7 : i32
      %mul3A_213 = vector.broadcast %mul3A_212 : i32 to vector<16xi32>
      %mul3A_214 = arith.muli %add3A_211, %mul3A_213 : vector<16xi32>
      %add3A_215 = arith.constant 14336 : i32
      %add3A_216 = vector.broadcast %add3A_215 : i32 to vector<16xi32>
      %add3A_217 = arith.addi %mul3A_214, %add3A_216 : vector<16xi32>
      %parallel_loop3A_218 = arith.constant 0 : i32
      %parallel_loop3A_219 = arith.constant 512 : i32
      %parallel_loop3A_220 = arith.constant 16 : i32
      scf.for %parallel_loop3A_288 = %parallel_loop3A_218 to %parallel_loop3A_219 step %parallel_loop3A_220  : i32 {
        %parallel_loop3A_289 = vector.broadcast %parallel_loop3A_288 : i32 to vector<16xi32>
        %parallel_loop3A_290 = arith.addi %parallel_loop3A_289, %iota3A : vector<16xi32>
        %parallel_loop3A_291 = tpu.vector_load_idx %arg7[%parallel_loop3A_290] : memref<512xi32, #tpu.memory_space<vmem>>[vector<16xi32>], vector<16xi32>,
        %parallel_loop3A_292 = tpu.vector_load_idx %arg8[%parallel_loop3A_290] : memref<512xi32, #tpu.memory_space<vmem>>[vector<16xi32>], vector<16xi32>,
        %parallel_loop3A_293 = arith.constant 7 : i32
        %parallel_loop3A_294 = vector.broadcast %parallel_loop3A_293 : i32 to vector<16xi32>
        %parallel_loop3A_295 = arith.muli %parallel_loop3A_291, %parallel_loop3A_294 : vector<16xi32>
        %parallel_loop3A_296 = arith.constant 7 : i32
        %parallel_loop3A_297 = vector.broadcast %parallel_loop3A_296 : i32 to vector<16xi32>
        %parallel_loop3A_298 = arith.muli %parallel_loop3A_292, %parallel_loop3A_297 : vector<16xi32>
        %parallel_loop3A_299 = arith.constant 7168 : i32
        %parallel_loop3A_300 = vector.broadcast %parallel_loop3A_299 : i32 to vector<16xi32>
        %parallel_loop3A_301 = arith.subi %parallel_loop3A_298, %parallel_loop3A_300 : vector<16xi32>
        %parallel_loop3A_302 = arith.subi %mul3A_208, %parallel_loop3A_295 : vector<16xi32>
        %parallel_loop3A_303 = arith.subi %mul3A_208, %parallel_loop3A_301 : vector<16xi32>
        %parallel_loop3A_304 = arith.subi %add3A_217, %parallel_loop3A_295 : vector<16xi32>
        %parallel_loop3A_305 = arith.subi %add3A_217, %parallel_loop3A_301 : vector<16xi32>
        %parallel_loop3A_306 = arith.constant 0 : i32
        %parallel_loop3A_307 = vector.broadcast %parallel_loop3A_306 : i32 to vector<16xi32>
        %parallel_loop3A_308 = arith.addi %parallel_loop3A_302, %parallel_loop3A_307 : vector<16xi32>
        %parallel_loop3A_309 = tpu.vector_load_idx %arg6[%parallel_loop3A_308] : memref<28672xi32, #tpu.memory_space<vmem>>[vector<16xi32>], vector<16xi32>,
        %parallel_loop3A_310 = vector.bitcast %parallel_loop3A_309 : vector<16xi32> to vector<32xbf16>
        %parallel_loop3A_311 = arith.constant 0 : i32
        %parallel_loop3A_312 = vector.broadcast %parallel_loop3A_311 : i32 to vector<16xi32>
        %parallel_loop3A_313 = arith.addi %parallel_loop3A_303, %parallel_loop3A_312 : vector<16xi32>
        %parallel_loop3A_314 = tpu.vector_load_idx %arg6[%parallel_loop3A_313] : memref<28672xi32, #tpu.memory_space<vmem>>[vector<16xi32>], vector<16xi32>,
        %parallel_loop3A_315 = vector.bitcast %parallel_loop3A_314 : vector<16xi32> to vector<32xbf16>
        %parallel_loop3A_316 = arith.constant 0 : i32
        %parallel_loop3A_317 = vector.broadcast %parallel_loop3A_316 : i32 to vector<16xi32>
        %parallel_loop3A_318 = arith.addi %parallel_loop3A_304, %parallel_loop3A_317 : vector<16xi32>
        %parallel_loop3A_319 = tpu.vector_load_idx %arg6[%parallel_loop3A_318] : memref<28672xi32, #tpu.memory_space<vmem>>[vector<16xi32>], vector<16xi32>,
        %parallel_loop3A_320 = vector.bitcast %parallel_loop3A_319 : vector<16xi32> to vector<32xbf16>
        %parallel_loop3A_321 = arith.constant 0 : i32
        %parallel_loop3A_322 = vector.broadcast %parallel_loop3A_321 : i32 to vector<16xi32>
        %parallel_loop3A_323 = arith.addi %parallel_loop3A_305, %parallel_loop3A_322 : vector<16xi32>
        %parallel_loop3A_324 = tpu.vector_load_idx %arg6[%parallel_loop3A_323] : memref<28672xi32, #tpu.memory_space<vmem>>[vector<16xi32>], vector<16xi32>,
        %parallel_loop3A_325 = vector.bitcast %parallel_loop3A_324 : vector<16xi32> to vector<32xbf16>
        %parallel_loop3A_326 = arith.addf %parallel_loop3A_310, %parallel_loop3A_315 : vector<32xbf16>
        %parallel_loop3A_327 = arith.addf %parallel_loop3A_320, %parallel_loop3A_325 : vector<32xbf16>
        %parallel_loop3A_328 = arith.addf %parallel_loop3A_326, %parallel_loop3A_327 : vector<32xbf16>
        %parallel_loop3A_329 = arith.constant 0.000000e+00 : bf16
        %parallel_loop3A_330 = vector.broadcast %parallel_loop3A_329 : bf16 to vector<32xbf16>
        %parallel_loop3A_331 = arith.maximumf %parallel_loop3A_328, %parallel_loop3A_330 : vector<32xbf16>
        %parallel_loop3A_332 = tpu.unpack_subelements %parallel_loop3A_331, 0 {pack_format = #tpu.pack_format<interleaved>} : vector<32xbf16> -> vector<16xf32>
        %parallel_loop3A_333 = tpu.unpack_subelements %parallel_loop3A_331, 1 {pack_format = #tpu.pack_format<interleaved>} : vector<32xbf16> -> vector<16xf32>
        %parallel_loop3A_334 = arith.constant 0 : i32
        %parallel_loop3A_335 = vector.broadcast %parallel_loop3A_334 : i32 to vector<16xi32>
        tpu.vector_store_idx %arg11[%parallel_loop3A_335, %parallel_loop3A_290], %parallel_loop3A_332 : memref<12x512xf32, #tpu.memory_space<vmem>>[vector<16xi32>, vector<16xi32>], vector<16xf32>,
        %parallel_loop3A_336 = arith.constant 1 : i32
        %parallel_loop3A_337 = vector.broadcast %parallel_loop3A_336 : i32 to vector<16xi32>
        tpu.vector_store_idx %arg11[%parallel_loop3A_337, %parallel_loop3A_290], %parallel_loop3A_333 : memref<12x512xf32, #tpu.memory_space<vmem>>[vector<16xi32>, vector<16xi32>], vector<16xf32>,
        %parallel_loop3A_338 = arith.constant 1 : i32
        %parallel_loop3A_339 = vector.broadcast %parallel_loop3A_338 : i32 to vector<16xi32>
        %parallel_loop3A_340 = arith.addi %parallel_loop3A_302, %parallel_loop3A_339 : vector<16xi32>
        %parallel_loop3A_341 = tpu.vector_load_idx %arg6[%parallel_loop3A_340] : memref<28672xi32, #tpu.memory_space<vmem>>[vector<16xi32>], vector<16xi32>,
        %parallel_loop3A_342 = vector.bitcast %parallel_loop3A_341 : vector<16xi32> to vector<32xbf16>
        %parallel_loop3A_343 = arith.constant 1 : i32
        %parallel_loop3A_344 = vector.broadcast %parallel_loop3A_343 : i32 to vector<16xi32>
        %parallel_loop3A_345 = arith.addi %parallel_loop3A_303, %parallel_loop3A_344 : vector<16xi32>
        %parallel_loop3A_346 = tpu.vector_load_idx %arg6[%parallel_loop3A_345] : memref<28672xi32, #tpu.memory_space<vmem>>[vector<16xi32>], vector<16xi32>,
        %parallel_loop3A_347 = vector.bitcast %parallel_loop3A_346 : vector<16xi32> to vector<32xbf16>
        %parallel_loop3A_348 = arith.constant 1 : i32
        %parallel_loop3A_349 = vector.broadcast %parallel_loop3A_348 : i32 to vector<16xi32>
        %parallel_loop3A_350 = arith.addi %parallel_loop3A_304, %parallel_loop3A_349 : vector<16xi32>
        %parallel_loop3A_351 = tpu.vector_load_idx %arg6[%parallel_loop3A_350] : memref<28672xi32, #tpu.memory_space<vmem>>[vector<16xi32>], vector<16xi32>,
        %parallel_loop3A_352 = vector.bitcast %parallel_loop3A_351 : vector<16xi32> to vector<32xbf16>
        %parallel_loop3A_353 = arith.constant 1 : i32
        %parallel_loop3A_354 = vector.broadcast %parallel_loop3A_353 : i32 to vector<16xi32>
        %parallel_loop3A_355 = arith.addi %parallel_loop3A_305, %parallel_loop3A_354 : vector<16xi32>
        %parallel_loop3A_356 = tpu.vector_load_idx %arg6[%parallel_loop3A_355] : memref<28672xi32, #tpu.memory_space<vmem>>[vector<16xi32>], vector<16xi32>,
        %parallel_loop3A_357 = vector.bitcast %parallel_loop3A_356 : vector<16xi32> to vector<32xbf16>
        %parallel_loop3A_358 = arith.addf %parallel_loop3A_342, %parallel_loop3A_347 : vector<32xbf16>
        %parallel_loop3A_359 = arith.addf %parallel_loop3A_352, %parallel_loop3A_357 : vector<32xbf16>
        %parallel_loop3A_360 = arith.addf %parallel_loop3A_358, %parallel_loop3A_359 : vector<32xbf16>
        %parallel_loop3A_361 = arith.constant 0.000000e+00 : bf16
        %parallel_loop3A_362 = vector.broadcast %parallel_loop3A_361 : bf16 to vector<32xbf16>
        %parallel_loop3A_363 = arith.maximumf %parallel_loop3A_360, %parallel_loop3A_362 : vector<32xbf16>
        %parallel_loop3A_364 = tpu.unpack_subelements %parallel_loop3A_363, 0 {pack_format = #tpu.pack_format<interleaved>} : vector<32xbf16> -> vector<16xf32>
        %parallel_loop3A_365 = tpu.unpack_subelements %parallel_loop3A_363, 1 {pack_format = #tpu.pack_format<interleaved>} : vector<32xbf16> -> vector<16xf32>
        %parallel_loop3A_366 = arith.constant 2 : i32
        %parallel_loop3A_367 = vector.broadcast %parallel_loop3A_366 : i32 to vector<16xi32>
        tpu.vector_store_idx %arg11[%parallel_loop3A_367, %parallel_loop3A_290], %parallel_loop3A_364 : memref<12x512xf32, #tpu.memory_space<vmem>>[vector<16xi32>, vector<16xi32>], vector<16xf32>,
        %parallel_loop3A_368 = arith.constant 3 : i32
        %parallel_loop3A_369 = vector.broadcast %parallel_loop3A_368 : i32 to vector<16xi32>
        tpu.vector_store_idx %arg11[%parallel_loop3A_369, %parallel_loop3A_290], %parallel_loop3A_365 : memref<12x512xf32, #tpu.memory_space<vmem>>[vector<16xi32>, vector<16xi32>], vector<16xf32>,
        %parallel_loop3A_370 = arith.constant 2 : i32
        %parallel_loop3A_371 = vector.broadcast %parallel_loop3A_370 : i32 to vector<16xi32>
        %parallel_loop3A_372 = arith.addi %parallel_loop3A_302, %parallel_loop3A_371 : vector<16xi32>
        %parallel_loop3A_373 = tpu.vector_load_idx %arg6[%parallel_loop3A_372] : memref<28672xi32, #tpu.memory_space<vmem>>[vector<16xi32>], vector<16xi32>,
        %parallel_loop3A_374 = vector.bitcast %parallel_loop3A_373 : vector<16xi32> to vector<32xbf16>
        %parallel_loop3A_375 = arith.constant 2 : i32
        %parallel_loop3A_376 = vector.broadcast %parallel_loop3A_375 : i32 to vector<16xi32>
        %parallel_loop3A_377 = arith.addi %parallel_loop3A_303, %parallel_loop3A_376 : vector<16xi32>
        %parallel_loop3A_378 = tpu.vector_load_idx %arg6[%parallel_loop3A_377] : memref<28672xi32, #tpu.memory_space<vmem>>[vector<16xi32>], vector<16xi32>,
        %parallel_loop3A_379 = vector.bitcast %parallel_loop3A_378 : vector<16xi32> to vector<32xbf16>
        %parallel_loop3A_380 = arith.constant 2 : i32
        %parallel_loop3A_381 = vector.broadcast %parallel_loop3A_380 : i32 to vector<16xi32>
        %parallel_loop3A_382 = arith.addi %parallel_loop3A_304, %parallel_loop3A_381 : vector<16xi32>
        %parallel_loop3A_383 = tpu.vector_load_idx %arg6[%parallel_loop3A_382] : memref<28672xi32, #tpu.memory_space<vmem>>[vector<16xi32>], vector<16xi32>,
        %parallel_loop3A_384 = vector.bitcast %parallel_loop3A_383 : vector<16xi32> to vector<32xbf16>
        %parallel_loop3A_385 = arith.constant 2 : i32
        %parallel_loop3A_386 = vector.broadcast %parallel_loop3A_385 : i32 to vector<16xi32>
        %parallel_loop3A_387 = arith.addi %parallel_loop3A_305, %parallel_loop3A_386 : vector<16xi32>
        %parallel_loop3A_388 = tpu.vector_load_idx %arg6[%parallel_loop3A_387] : memref<28672xi32, #tpu.memory_space<vmem>>[vector<16xi32>], vector<16xi32>,
        %parallel_loop3A_389 = vector.bitcast %parallel_loop3A_388 : vector<16xi32> to vector<32xbf16>
        %parallel_loop3A_390 = arith.addf %parallel_loop3A_374, %parallel_loop3A_379 : vector<32xbf16>
        %parallel_loop3A_391 = arith.addf %parallel_loop3A_384, %parallel_loop3A_389 : vector<32xbf16>
        %parallel_loop3A_392 = arith.addf %parallel_loop3A_390, %parallel_loop3A_391 : vector<32xbf16>
        %parallel_loop3A_393 = arith.constant 0.000000e+00 : bf16
        %parallel_loop3A_394 = vector.broadcast %parallel_loop3A_393 : bf16 to vector<32xbf16>
        %parallel_loop3A_395 = arith.maximumf %parallel_loop3A_392, %parallel_loop3A_394 : vector<32xbf16>
        %parallel_loop3A_396 = tpu.unpack_subelements %parallel_loop3A_395, 0 {pack_format = #tpu.pack_format<interleaved>} : vector<32xbf16> -> vector<16xf32>
        %parallel_loop3A_397 = tpu.unpack_subelements %parallel_loop3A_395, 1 {pack_format = #tpu.pack_format<interleaved>} : vector<32xbf16> -> vector<16xf32>
        %parallel_loop3A_398 = arith.constant 4 : i32
        %parallel_loop3A_399 = vector.broadcast %parallel_loop3A_398 : i32 to vector<16xi32>
        tpu.vector_store_idx %arg11[%parallel_loop3A_399, %parallel_loop3A_290], %parallel_loop3A_396 : memref<12x512xf32, #tpu.memory_space<vmem>>[vector<16xi32>, vector<16xi32>], vector<16xf32>,
        %parallel_loop3A_400 = arith.constant 5 : i32
        %parallel_loop3A_401 = vector.broadcast %parallel_loop3A_400 : i32 to vector<16xi32>
        tpu.vector_store_idx %arg11[%parallel_loop3A_401, %parallel_loop3A_290], %parallel_loop3A_397 : memref<12x512xf32, #tpu.memory_space<vmem>>[vector<16xi32>, vector<16xi32>], vector<16xf32>,
        %parallel_loop3A_402 = arith.constant 3 : i32
        %parallel_loop3A_403 = vector.broadcast %parallel_loop3A_402 : i32 to vector<16xi32>
        %parallel_loop3A_404 = arith.addi %parallel_loop3A_302, %parallel_loop3A_403 : vector<16xi32>
        %parallel_loop3A_405 = tpu.vector_load_idx %arg6[%parallel_loop3A_404] : memref<28672xi32, #tpu.memory_space<vmem>>[vector<16xi32>], vector<16xi32>,
        %parallel_loop3A_406 = vector.bitcast %parallel_loop3A_405 : vector<16xi32> to vector<32xbf16>
        %parallel_loop3A_407 = arith.constant 3 : i32
        %parallel_loop3A_408 = vector.broadcast %parallel_loop3A_407 : i32 to vector<16xi32>
        %parallel_loop3A_409 = arith.addi %parallel_loop3A_303, %parallel_loop3A_408 : vector<16xi32>
        %parallel_loop3A_410 = tpu.vector_load_idx %arg6[%parallel_loop3A_409] : memref<28672xi32, #tpu.memory_space<vmem>>[vector<16xi32>], vector<16xi32>,
        %parallel_loop3A_411 = vector.bitcast %parallel_loop3A_410 : vector<16xi32> to vector<32xbf16>
        %parallel_loop3A_412 = arith.constant 3 : i32
        %parallel_loop3A_413 = vector.broadcast %parallel_loop3A_412 : i32 to vector<16xi32>
        %parallel_loop3A_414 = arith.addi %parallel_loop3A_304, %parallel_loop3A_413 : vector<16xi32>
        %parallel_loop3A_415 = tpu.vector_load_idx %arg6[%parallel_loop3A_414] : memref<28672xi32, #tpu.memory_space<vmem>>[vector<16xi32>], vector<16xi32>,
        %parallel_loop3A_416 = vector.bitcast %parallel_loop3A_415 : vector<16xi32> to vector<32xbf16>
        %parallel_loop3A_417 = arith.constant 3 : i32
        %parallel_loop3A_418 = vector.broadcast %parallel_loop3A_417 : i32 to vector<16xi32>
        %parallel_loop3A_419 = arith.addi %parallel_loop3A_305, %parallel_loop3A_418 : vector<16xi32>
        %parallel_loop3A_420 = tpu.vector_load_idx %arg6[%parallel_loop3A_419] : memref<28672xi32, #tpu.memory_space<vmem>>[vector<16xi32>], vector<16xi32>,
        %parallel_loop3A_421 = vector.bitcast %parallel_loop3A_420 : vector<16xi32> to vector<32xbf16>
        %parallel_loop3A_422 = arith.addf %parallel_loop3A_406, %parallel_loop3A_411 : vector<32xbf16>
        %parallel_loop3A_423 = arith.addf %parallel_loop3A_416, %parallel_loop3A_421 : vector<32xbf16>
        %parallel_loop3A_424 = arith.addf %parallel_loop3A_422, %parallel_loop3A_423 : vector<32xbf16>
        %parallel_loop3A_425 = arith.constant 0.000000e+00 : bf16
        %parallel_loop3A_426 = vector.broadcast %parallel_loop3A_425 : bf16 to vector<32xbf16>
        %parallel_loop3A_427 = arith.maximumf %parallel_loop3A_424, %parallel_loop3A_426 : vector<32xbf16>
        %parallel_loop3A_428 = tpu.unpack_subelements %parallel_loop3A_427, 0 {pack_format = #tpu.pack_format<interleaved>} : vector<32xbf16> -> vector<16xf32>
        %parallel_loop3A_429 = tpu.unpack_subelements %parallel_loop3A_427, 1 {pack_format = #tpu.pack_format<interleaved>} : vector<32xbf16> -> vector<16xf32>
        %parallel_loop3A_430 = arith.constant 6 : i32
        %parallel_loop3A_431 = vector.broadcast %parallel_loop3A_430 : i32 to vector<16xi32>
        tpu.vector_store_idx %arg11[%parallel_loop3A_431, %parallel_loop3A_290], %parallel_loop3A_428 : memref<12x512xf32, #tpu.memory_space<vmem>>[vector<16xi32>, vector<16xi32>], vector<16xf32>,
        %parallel_loop3A_432 = arith.constant 7 : i32
        %parallel_loop3A_433 = vector.broadcast %parallel_loop3A_432 : i32 to vector<16xi32>
        tpu.vector_store_idx %arg11[%parallel_loop3A_433, %parallel_loop3A_290], %parallel_loop3A_429 : memref<12x512xf32, #tpu.memory_space<vmem>>[vector<16xi32>, vector<16xi32>], vector<16xf32>,
        %parallel_loop3A_434 = arith.constant 4 : i32
        %parallel_loop3A_435 = vector.broadcast %parallel_loop3A_434 : i32 to vector<16xi32>
        %parallel_loop3A_436 = arith.addi %parallel_loop3A_302, %parallel_loop3A_435 : vector<16xi32>
        %parallel_loop3A_437 = tpu.vector_load_idx %arg6[%parallel_loop3A_436] : memref<28672xi32, #tpu.memory_space<vmem>>[vector<16xi32>], vector<16xi32>,
        %parallel_loop3A_438 = vector.bitcast %parallel_loop3A_437 : vector<16xi32> to vector<32xbf16>
        %parallel_loop3A_439 = arith.constant 4 : i32
        %parallel_loop3A_440 = vector.broadcast %parallel_loop3A_439 : i32 to vector<16xi32>
        %parallel_loop3A_441 = arith.addi %parallel_loop3A_303, %parallel_loop3A_440 : vector<16xi32>
        %parallel_loop3A_442 = tpu.vector_load_idx %arg6[%parallel_loop3A_441] : memref<28672xi32, #tpu.memory_space<vmem>>[vector<16xi32>], vector<16xi32>,
        %parallel_loop3A_443 = vector.bitcast %parallel_loop3A_442 : vector<16xi32> to vector<32xbf16>
        %parallel_loop3A_444 = arith.constant 4 : i32
        %parallel_loop3A_445 = vector.broadcast %parallel_loop3A_444 : i32 to vector<16xi32>
        %parallel_loop3A_446 = arith.addi %parallel_loop3A_304, %parallel_loop3A_445 : vector<16xi32>
        %parallel_loop3A_447 = tpu.vector_load_idx %arg6[%parallel_loop3A_446] : memref<28672xi32, #tpu.memory_space<vmem>>[vector<16xi32>], vector<16xi32>,
        %parallel_loop3A_448 = vector.bitcast %parallel_loop3A_447 : vector<16xi32> to vector<32xbf16>
        %parallel_loop3A_449 = arith.constant 4 : i32
        %parallel_loop3A_450 = vector.broadcast %parallel_loop3A_449 : i32 to vector<16xi32>
        %parallel_loop3A_451 = arith.addi %parallel_loop3A_305, %parallel_loop3A_450 : vector<16xi32>
        %parallel_loop3A_452 = tpu.vector_load_idx %arg6[%parallel_loop3A_451] : memref<28672xi32, #tpu.memory_space<vmem>>[vector<16xi32>], vector<16xi32>,
        %parallel_loop3A_453 = vector.bitcast %parallel_loop3A_452 : vector<16xi32> to vector<32xbf16>
        %parallel_loop3A_454 = arith.addf %parallel_loop3A_438, %parallel_loop3A_443 : vector<32xbf16>
        %parallel_loop3A_455 = arith.addf %parallel_loop3A_448, %parallel_loop3A_453 : vector<32xbf16>
        %parallel_loop3A_456 = arith.addf %parallel_loop3A_454, %parallel_loop3A_455 : vector<32xbf16>
        %parallel_loop3A_457 = arith.constant 0.000000e+00 : bf16
        %parallel_loop3A_458 = vector.broadcast %parallel_loop3A_457 : bf16 to vector<32xbf16>
        %parallel_loop3A_459 = arith.maximumf %parallel_loop3A_456, %parallel_loop3A_458 : vector<32xbf16>
        %parallel_loop3A_460 = tpu.unpack_subelements %parallel_loop3A_459, 0 {pack_format = #tpu.pack_format<interleaved>} : vector<32xbf16> -> vector<16xf32>
        %parallel_loop3A_461 = tpu.unpack_subelements %parallel_loop3A_459, 1 {pack_format = #tpu.pack_format<interleaved>} : vector<32xbf16> -> vector<16xf32>
        %parallel_loop3A_462 = arith.constant 8 : i32
        %parallel_loop3A_463 = vector.broadcast %parallel_loop3A_462 : i32 to vector<16xi32>
        tpu.vector_store_idx %arg11[%parallel_loop3A_463, %parallel_loop3A_290], %parallel_loop3A_460 : memref<12x512xf32, #tpu.memory_space<vmem>>[vector<16xi32>, vector<16xi32>], vector<16xf32>,
        %parallel_loop3A_464 = arith.constant 9 : i32
        %parallel_loop3A_465 = vector.broadcast %parallel_loop3A_464 : i32 to vector<16xi32>
        tpu.vector_store_idx %arg11[%parallel_loop3A_465, %parallel_loop3A_290], %parallel_loop3A_461 : memref<12x512xf32, #tpu.memory_space<vmem>>[vector<16xi32>, vector<16xi32>], vector<16xf32>,
        %parallel_loop3A_466 = arith.constant 5 : i32
        %parallel_loop3A_467 = vector.broadcast %parallel_loop3A_466 : i32 to vector<16xi32>
        %parallel_loop3A_468 = arith.addi %parallel_loop3A_302, %parallel_loop3A_467 : vector<16xi32>
        %parallel_loop3A_469 = tpu.vector_load_idx %arg6[%parallel_loop3A_468] : memref<28672xi32, #tpu.memory_space<vmem>>[vector<16xi32>], vector<16xi32>,
        %parallel_loop3A_470 = vector.bitcast %parallel_loop3A_469 : vector<16xi32> to vector<32xbf16>
        %parallel_loop3A_471 = arith.constant 5 : i32
        %parallel_loop3A_472 = vector.broadcast %parallel_loop3A_471 : i32 to vector<16xi32>
        %parallel_loop3A_473 = arith.addi %parallel_loop3A_303, %parallel_loop3A_472 : vector<16xi32>
        %parallel_loop3A_474 = tpu.vector_load_idx %arg6[%parallel_loop3A_473] : memref<28672xi32, #tpu.memory_space<vmem>>[vector<16xi32>], vector<16xi32>,
        %parallel_loop3A_475 = vector.bitcast %parallel_loop3A_474 : vector<16xi32> to vector<32xbf16>
        %parallel_loop3A_476 = arith.constant 5 : i32
        %parallel_loop3A_477 = vector.broadcast %parallel_loop3A_476 : i32 to vector<16xi32>
        %parallel_loop3A_478 = arith.addi %parallel_loop3A_304, %parallel_loop3A_477 : vector<16xi32>
        %parallel_loop3A_479 = tpu.vector_load_idx %arg6[%parallel_loop3A_478] : memref<28672xi32, #tpu.memory_space<vmem>>[vector<16xi32>], vector<16xi32>,
        %parallel_loop3A_480 = vector.bitcast %parallel_loop3A_479 : vector<16xi32> to vector<32xbf16>
        %parallel_loop3A_481 = arith.constant 5 : i32
        %parallel_loop3A_482 = vector.broadcast %parallel_loop3A_481 : i32 to vector<16xi32>
        %parallel_loop3A_483 = arith.addi %parallel_loop3A_305, %parallel_loop3A_482 : vector<16xi32>
        %parallel_loop3A_484 = tpu.vector_load_idx %arg6[%parallel_loop3A_483] : memref<28672xi32, #tpu.memory_space<vmem>>[vector<16xi32>], vector<16xi32>,
        %parallel_loop3A_485 = vector.bitcast %parallel_loop3A_484 : vector<16xi32> to vector<32xbf16>
        %parallel_loop3A_486 = arith.addf %parallel_loop3A_470, %parallel_loop3A_475 : vector<32xbf16>
        %parallel_loop3A_487 = arith.addf %parallel_loop3A_480, %parallel_loop3A_485 : vector<32xbf16>
        %parallel_loop3A_488 = arith.addf %parallel_loop3A_486, %parallel_loop3A_487 : vector<32xbf16>
        %parallel_loop3A_489 = arith.constant 0.000000e+00 : bf16
        %parallel_loop3A_490 = vector.broadcast %parallel_loop3A_489 : bf16 to vector<32xbf16>
        %parallel_loop3A_491 = arith.maximumf %parallel_loop3A_488, %parallel_loop3A_490 : vector<32xbf16>
        %parallel_loop3A_492 = tpu.unpack_subelements %parallel_loop3A_491, 0 {pack_format = #tpu.pack_format<interleaved>} : vector<32xbf16> -> vector<16xf32>
        %parallel_loop3A_493 = tpu.unpack_subelements %parallel_loop3A_491, 1 {pack_format = #tpu.pack_format<interleaved>} : vector<32xbf16> -> vector<16xf32>
        %parallel_loop3A_494 = arith.constant 10 : i32
        %parallel_loop3A_495 = vector.broadcast %parallel_loop3A_494 : i32 to vector<16xi32>
        tpu.vector_store_idx %arg11[%parallel_loop3A_495, %parallel_loop3A_290], %parallel_loop3A_492 : memref<12x512xf32, #tpu.memory_space<vmem>>[vector<16xi32>, vector<16xi32>], vector<16xf32>,
        %parallel_loop3A_496 = arith.constant 11 : i32
        %parallel_loop3A_497 = vector.broadcast %parallel_loop3A_496 : i32 to vector<16xi32>
        tpu.vector_store_idx %arg11[%parallel_loop3A_497, %parallel_loop3A_290], %parallel_loop3A_493 : memref<12x512xf32, #tpu.memory_space<vmem>>[vector<16xi32>, vector<16xi32>], vector<16xf32>,
      } {sc.loop_unroll_factor = 2 : i64, sc.parallel_access}
      %dma_start3A_221 = arith.constant 0 : i32
      %dma_start3A_222 = arith.constant 0 : i32
      %dma_start3A_223 = tpu.memref_slice %arg5[%select_n3A, %dma_start3A_221, %add3A_193, %dma_start3A_222] : memref<4x12x512x512xf32, #tpu.memory_space<hbm>> -> memref<1x12x1x512xf32, #tpu.memory_space<hbm>>
      %dma_start3A_224 = tpu.memref_squeeze %dma_start3A_223 : memref<1x12x1x512xf32, #tpu.memory_space<hbm>> -> memref<12x512xf32, #tpu.memory_space<hbm>>
      %dma_start3A_225 = arith.constant 0 : i32
      %dma_start3A_226 = arith.constant 0 : i32
      %dma_start3A_227 = tpu.memref_slice %arg5[%select_n3A, %dma_start3A_225, %add3A_193, %dma_start3A_226] : memref<4x12x512x512xf32, #tpu.memory_space<hbm>> -> memref<1x12x1x512xf32, #tpu.memory_space<hbm>>
      %dma_start3A_228 = tpu.memref_squeeze %dma_start3A_227 : memref<1x12x1x512xf32, #tpu.memory_space<hbm>> -> memref<12x512xf32, #tpu.memory_space<hbm>>
      tpu.enqueue_dma source(%arg11 : memref<12x512xf32, #tpu.memory_space<vmem>>) target(%dma_start3A_228 : memref<12x512xf32, #tpu.memory_space<hbm>>) target_semaphore(%arg15 : memref<!tpu.dma_semaphore, #tpu.memory_space<semaphore_mem>>)
      %mul3A_229 = arith.constant 4 : i32
      %mul3A_230 = arith.muli %scan3A_62, %mul3A_229 : i32
      %add3A_231 = arith.constant 3 : i32
      %add3A_232 = arith.addi %mul3A_230, %add3A_231 : i32
      %jit3A_233 = arith.constant 8 : i32
      %eq3A_234 = arith.constant 0 : i32
      %eq3A_235 = arith.cmpi eq, %jit3A_233, %eq3A_234 : i32
      %jit3A_236 = arith.constant 1 : i32
      %select_n3A_237 = arith.select %eq3A_235, %jit3A_236, %jit3A_233 : i32
      %rem3A_238 = arith.remsi %add3A, %select_n3A_237 : i32
      %ne3A_239 = arith.constant 0 : i32
      %ne3A_240 = arith.cmpi ne, %rem3A_238, %ne3A_239 : i32
      %lt3A_241 = arith.constant 0 : i32
      %lt3A_242 = arith.cmpi slt, %rem3A_238, %lt3A_241 : i32
      %lt3A_243 = arith.constant 0 : i32
      %lt3A_244 = arith.cmpi slt, %select_n3A_237, %lt3A_243 : i32
      %ne3A_245 = arith.xori %lt3A_242, %lt3A_244 : i1
      %and3A_246 = arith.andi %ne3A_245, %ne3A_240 : i1
      %add3A_247 = arith.addi %rem3A_238, %select_n3A_237 : i32
      %select_n3A_248 = arith.select %and3A_246, %add3A_247, %rem3A_238 : i32
      %mul3A_249 = arith.constant 64 : i32
      %mul3A_250 = arith.muli %select_n3A_248, %mul3A_249 : i32
      %add3A_251 = arith.addi %mul3A_250, %add3A_232 : i32
      %gt3A_252 = arith.constant 0 : i32
      %gt3A_253 = arith.cmpi sgt, %scan3A_62, %gt3A_252 : i32
      %convert_element_type3A_254 = arith.extui %gt3A_253 : i1 to i32
      %cond3A_255 = arith.constant 0 : i32
      %cond3A_256 = arith.cmpi ne, %convert_element_type3A_254, %cond3A_255 : i32
      scf.if %cond3A_256 {
        %dma_wait3A_288 = arith.constant 0 : i32
        %dma_wait3A_289 = arith.constant 0 : i32
        %dma_wait3A_290 = arith.constant 0 : i32
        %dma_wait3A_291 = arith.constant 0 : i32
        %dma_wait3A_292 = tpu.memref_slice %arg5[%dma_wait3A_288, %dma_wait3A_290, %dma_wait3A_289, %dma_wait3A_291] : memref<4x12x512x512xf32, #tpu.memory_space<hbm>> -> memref<1x12x1x512xf32, #tpu.memory_space<hbm>>
        %dma_wait3A_293 = tpu.memref_squeeze %dma_wait3A_292 : memref<1x12x1x512xf32, #tpu.memory_space<hbm>> -> memref<12x512xf32, #tpu.memory_space<hbm>>
        %dma_wait3A_294 = arith.constant 0 : i32
        %dma_wait3A_295 = arith.constant 0 : i32
        %dma_wait3A_296 = tpu.memref_slice %arg5[%dma_wait3A_288, %dma_wait3A_294, %dma_wait3A_289, %dma_wait3A_295] : memref<4x12x512x512xf32, #tpu.memory_space<hbm>> -> memref<1x12x1x512xf32, #tpu.memory_space<hbm>>
        %dma_wait3A_297 = tpu.memref_squeeze %dma_wait3A_296 : memref<1x12x1x512xf32, #tpu.memory_space<hbm>> -> memref<12x512xf32, #tpu.memory_space<hbm>>
        tpu.wait_dma2 semaphore(%arg16 : memref<!tpu.dma_semaphore, #tpu.memory_space<semaphore_mem>>) src(%arg12 : memref<12x512xf32, #tpu.memory_space<vmem>>) dst(%dma_wait3A_297 : memref<12x512xf32, #tpu.memory_space<hbm>>)
      } else {
      }
      %broadcast_in_dim3A_257 = vector.broadcast %add3A_251 : i32 to vector<16xi32>
      %gather3A_258 = tpu.vector_load_idx %arg7[%broadcast_in_dim3A_257] : memref<512xi32, #tpu.memory_space<vmem>>[vector<16xi32>], vector<16xi32>,
      %broadcast_in_dim3A_259 = vector.broadcast %add3A_251 : i32 to vector<16xi32>
      %gather3A_260 = tpu.vector_load_idx %arg8[%broadcast_in_dim3A_259] : memref<512xi32, #tpu.memory_space<vmem>>[vector<16xi32>], vector<16xi32>,
      %add3A_261 = arith.constant 512 : i32
      %add3A_262 = vector.broadcast %add3A_261 : i32 to vector<16xi32>
      %add3A_263 = arith.addi %gather3A_258, %add3A_262 : vector<16xi32>
      %mul3A_264 = arith.constant 7 : i32
      %mul3A_265 = vector.broadcast %mul3A_264 : i32 to vector<16xi32>
      %mul3A_266 = arith.muli %add3A_263, %mul3A_265 : vector<16xi32>
      %add3A_267 = arith.constant 512 : i32
      %add3A_268 = vector.broadcast %add3A_267 : i32 to vector<16xi32>
      %add3A_269 = arith.addi %gather3A_260, %add3A_268 : vector<16xi32>
      %mul3A_270 = arith.constant 7 : i32
      %mul3A_271 = vector.broadcast %mul3A_270 : i32 to vector<16xi32>
      %mul3A_272 = arith.muli %add3A_269, %mul3A_271 : vector<16xi32>
      %add3A_273 = arith.constant 14336 : i32
      %add3A_274 = vector.broadcast %add3A_273 : i32 to vector<16xi32>
      %add3A_275 = arith.addi %mul3A_272, %add3A_274 : vector<16xi32>
      %parallel_loop3A_276 = arith.constant 0 : i32
      %parallel_loop3A_277 = arith.constant 512 : i32
      %parallel_loop3A_278 = arith.constant 16 : i32
      scf.for %parallel_loop3A_288 = %parallel_loop3A_276 to %parallel_loop3A_277 step %parallel_loop3A_278  : i32 {
        %parallel_loop3A_289 = vector.broadcast %parallel_loop3A_288 : i32 to vector<16xi32>
        %parallel_loop3A_290 = arith.addi %parallel_loop3A_289, %iota3A : vector<16xi32>
        %parallel_loop3A_291 = tpu.vector_load_idx %arg7[%parallel_loop3A_290] : memref<512xi32, #tpu.memory_space<vmem>>[vector<16xi32>], vector<16xi32>,
        %parallel_loop3A_292 = tpu.vector_load_idx %arg8[%parallel_loop3A_290] : memref<512xi32, #tpu.memory_space<vmem>>[vector<16xi32>], vector<16xi32>,
        %parallel_loop3A_293 = arith.constant 7 : i32
        %parallel_loop3A_294 = vector.broadcast %parallel_loop3A_293 : i32 to vector<16xi32>
        %parallel_loop3A_295 = arith.muli %parallel_loop3A_291, %parallel_loop3A_294 : vector<16xi32>
        %parallel_loop3A_296 = arith.constant 7 : i32
        %parallel_loop3A_297 = vector.broadcast %parallel_loop3A_296 : i32 to vector<16xi32>
        %parallel_loop3A_298 = arith.muli %parallel_loop3A_292, %parallel_loop3A_297 : vector<16xi32>
        %parallel_loop3A_299 = arith.constant 7168 : i32
        %parallel_loop3A_300 = vector.broadcast %parallel_loop3A_299 : i32 to vector<16xi32>
        %parallel_loop3A_301 = arith.subi %parallel_loop3A_298, %parallel_loop3A_300 : vector<16xi32>
        %parallel_loop3A_302 = arith.subi %mul3A_266, %parallel_loop3A_295 : vector<16xi32>
        %parallel_loop3A_303 = arith.subi %mul3A_266, %parallel_loop3A_301 : vector<16xi32>
        %parallel_loop3A_304 = arith.subi %add3A_275, %parallel_loop3A_295 : vector<16xi32>
        %parallel_loop3A_305 = arith.subi %add3A_275, %parallel_loop3A_301 : vector<16xi32>
        %parallel_loop3A_306 = arith.constant 0 : i32
        %parallel_loop3A_307 = vector.broadcast %parallel_loop3A_306 : i32 to vector<16xi32>
        %parallel_loop3A_308 = arith.addi %parallel_loop3A_302, %parallel_loop3A_307 : vector<16xi32>
        %parallel_loop3A_309 = tpu.vector_load_idx %arg6[%parallel_loop3A_308] : memref<28672xi32, #tpu.memory_space<vmem>>[vector<16xi32>], vector<16xi32>,
        %parallel_loop3A_310 = vector.bitcast %parallel_loop3A_309 : vector<16xi32> to vector<32xbf16>
        %parallel_loop3A_311 = arith.constant 0 : i32
        %parallel_loop3A_312 = vector.broadcast %parallel_loop3A_311 : i32 to vector<16xi32>
        %parallel_loop3A_313 = arith.addi %parallel_loop3A_303, %parallel_loop3A_312 : vector<16xi32>
        %parallel_loop3A_314 = tpu.vector_load_idx %arg6[%parallel_loop3A_313] : memref<28672xi32, #tpu.memory_space<vmem>>[vector<16xi32>], vector<16xi32>,
        %parallel_loop3A_315 = vector.bitcast %parallel_loop3A_314 : vector<16xi32> to vector<32xbf16>
        %parallel_loop3A_316 = arith.constant 0 : i32
        %parallel_loop3A_317 = vector.broadcast %parallel_loop3A_316 : i32 to vector<16xi32>
        %parallel_loop3A_318 = arith.addi %parallel_loop3A_304, %parallel_loop3A_317 : vector<16xi32>
        %parallel_loop3A_319 = tpu.vector_load_idx %arg6[%parallel_loop3A_318] : memref<28672xi32, #tpu.memory_space<vmem>>[vector<16xi32>], vector<16xi32>,
        %parallel_loop3A_320 = vector.bitcast %parallel_loop3A_319 : vector<16xi32> to vector<32xbf16>
        %parallel_loop3A_321 = arith.constant 0 : i32
        %parallel_loop3A_322 = vector.broadcast %parallel_loop3A_321 : i32 to vector<16xi32>
        %parallel_loop3A_323 = arith.addi %parallel_loop3A_305, %parallel_loop3A_322 : vector<16xi32>
        %parallel_loop3A_324 = tpu.vector_load_idx %arg6[%parallel_loop3A_323] : memref<28672xi32, #tpu.memory_space<vmem>>[vector<16xi32>], vector<16xi32>,
        %parallel_loop3A_325 = vector.bitcast %parallel_loop3A_324 : vector<16xi32> to vector<32xbf16>
        %parallel_loop3A_326 = arith.addf %parallel_loop3A_310, %parallel_loop3A_315 : vector<32xbf16>
        %parallel_loop3A_327 = arith.addf %parallel_loop3A_320, %parallel_loop3A_325 : vector<32xbf16>
        %parallel_loop3A_328 = arith.addf %parallel_loop3A_326, %parallel_loop3A_327 : vector<32xbf16>
        %parallel_loop3A_329 = arith.constant 0.000000e+00 : bf16
        %parallel_loop3A_330 = vector.broadcast %parallel_loop3A_329 : bf16 to vector<32xbf16>
        %parallel_loop3A_331 = arith.maximumf %parallel_loop3A_328, %parallel_loop3A_330 : vector<32xbf16>
        %parallel_loop3A_332 = tpu.unpack_subelements %parallel_loop3A_331, 0 {pack_format = #tpu.pack_format<interleaved>} : vector<32xbf16> -> vector<16xf32>
        %parallel_loop3A_333 = tpu.unpack_subelements %parallel_loop3A_331, 1 {pack_format = #tpu.pack_format<interleaved>} : vector<32xbf16> -> vector<16xf32>
        %parallel_loop3A_334 = arith.constant 0 : i32
        %parallel_loop3A_335 = vector.broadcast %parallel_loop3A_334 : i32 to vector<16xi32>
        tpu.vector_store_idx %arg12[%parallel_loop3A_335, %parallel_loop3A_290], %parallel_loop3A_332 : memref<12x512xf32, #tpu.memory_space<vmem>>[vector<16xi32>, vector<16xi32>], vector<16xf32>,
        %parallel_loop3A_336 = arith.constant 1 : i32
        %parallel_loop3A_337 = vector.broadcast %parallel_loop3A_336 : i32 to vector<16xi32>
        tpu.vector_store_idx %arg12[%parallel_loop3A_337, %parallel_loop3A_290], %parallel_loop3A_333 : memref<12x512xf32, #tpu.memory_space<vmem>>[vector<16xi32>, vector<16xi32>], vector<16xf32>,
        %parallel_loop3A_338 = arith.constant 1 : i32
        %parallel_loop3A_339 = vector.broadcast %parallel_loop3A_338 : i32 to vector<16xi32>
        %parallel_loop3A_340 = arith.addi %parallel_loop3A_302, %parallel_loop3A_339 : vector<16xi32>
        %parallel_loop3A_341 = tpu.vector_load_idx %arg6[%parallel_loop3A_340] : memref<28672xi32, #tpu.memory_space<vmem>>[vector<16xi32>], vector<16xi32>,
        %parallel_loop3A_342 = vector.bitcast %parallel_loop3A_341 : vector<16xi32> to vector<32xbf16>
        %parallel_loop3A_343 = arith.constant 1 : i32
        %parallel_loop3A_344 = vector.broadcast %parallel_loop3A_343 : i32 to vector<16xi32>
        %parallel_loop3A_345 = arith.addi %parallel_loop3A_303, %parallel_loop3A_344 : vector<16xi32>
        %parallel_loop3A_346 = tpu.vector_load_idx %arg6[%parallel_loop3A_345] : memref<28672xi32, #tpu.memory_space<vmem>>[vector<16xi32>], vector<16xi32>,
        %parallel_loop3A_347 = vector.bitcast %parallel_loop3A_346 : vector<16xi32> to vector<32xbf16>
        %parallel_loop3A_348 = arith.constant 1 : i32
        %parallel_loop3A_349 = vector.broadcast %parallel_loop3A_348 : i32 to vector<16xi32>
        %parallel_loop3A_350 = arith.addi %parallel_loop3A_304, %parallel_loop3A_349 : vector<16xi32>
        %parallel_loop3A_351 = tpu.vector_load_idx %arg6[%parallel_loop3A_350] : memref<28672xi32, #tpu.memory_space<vmem>>[vector<16xi32>], vector<16xi32>,
        %parallel_loop3A_352 = vector.bitcast %parallel_loop3A_351 : vector<16xi32> to vector<32xbf16>
        %parallel_loop3A_353 = arith.constant 1 : i32
        %parallel_loop3A_354 = vector.broadcast %parallel_loop3A_353 : i32 to vector<16xi32>
        %parallel_loop3A_355 = arith.addi %parallel_loop3A_305, %parallel_loop3A_354 : vector<16xi32>
        %parallel_loop3A_356 = tpu.vector_load_idx %arg6[%parallel_loop3A_355] : memref<28672xi32, #tpu.memory_space<vmem>>[vector<16xi32>], vector<16xi32>,
        %parallel_loop3A_357 = vector.bitcast %parallel_loop3A_356 : vector<16xi32> to vector<32xbf16>
        %parallel_loop3A_358 = arith.addf %parallel_loop3A_342, %parallel_loop3A_347 : vector<32xbf16>
        %parallel_loop3A_359 = arith.addf %parallel_loop3A_352, %parallel_loop3A_357 : vector<32xbf16>
        %parallel_loop3A_360 = arith.addf %parallel_loop3A_358, %parallel_loop3A_359 : vector<32xbf16>
        %parallel_loop3A_361 = arith.constant 0.000000e+00 : bf16
        %parallel_loop3A_362 = vector.broadcast %parallel_loop3A_361 : bf16 to vector<32xbf16>
        %parallel_loop3A_363 = arith.maximumf %parallel_loop3A_360, %parallel_loop3A_362 : vector<32xbf16>
        %parallel_loop3A_364 = tpu.unpack_subelements %parallel_loop3A_363, 0 {pack_format = #tpu.pack_format<interleaved>} : vector<32xbf16> -> vector<16xf32>
        %parallel_loop3A_365 = tpu.unpack_subelements %parallel_loop3A_363, 1 {pack_format = #tpu.pack_format<interleaved>} : vector<32xbf16> -> vector<16xf32>
        %parallel_loop3A_366 = arith.constant 2 : i32
        %parallel_loop3A_367 = vector.broadcast %parallel_loop3A_366 : i32 to vector<16xi32>
        tpu.vector_store_idx %arg12[%parallel_loop3A_367, %parallel_loop3A_290], %parallel_loop3A_364 : memref<12x512xf32, #tpu.memory_space<vmem>>[vector<16xi32>, vector<16xi32>], vector<16xf32>,
        %parallel_loop3A_368 = arith.constant 3 : i32
        %parallel_loop3A_369 = vector.broadcast %parallel_loop3A_368 : i32 to vector<16xi32>
        tpu.vector_store_idx %arg12[%parallel_loop3A_369, %parallel_loop3A_290], %parallel_loop3A_365 : memref<12x512xf32, #tpu.memory_space<vmem>>[vector<16xi32>, vector<16xi32>], vector<16xf32>,
        %parallel_loop3A_370 = arith.constant 2 : i32
        %parallel_loop3A_371 = vector.broadcast %parallel_loop3A_370 : i32 to vector<16xi32>
        %parallel_loop3A_372 = arith.addi %parallel_loop3A_302, %parallel_loop3A_371 : vector<16xi32>
        %parallel_loop3A_373 = tpu.vector_load_idx %arg6[%parallel_loop3A_372] : memref<28672xi32, #tpu.memory_space<vmem>>[vector<16xi32>], vector<16xi32>,
        %parallel_loop3A_374 = vector.bitcast %parallel_loop3A_373 : vector<16xi32> to vector<32xbf16>
        %parallel_loop3A_375 = arith.constant 2 : i32
        %parallel_loop3A_376 = vector.broadcast %parallel_loop3A_375 : i32 to vector<16xi32>
        %parallel_loop3A_377 = arith.addi %parallel_loop3A_303, %parallel_loop3A_376 : vector<16xi32>
        %parallel_loop3A_378 = tpu.vector_load_idx %arg6[%parallel_loop3A_377] : memref<28672xi32, #tpu.memory_space<vmem>>[vector<16xi32>], vector<16xi32>,
        %parallel_loop3A_379 = vector.bitcast %parallel_loop3A_378 : vector<16xi32> to vector<32xbf16>
        %parallel_loop3A_380 = arith.constant 2 : i32
        %parallel_loop3A_381 = vector.broadcast %parallel_loop3A_380 : i32 to vector<16xi32>
        %parallel_loop3A_382 = arith.addi %parallel_loop3A_304, %parallel_loop3A_381 : vector<16xi32>
        %parallel_loop3A_383 = tpu.vector_load_idx %arg6[%parallel_loop3A_382] : memref<28672xi32, #tpu.memory_space<vmem>>[vector<16xi32>], vector<16xi32>,
        %parallel_loop3A_384 = vector.bitcast %parallel_loop3A_383 : vector<16xi32> to vector<32xbf16>
        %parallel_loop3A_385 = arith.constant 2 : i32
        %parallel_loop3A_386 = vector.broadcast %parallel_loop3A_385 : i32 to vector<16xi32>
        %parallel_loop3A_387 = arith.addi %parallel_loop3A_305, %parallel_loop3A_386 : vector<16xi32>
        %parallel_loop3A_388 = tpu.vector_load_idx %arg6[%parallel_loop3A_387] : memref<28672xi32, #tpu.memory_space<vmem>>[vector<16xi32>], vector<16xi32>,
        %parallel_loop3A_389 = vector.bitcast %parallel_loop3A_388 : vector<16xi32> to vector<32xbf16>
        %parallel_loop3A_390 = arith.addf %parallel_loop3A_374, %parallel_loop3A_379 : vector<32xbf16>
        %parallel_loop3A_391 = arith.addf %parallel_loop3A_384, %parallel_loop3A_389 : vector<32xbf16>
        %parallel_loop3A_392 = arith.addf %parallel_loop3A_390, %parallel_loop3A_391 : vector<32xbf16>
        %parallel_loop3A_393 = arith.constant 0.000000e+00 : bf16
        %parallel_loop3A_394 = vector.broadcast %parallel_loop3A_393 : bf16 to vector<32xbf16>
        %parallel_loop3A_395 = arith.maximumf %parallel_loop3A_392, %parallel_loop3A_394 : vector<32xbf16>
        %parallel_loop3A_396 = tpu.unpack_subelements %parallel_loop3A_395, 0 {pack_format = #tpu.pack_format<interleaved>} : vector<32xbf16> -> vector<16xf32>
        %parallel_loop3A_397 = tpu.unpack_subelements %parallel_loop3A_395, 1 {pack_format = #tpu.pack_format<interleaved>} : vector<32xbf16> -> vector<16xf32>
        %parallel_loop3A_398 = arith.constant 4 : i32
        %parallel_loop3A_399 = vector.broadcast %parallel_loop3A_398 : i32 to vector<16xi32>
        tpu.vector_store_idx %arg12[%parallel_loop3A_399, %parallel_loop3A_290], %parallel_loop3A_396 : memref<12x512xf32, #tpu.memory_space<vmem>>[vector<16xi32>, vector<16xi32>], vector<16xf32>,
        %parallel_loop3A_400 = arith.constant 5 : i32
        %parallel_loop3A_401 = vector.broadcast %parallel_loop3A_400 : i32 to vector<16xi32>
        tpu.vector_store_idx %arg12[%parallel_loop3A_401, %parallel_loop3A_290], %parallel_loop3A_397 : memref<12x512xf32, #tpu.memory_space<vmem>>[vector<16xi32>, vector<16xi32>], vector<16xf32>,
        %parallel_loop3A_402 = arith.constant 3 : i32
        %parallel_loop3A_403 = vector.broadcast %parallel_loop3A_402 : i32 to vector<16xi32>
        %parallel_loop3A_404 = arith.addi %parallel_loop3A_302, %parallel_loop3A_403 : vector<16xi32>
        %parallel_loop3A_405 = tpu.vector_load_idx %arg6[%parallel_loop3A_404] : memref<28672xi32, #tpu.memory_space<vmem>>[vector<16xi32>], vector<16xi32>,
        %parallel_loop3A_406 = vector.bitcast %parallel_loop3A_405 : vector<16xi32> to vector<32xbf16>
        %parallel_loop3A_407 = arith.constant 3 : i32
        %parallel_loop3A_408 = vector.broadcast %parallel_loop3A_407 : i32 to vector<16xi32>
        %parallel_loop3A_409 = arith.addi %parallel_loop3A_303, %parallel_loop3A_408 : vector<16xi32>
        %parallel_loop3A_410 = tpu.vector_load_idx %arg6[%parallel_loop3A_409] : memref<28672xi32, #tpu.memory_space<vmem>>[vector<16xi32>], vector<16xi32>,
        %parallel_loop3A_411 = vector.bitcast %parallel_loop3A_410 : vector<16xi32> to vector<32xbf16>
        %parallel_loop3A_412 = arith.constant 3 : i32
        %parallel_loop3A_413 = vector.broadcast %parallel_loop3A_412 : i32 to vector<16xi32>
        %parallel_loop3A_414 = arith.addi %parallel_loop3A_304, %parallel_loop3A_413 : vector<16xi32>
        %parallel_loop3A_415 = tpu.vector_load_idx %arg6[%parallel_loop3A_414] : memref<28672xi32, #tpu.memory_space<vmem>>[vector<16xi32>], vector<16xi32>,
        %parallel_loop3A_416 = vector.bitcast %parallel_loop3A_415 : vector<16xi32> to vector<32xbf16>
        %parallel_loop3A_417 = arith.constant 3 : i32
        %parallel_loop3A_418 = vector.broadcast %parallel_loop3A_417 : i32 to vector<16xi32>
        %parallel_loop3A_419 = arith.addi %parallel_loop3A_305, %parallel_loop3A_418 : vector<16xi32>
        %parallel_loop3A_420 = tpu.vector_load_idx %arg6[%parallel_loop3A_419] : memref<28672xi32, #tpu.memory_space<vmem>>[vector<16xi32>], vector<16xi32>,
        %parallel_loop3A_421 = vector.bitcast %parallel_loop3A_420 : vector<16xi32> to vector<32xbf16>
        %parallel_loop3A_422 = arith.addf %parallel_loop3A_406, %parallel_loop3A_411 : vector<32xbf16>
        %parallel_loop3A_423 = arith.addf %parallel_loop3A_416, %parallel_loop3A_421 : vector<32xbf16>
        %parallel_loop3A_424 = arith.addf %parallel_loop3A_422, %parallel_loop3A_423 : vector<32xbf16>
        %parallel_loop3A_425 = arith.constant 0.000000e+00 : bf16
        %parallel_loop3A_426 = vector.broadcast %parallel_loop3A_425 : bf16 to vector<32xbf16>
        %parallel_loop3A_427 = arith.maximumf %parallel_loop3A_424, %parallel_loop3A_426 : vector<32xbf16>
        %parallel_loop3A_428 = tpu.unpack_subelements %parallel_loop3A_427, 0 {pack_format = #tpu.pack_format<interleaved>} : vector<32xbf16> -> vector<16xf32>
        %parallel_loop3A_429 = tpu.unpack_subelements %parallel_loop3A_427, 1 {pack_format = #tpu.pack_format<interleaved>} : vector<32xbf16> -> vector<16xf32>
        %parallel_loop3A_430 = arith.constant 6 : i32
        %parallel_loop3A_431 = vector.broadcast %parallel_loop3A_430 : i32 to vector<16xi32>
        tpu.vector_store_idx %arg12[%parallel_loop3A_431, %parallel_loop3A_290], %parallel_loop3A_428 : memref<12x512xf32, #tpu.memory_space<vmem>>[vector<16xi32>, vector<16xi32>], vector<16xf32>,
        %parallel_loop3A_432 = arith.constant 7 : i32
        %parallel_loop3A_433 = vector.broadcast %parallel_loop3A_432 : i32 to vector<16xi32>
        tpu.vector_store_idx %arg12[%parallel_loop3A_433, %parallel_loop3A_290], %parallel_loop3A_429 : memref<12x512xf32, #tpu.memory_space<vmem>>[vector<16xi32>, vector<16xi32>], vector<16xf32>,
        %parallel_loop3A_434 = arith.constant 4 : i32
        %parallel_loop3A_435 = vector.broadcast %parallel_loop3A_434 : i32 to vector<16xi32>
        %parallel_loop3A_436 = arith.addi %parallel_loop3A_302, %parallel_loop3A_435 : vector<16xi32>
        %parallel_loop3A_437 = tpu.vector_load_idx %arg6[%parallel_loop3A_436] : memref<28672xi32, #tpu.memory_space<vmem>>[vector<16xi32>], vector<16xi32>,
        %parallel_loop3A_438 = vector.bitcast %parallel_loop3A_437 : vector<16xi32> to vector<32xbf16>
        %parallel_loop3A_439 = arith.constant 4 : i32
        %parallel_loop3A_440 = vector.broadcast %parallel_loop3A_439 : i32 to vector<16xi32>
        %parallel_loop3A_441 = arith.addi %parallel_loop3A_303, %parallel_loop3A_440 : vector<16xi32>
        %parallel_loop3A_442 = tpu.vector_load_idx %arg6[%parallel_loop3A_441] : memref<28672xi32, #tpu.memory_space<vmem>>[vector<16xi32>], vector<16xi32>,
        %parallel_loop3A_443 = vector.bitcast %parallel_loop3A_442 : vector<16xi32> to vector<32xbf16>
        %parallel_loop3A_444 = arith.constant 4 : i32
        %parallel_loop3A_445 = vector.broadcast %parallel_loop3A_444 : i32 to vector<16xi32>
        %parallel_loop3A_446 = arith.addi %parallel_loop3A_304, %parallel_loop3A_445 : vector<16xi32>
        %parallel_loop3A_447 = tpu.vector_load_idx %arg6[%parallel_loop3A_446] : memref<28672xi32, #tpu.memory_space<vmem>>[vector<16xi32>], vector<16xi32>,
        %parallel_loop3A_448 = vector.bitcast %parallel_loop3A_447 : vector<16xi32> to vector<32xbf16>
        %parallel_loop3A_449 = arith.constant 4 : i32
        %parallel_loop3A_450 = vector.broadcast %parallel_loop3A_449 : i32 to vector<16xi32>
        %parallel_loop3A_451 = arith.addi %parallel_loop3A_305, %parallel_loop3A_450 : vector<16xi32>
        %parallel_loop3A_452 = tpu.vector_load_idx %arg6[%parallel_loop3A_451] : memref<28672xi32, #tpu.memory_space<vmem>>[vector<16xi32>], vector<16xi32>,
        %parallel_loop3A_453 = vector.bitcast %parallel_loop3A_452 : vector<16xi32> to vector<32xbf16>
        %parallel_loop3A_454 = arith.addf %parallel_loop3A_438, %parallel_loop3A_443 : vector<32xbf16>
        %parallel_loop3A_455 = arith.addf %parallel_loop3A_448, %parallel_loop3A_453 : vector<32xbf16>
        %parallel_loop3A_456 = arith.addf %parallel_loop3A_454, %parallel_loop3A_455 : vector<32xbf16>
        %parallel_loop3A_457 = arith.constant 0.000000e+00 : bf16
        %parallel_loop3A_458 = vector.broadcast %parallel_loop3A_457 : bf16 to vector<32xbf16>
        %parallel_loop3A_459 = arith.maximumf %parallel_loop3A_456, %parallel_loop3A_458 : vector<32xbf16>
        %parallel_loop3A_460 = tpu.unpack_subelements %parallel_loop3A_459, 0 {pack_format = #tpu.pack_format<interleaved>} : vector<32xbf16> -> vector<16xf32>
        %parallel_loop3A_461 = tpu.unpack_subelements %parallel_loop3A_459, 1 {pack_format = #tpu.pack_format<interleaved>} : vector<32xbf16> -> vector<16xf32>
        %parallel_loop3A_462 = arith.constant 8 : i32
        %parallel_loop3A_463 = vector.broadcast %parallel_loop3A_462 : i32 to vector<16xi32>
        tpu.vector_store_idx %arg12[%parallel_loop3A_463, %parallel_loop3A_290], %parallel_loop3A_460 : memref<12x512xf32, #tpu.memory_space<vmem>>[vector<16xi32>, vector<16xi32>], vector<16xf32>,
        %parallel_loop3A_464 = arith.constant 9 : i32
        %parallel_loop3A_465 = vector.broadcast %parallel_loop3A_464 : i32 to vector<16xi32>
        tpu.vector_store_idx %arg12[%parallel_loop3A_465, %parallel_loop3A_290], %parallel_loop3A_461 : memref<12x512xf32, #tpu.memory_space<vmem>>[vector<16xi32>, vector<16xi32>], vector<16xf32>,
        %parallel_loop3A_466 = arith.constant 5 : i32
        %parallel_loop3A_467 = vector.broadcast %parallel_loop3A_466 : i32 to vector<16xi32>
        %parallel_loop3A_468 = arith.addi %parallel_loop3A_302, %parallel_loop3A_467 : vector<16xi32>
        %parallel_loop3A_469 = tpu.vector_load_idx %arg6[%parallel_loop3A_468] : memref<28672xi32, #tpu.memory_space<vmem>>[vector<16xi32>], vector<16xi32>,
        %parallel_loop3A_470 = vector.bitcast %parallel_loop3A_469 : vector<16xi32> to vector<32xbf16>
        %parallel_loop3A_471 = arith.constant 5 : i32
        %parallel_loop3A_472 = vector.broadcast %parallel_loop3A_471 : i32 to vector<16xi32>
        %parallel_loop3A_473 = arith.addi %parallel_loop3A_303, %parallel_loop3A_472 : vector<16xi32>
        %parallel_loop3A_474 = tpu.vector_load_idx %arg6[%parallel_loop3A_473] : memref<28672xi32, #tpu.memory_space<vmem>>[vector<16xi32>], vector<16xi32>,
        %parallel_loop3A_475 = vector.bitcast %parallel_loop3A_474 : vector<16xi32> to vector<32xbf16>
        %parallel_loop3A_476 = arith.constant 5 : i32
        %parallel_loop3A_477 = vector.broadcast %parallel_loop3A_476 : i32 to vector<16xi32>
        %parallel_loop3A_478 = arith.addi %parallel_loop3A_304, %parallel_loop3A_477 : vector<16xi32>
        %parallel_loop3A_479 = tpu.vector_load_idx %arg6[%parallel_loop3A_478] : memref<28672xi32, #tpu.memory_space<vmem>>[vector<16xi32>], vector<16xi32>,
        %parallel_loop3A_480 = vector.bitcast %parallel_loop3A_479 : vector<16xi32> to vector<32xbf16>
        %parallel_loop3A_481 = arith.constant 5 : i32
        %parallel_loop3A_482 = vector.broadcast %parallel_loop3A_481 : i32 to vector<16xi32>
        %parallel_loop3A_483 = arith.addi %parallel_loop3A_305, %parallel_loop3A_482 : vector<16xi32>
        %parallel_loop3A_484 = tpu.vector_load_idx %arg6[%parallel_loop3A_483] : memref<28672xi32, #tpu.memory_space<vmem>>[vector<16xi32>], vector<16xi32>,
        %parallel_loop3A_485 = vector.bitcast %parallel_loop3A_484 : vector<16xi32> to vector<32xbf16>
        %parallel_loop3A_486 = arith.addf %parallel_loop3A_470, %parallel_loop3A_475 : vector<32xbf16>
        %parallel_loop3A_487 = arith.addf %parallel_loop3A_480, %parallel_loop3A_485 : vector<32xbf16>
        %parallel_loop3A_488 = arith.addf %parallel_loop3A_486, %parallel_loop3A_487 : vector<32xbf16>
        %parallel_loop3A_489 = arith.constant 0.000000e+00 : bf16
        %parallel_loop3A_490 = vector.broadcast %parallel_loop3A_489 : bf16 to vector<32xbf16>
        %parallel_loop3A_491 = arith.maximumf %parallel_loop3A_488, %parallel_loop3A_490 : vector<32xbf16>
        %parallel_loop3A_492 = tpu.unpack_subelements %parallel_loop3A_491, 0 {pack_format = #tpu.pack_format<interleaved>} : vector<32xbf16> -> vector<16xf32>
        %parallel_loop3A_493 = tpu.unpack_subelements %parallel_loop3A_491, 1 {pack_format = #tpu.pack_format<interleaved>} : vector<32xbf16> -> vector<16xf32>
        %parallel_loop3A_494 = arith.constant 10 : i32
        %parallel_loop3A_495 = vector.broadcast %parallel_loop3A_494 : i32 to vector<16xi32>
        tpu.vector_store_idx %arg12[%parallel_loop3A_495, %parallel_loop3A_290], %parallel_loop3A_492 : memref<12x512xf32, #tpu.memory_space<vmem>>[vector<16xi32>, vector<16xi32>], vector<16xf32>,
        %parallel_loop3A_496 = arith.constant 11 : i32
        %parallel_loop3A_497 = vector.broadcast %parallel_loop3A_496 : i32 to vector<16xi32>
        tpu.vector_store_idx %arg12[%parallel_loop3A_497, %parallel_loop3A_290], %parallel_loop3A_493 : memref<12x512xf32, #tpu.memory_space<vmem>>[vector<16xi32>, vector<16xi32>], vector<16xf32>,
      } {sc.loop_unroll_factor = 2 : i64, sc.parallel_access}
      %dma_start3A_279 = arith.constant 0 : i32
      %dma_start3A_280 = arith.constant 0 : i32
      %dma_start3A_281 = tpu.memref_slice %arg5[%select_n3A, %dma_start3A_279, %add3A_251, %dma_start3A_280] : memref<4x12x512x512xf32, #tpu.memory_space<hbm>> -> memref<1x12x1x512xf32, #tpu.memory_space<hbm>>
      %dma_start3A_282 = tpu.memref_squeeze %dma_start3A_281 : memref<1x12x1x512xf32, #tpu.memory_space<hbm>> -> memref<12x512xf32, #tpu.memory_space<hbm>>
      %dma_start3A_283 = arith.constant 0 : i32
      %dma_start3A_284 = arith.constant 0 : i32
      %dma_start3A_285 = tpu.memref_slice %arg5[%select_n3A, %dma_start3A_283, %add3A_251, %dma_start3A_284] : memref<4x12x512x512xf32, #tpu.memory_space<hbm>> -> memref<1x12x1x512xf32, #tpu.memory_space<hbm>>
      %dma_start3A_286 = tpu.memref_squeeze %dma_start3A_285 : memref<1x12x1x512xf32, #tpu.memory_space<hbm>> -> memref<12x512xf32, #tpu.memory_space<hbm>>
      tpu.enqueue_dma source(%arg12 : memref<12x512xf32, #tpu.memory_space<vmem>>) target(%dma_start3A_286 : memref<12x512xf32, #tpu.memory_space<hbm>>) target_semaphore(%arg16 : memref<!tpu.dma_semaphore, #tpu.memory_space<semaphore_mem>>)
      %scan3A_287 = arith.constant 0 : i32
      scf.yield %scan3A_287 : i32
    }
    %scan3A_22 = arith.constant 16 : i32
    %dma_wait3A = arith.constant 0 : i32
    %dma_wait3A_23 = arith.constant 0 : i32
    %dma_wait3A_24 = arith.constant 0 : i32
    %dma_wait3A_25 = arith.constant 0 : i32
    %dma_wait3A_26 = tpu.memref_slice %arg5[%dma_wait3A, %dma_wait3A_24, %dma_wait3A_23, %dma_wait3A_25] : memref<4x12x512x512xf32, #tpu.memory_space<hbm>> -> memref<1x12x1x512xf32, #tpu.memory_space<hbm>>
    %dma_wait3A_27 = tpu.memref_squeeze %dma_wait3A_26 : memref<1x12x1x512xf32, #tpu.memory_space<hbm>> -> memref<12x512xf32, #tpu.memory_space<hbm>>
    %dma_wait3A_28 = arith.constant 0 : i32
    %dma_wait3A_29 = arith.constant 0 : i32
    %dma_wait3A_30 = tpu.memref_slice %arg5[%dma_wait3A, %dma_wait3A_28, %dma_wait3A_23, %dma_wait3A_29] : memref<4x12x512x512xf32, #tpu.memory_space<hbm>> -> memref<1x12x1x512xf32, #tpu.memory_space<hbm>>
    %dma_wait3A_31 = tpu.memref_squeeze %dma_wait3A_30 : memref<1x12x1x512xf32, #tpu.memory_space<hbm>> -> memref<12x512xf32, #tpu.memory_space<hbm>>
    tpu.wait_dma2 semaphore(%arg13 : memref<!tpu.dma_semaphore, #tpu.memory_space<semaphore_mem>>) src(%arg9 : memref<12x512xf32, #tpu.memory_space<vmem>>) dst(%dma_wait3A_31 : memref<12x512xf32, #tpu.memory_space<hbm>>)
    %dma_wait3A_32 = arith.constant 0 : i32
    %dma_wait3A_33 = arith.constant 0 : i32
    %dma_wait3A_34 = arith.constant 0 : i32
    %dma_wait3A_35 = arith.constant 0 : i32
    %dma_wait3A_36 = tpu.memref_slice %arg5[%dma_wait3A_32, %dma_wait3A_34, %dma_wait3A_33, %dma_wait3A_35] : memref<4x12x512x512xf32, #tpu.memory_space<hbm>> -> memref<1x12x1x512xf32, #tpu.memory_space<hbm>>
    %dma_wait3A_37 = tpu.memref_squeeze %dma_wait3A_36 : memref<1x12x1x512xf32, #tpu.memory_space<hbm>> -> memref<12x512xf32, #tpu.memory_space<hbm>>
    %dma_wait3A_38 = arith.constant 0 : i32
    %dma_wait3A_39 = arith.constant 0 : i32
    %dma_wait3A_40 = tpu.memref_slice %arg5[%dma_wait3A_32, %dma_wait3A_38, %dma_wait3A_33, %dma_wait3A_39] : memref<4x12x512x512xf32, #tpu.memory_space<hbm>> -> memref<1x12x1x512xf32, #tpu.memory_space<hbm>>
    %dma_wait3A_41 = tpu.memref_squeeze %dma_wait3A_40 : memref<1x12x1x512xf32, #tpu.memory_space<hbm>> -> memref<12x512xf32, #tpu.memory_space<hbm>>
    tpu.wait_dma2 semaphore(%arg14 : memref<!tpu.dma_semaphore, #tpu.memory_space<semaphore_mem>>) src(%arg10 : memref<12x512xf32, #tpu.memory_space<vmem>>) dst(%dma_wait3A_41 : memref<12x512xf32, #tpu.memory_space<hbm>>)
    %dma_wait3A_42 = arith.constant 0 : i32
    %dma_wait3A_43 = arith.constant 0 : i32
    %dma_wait3A_44 = arith.constant 0 : i32
    %dma_wait3A_45 = arith.constant 0 : i32
    %dma_wait3A_46 = tpu.memref_slice %arg5[%dma_wait3A_42, %dma_wait3A_44, %dma_wait3A_43, %dma_wait3A_45] : memref<4x12x512x512xf32, #tpu.memory_space<hbm>> -> memref<1x12x1x512xf32, #tpu.memory_space<hbm>>
    %dma_wait3A_47 = tpu.memref_squeeze %dma_wait3A_46 : memref<1x12x1x512xf32, #tpu.memory_space<hbm>> -> memref<12x512xf32, #tpu.memory_space<hbm>>
    %dma_wait3A_48 = arith.constant 0 : i32
    %dma_wait3A_49 = arith.constant 0 : i32
    %dma_wait3A_50 = tpu.memref_slice %arg5[%dma_wait3A_42, %dma_wait3A_48, %dma_wait3A_43, %dma_wait3A_49] : memref<4x12x512x512xf32, #tpu.memory_space<hbm>> -> memref<1x12x1x512xf32, #tpu.memory_space<hbm>>
    %dma_wait3A_51 = tpu.memref_squeeze %dma_wait3A_50 : memref<1x12x1x512xf32, #tpu.memory_space<hbm>> -> memref<12x512xf32, #tpu.memory_space<hbm>>
    tpu.wait_dma2 semaphore(%arg15 : memref<!tpu.dma_semaphore, #tpu.memory_space<semaphore_mem>>) src(%arg11 : memref<12x512xf32, #tpu.memory_space<vmem>>) dst(%dma_wait3A_51 : memref<12x512xf32, #tpu.memory_space<hbm>>)
    %dma_wait3A_52 = arith.constant 0 : i32
    %dma_wait3A_53 = arith.constant 0 : i32
    %dma_wait3A_54 = arith.constant 0 : i32
    %dma_wait3A_55 = arith.constant 0 : i32
    %dma_wait3A_56 = tpu.memref_slice %arg5[%dma_wait3A_52, %dma_wait3A_54, %dma_wait3A_53, %dma_wait3A_55] : memref<4x12x512x512xf32, #tpu.memory_space<hbm>> -> memref<1x12x1x512xf32, #tpu.memory_space<hbm>>
    %dma_wait3A_57 = tpu.memref_squeeze %dma_wait3A_56 : memref<1x12x1x512xf32, #tpu.memory_space<hbm>> -> memref<12x512xf32, #tpu.memory_space<hbm>>
    %dma_wait3A_58 = arith.constant 0 : i32
    %dma_wait3A_59 = arith.constant 0 : i32
    %dma_wait3A_60 = tpu.memref_slice %arg5[%dma_wait3A_52, %dma_wait3A_58, %dma_wait3A_53, %dma_wait3A_59] : memref<4x12x512x512xf32, #tpu.memory_space<hbm>> -> memref<1x12x1x512xf32, #tpu.memory_space<hbm>>
    %dma_wait3A_61 = tpu.memref_squeeze %dma_wait3A_60 : memref<1x12x1x512xf32, #tpu.memory_space<hbm>> -> memref<12x512xf32, #tpu.memory_space<hbm>>
    tpu.wait_dma2 semaphore(%arg16 : memref<!tpu.dma_semaphore, #tpu.memory_space<semaphore_mem>>) src(%arg12 : memref<12x512xf32, #tpu.memory_space<vmem>>) dst(%dma_wait3A_61 : memref<12x512xf32, #tpu.memory_space<hbm>>)
    return
  }
}

module attributes {stable_mosaic.version = 14 : i64} {
  func.func @_project_body(%arg0: memref<4x1024x12xf32, #tpu.memory_space<vmem>>, %arg1: memref<4x12x12xf32, #tpu.memory_space<vmem>>, %arg2: memref<1x12xf32, #tpu.memory_space<vmem>>, %arg3: memref<4x1024x12xf32, #tpu.memory_space<vmem>>) attributes {dimension_semantics = [], scalar_prefetch = 0 : i64, scratch_operands = 0 : i64, tpu.core_type = #tpu.core_type<tc>} {
    %get3A = arith.constant 0 : index
    %get3A_0 = arith.constant 0 : index
    %get3A_1 = arith.constant 0 : index
    %get3A_2 = vector.load %arg0[%get3A, %get3A_0, %get3A_1] : memref<4x1024x12xf32, #tpu.memory_space<vmem>>, vector<1x1024x12xf32>
    %get3A_3 = vector.shape_cast %get3A_2 : vector<1x1024x12xf32> to vector<1024x12xf32>
    %get3A_4 = arith.constant 0 : index
    %get3A_5 = arith.constant 0 : index
    %get3A_6 = arith.constant 0 : index
    %get3A_7 = vector.load %arg1[%get3A_4, %get3A_5, %get3A_6] : memref<4x12x12xf32, #tpu.memory_space<vmem>>, vector<1x12x12xf32>
    %get3A_8 = vector.shape_cast %get3A_7 : vector<1x12x12xf32> to vector<12x12xf32>
    %dot_general3A = arith.constant dense<0.000000e+00> : vector<1024x12xf32>
    %dot_general3A_9 = tpu.matmul %get3A_3, %get3A_8, %dot_general3A {dimension_numbers = #tpu.dot_dimension_numbers<[1], [0], [0], [1], [0, 0, 1, 1], [], []>, transpose_lhs_hint = false} : vector<1024x12xf32>, vector<12x12xf32>, vector<1024x12xf32> -> vector<1024x12xf32>
    %get3A_10 = arith.constant 0 : index
    %get3A_11 = arith.constant 0 : index
    %get3A_12 = vector.load %arg2[%get3A_10, %get3A_11] : memref<1x12xf32, #tpu.memory_space<vmem>>, vector<1x12xf32>
    %add3A = vector.broadcast %get3A_12 : vector<1x12xf32> to vector<1024x12xf32>
    %add3A_13 = arith.addf %dot_general3A_9, %add3A : vector<1024x12xf32>
    %swap3A = arith.constant 0 : index
    %swap3A_14 = arith.constant 0 : index
    %swap3A_15 = arith.constant 0 : index
    %swap3A_16 = vector.load %arg3[%swap3A, %swap3A_14, %swap3A_15] : memref<4x1024x12xf32, #tpu.memory_space<vmem>>, vector<1x1024x12xf32>
    %swap3A_17 = vector.shape_cast %swap3A_16 : vector<1x1024x12xf32> to vector<1024x12xf32>
    %swap3A_18 = vector.shape_cast %add3A_13 : vector<1024x12xf32> to vector<1x1024x12xf32>
    tpu.vector_store %arg3[%swap3A, %swap3A_14, %swap3A_15], %swap3A_18 {strides = array<i32>} : memref<4x1024x12xf32, #tpu.memory_space<vmem>>, vector<1x1024x12xf32>,
    %get3A_19 = arith.constant 1 : index
    %get3A_20 = arith.constant 0 : index
    %get3A_21 = arith.constant 0 : index
    %get3A_22 = vector.load %arg0[%get3A_19, %get3A_20, %get3A_21] : memref<4x1024x12xf32, #tpu.memory_space<vmem>>, vector<1x1024x12xf32>
    %get3A_23 = vector.shape_cast %get3A_22 : vector<1x1024x12xf32> to vector<1024x12xf32>
    %get3A_24 = arith.constant 1 : index
    %get3A_25 = arith.constant 0 : index
    %get3A_26 = arith.constant 0 : index
    %get3A_27 = vector.load %arg1[%get3A_24, %get3A_25, %get3A_26] : memref<4x12x12xf32, #tpu.memory_space<vmem>>, vector<1x12x12xf32>
    %get3A_28 = vector.shape_cast %get3A_27 : vector<1x12x12xf32> to vector<12x12xf32>
    %dot_general3A_29 = arith.constant dense<0.000000e+00> : vector<1024x12xf32>
    %dot_general3A_30 = tpu.matmul %get3A_23, %get3A_28, %dot_general3A_29 {dimension_numbers = #tpu.dot_dimension_numbers<[1], [0], [0], [1], [0, 0, 1, 1], [], []>, transpose_lhs_hint = false} : vector<1024x12xf32>, vector<12x12xf32>, vector<1024x12xf32> -> vector<1024x12xf32>
    %swap3A_31 = arith.constant 1 : index
    %swap3A_32 = arith.constant 0 : index
    %swap3A_33 = arith.constant 0 : index
    %swap3A_34 = vector.load %arg3[%swap3A_31, %swap3A_32, %swap3A_33] : memref<4x1024x12xf32, #tpu.memory_space<vmem>>, vector<1x1024x12xf32>
    %swap3A_35 = vector.shape_cast %swap3A_34 : vector<1x1024x12xf32> to vector<1024x12xf32>
    %swap3A_36 = vector.shape_cast %dot_general3A_30 : vector<1024x12xf32> to vector<1x1024x12xf32>
    tpu.vector_store %arg3[%swap3A_31, %swap3A_32, %swap3A_33], %swap3A_36 {strides = array<i32>} : memref<4x1024x12xf32, #tpu.memory_space<vmem>>, vector<1x1024x12xf32>,
    %get3A_37 = arith.constant 2 : index
    %get3A_38 = arith.constant 0 : index
    %get3A_39 = arith.constant 0 : index
    %get3A_40 = vector.load %arg0[%get3A_37, %get3A_38, %get3A_39] : memref<4x1024x12xf32, #tpu.memory_space<vmem>>, vector<1x1024x12xf32>
    %get3A_41 = vector.shape_cast %get3A_40 : vector<1x1024x12xf32> to vector<1024x12xf32>
    %get3A_42 = arith.constant 2 : index
    %get3A_43 = arith.constant 0 : index
    %get3A_44 = arith.constant 0 : index
    %get3A_45 = vector.load %arg1[%get3A_42, %get3A_43, %get3A_44] : memref<4x12x12xf32, #tpu.memory_space<vmem>>, vector<1x12x12xf32>
    %get3A_46 = vector.shape_cast %get3A_45 : vector<1x12x12xf32> to vector<12x12xf32>
    %dot_general3A_47 = arith.constant dense<0.000000e+00> : vector<1024x12xf32>
    %dot_general3A_48 = tpu.matmul %get3A_41, %get3A_46, %dot_general3A_47 {dimension_numbers = #tpu.dot_dimension_numbers<[1], [0], [0], [1], [0, 0, 1, 1], [], []>, transpose_lhs_hint = false} : vector<1024x12xf32>, vector<12x12xf32>, vector<1024x12xf32> -> vector<1024x12xf32>
    %swap3A_49 = arith.constant 2 : index
    %swap3A_50 = arith.constant 0 : index
    %swap3A_51 = arith.constant 0 : index
    %swap3A_52 = vector.load %arg3[%swap3A_49, %swap3A_50, %swap3A_51] : memref<4x1024x12xf32, #tpu.memory_space<vmem>>, vector<1x1024x12xf32>
    %swap3A_53 = vector.shape_cast %swap3A_52 : vector<1x1024x12xf32> to vector<1024x12xf32>
    %swap3A_54 = vector.shape_cast %dot_general3A_48 : vector<1024x12xf32> to vector<1x1024x12xf32>
    tpu.vector_store %arg3[%swap3A_49, %swap3A_50, %swap3A_51], %swap3A_54 {strides = array<i32>} : memref<4x1024x12xf32, #tpu.memory_space<vmem>>, vector<1x1024x12xf32>,
    %get3A_55 = arith.constant 3 : index
    %get3A_56 = arith.constant 0 : index
    %get3A_57 = arith.constant 0 : index
    %get3A_58 = vector.load %arg0[%get3A_55, %get3A_56, %get3A_57] : memref<4x1024x12xf32, #tpu.memory_space<vmem>>, vector<1x1024x12xf32>
    %get3A_59 = vector.shape_cast %get3A_58 : vector<1x1024x12xf32> to vector<1024x12xf32>
    %get3A_60 = arith.constant 3 : index
    %get3A_61 = arith.constant 0 : index
    %get3A_62 = arith.constant 0 : index
    %get3A_63 = vector.load %arg1[%get3A_60, %get3A_61, %get3A_62] : memref<4x12x12xf32, #tpu.memory_space<vmem>>, vector<1x12x12xf32>
    %get3A_64 = vector.shape_cast %get3A_63 : vector<1x12x12xf32> to vector<12x12xf32>
    %dot_general3A_65 = arith.constant dense<0.000000e+00> : vector<1024x12xf32>
    %dot_general3A_66 = tpu.matmul %get3A_59, %get3A_64, %dot_general3A_65 {dimension_numbers = #tpu.dot_dimension_numbers<[1], [0], [0], [1], [0, 0, 1, 1], [], []>, transpose_lhs_hint = false} : vector<1024x12xf32>, vector<12x12xf32>, vector<1024x12xf32> -> vector<1024x12xf32>
    %swap3A_67 = arith.constant 3 : index
    %swap3A_68 = arith.constant 0 : index
    %swap3A_69 = arith.constant 0 : index
    %swap3A_70 = vector.load %arg3[%swap3A_67, %swap3A_68, %swap3A_69] : memref<4x1024x12xf32, #tpu.memory_space<vmem>>, vector<1x1024x12xf32>
    %swap3A_71 = vector.shape_cast %swap3A_70 : vector<1x1024x12xf32> to vector<1024x12xf32>
    %swap3A_72 = vector.shape_cast %dot_general3A_66 : vector<1024x12xf32> to vector<1x1024x12xf32>
    tpu.vector_store %arg3[%swap3A_67, %swap3A_68, %swap3A_69], %swap3A_72 {strides = array<i32>} : memref<4x1024x12xf32, #tpu.memory_space<vmem>>, vector<1x1024x12xf32>,
    return
  }
}

</mosaic_0001>

<sc_bundles>
// kernel: kernel.4.cloned.1.call-start
scs
__scs_entry_jumppad:
0x0: {  	(pc) =	sbr.rel $0x88, $3  }
0x1: {  	(tag) =	ssettag $0x0;
	lr =	simm.s32 $0x1  }
0x2: {  	[smem:$0x3F99] =	sst lr;
	_ =	strace $0xD0000000  }
0x3: {  	_ = 	snop  }
0x4: {  	_ = 	snop  }
0x5: {  	_ = 	snop  }
0x6: {  	_ = 	snop  }
0x7: {  	_ = 	snop  }
__scs_overlays_trampoline_lowered:
0x8: {  	[smem:$0x3FA8] =	sst s0  }
0x9: {  	[smem:$0x3FA9] =	sst s1  }
0xa: {  	[smem:$0x3FAA] =	sst s2  }
0xb: {  	[smem:$0x3FAB] =	sst s3  }
0xc: {  	[smem:$0x3FAC] =	sst s4  }
0xd: {  	[smem:$0x3FAD] =	sst s5  }
0xe: {  	[smem:$0x3FAE] =	sst s6  }
0xf: {  	[smem:$0x3FAF] =	sst s7  }
0x10: {  	[smem:$0x3FB0] =	sst s8  }
0x11: {  	[smem:$0x3FB1] =	sst s9;
	s0 =	simm.s32 @!p0 $0x0  }
0x12: {  	s1 =	sld [smem:$0x3F97];
	s0 =	simm.s32 @p0 $0x1  }
0x13: {  	[smem:$0x3FB2] =	sst s0;
	s0 =	simm.s32 @!p1 $0x0  }
0x14: {  	s2 =	sld [smem:$0x3F96];
	s0 =	simm.s32 @p1 $0x1  }
0x15: {  	[smem:$0x3FB3] =	sst s0;
	s0 =	simm.s32 @!p2 $0x0  }
0x16: {  	s3 =	sld [smem:$0x3FDB];
	s0 =	simm.s32 @p2 $0x1  }
0x17: {  	s4 =	simm.s32 $0x1BF5;
	[smem:$0x3FB5] =	sst s0  }
0x18: {  	s0 =	sld [smem:$0x3F98];
	_ =	swait.ge [sflag:s4], $0x0  }
0x19: {  	s7 =	sld [smem:$0x3F99]  }
0x1a: {  	s8 =	sadd.s32 $0xFFFFE003, lr  }
0x1b: {  	s9 =	sadd.s32 $0xFFFFFEF7, lr;
	s5 =	simm.s32 $0xFFFFFFFF;
	p2 =	slt.u32 s8, $0xFFFFF086  }
0x1c: {  	p1 =	slt.u32 s9, $0xF7A;
	s5 =	simm.s32 @!p2 $0x0  }
0x1d: {  	s5 =	simm.s32 @p1 $0x1;
	p0 =	seq.s32 s7, s2  }
0x1e: {  	s7 =	smul.u32 @!p0 $0xF7A, s2;
	p2 =	seq.s32 @!p0 s5, $0x0  }
0x1f: {  	s9 =	smul.u32 $0xF7A, s1;
	s8 =	simm.s32 @!p0 $0x1BF5;
	p2 =	por !p2, p0  }
0x20: {  	[sflag:s8] =	ssyncset.s32 @!p0 $0xFFFFF086;
	s6 =	sadd.s32 @!p0 s3, s7;
	s7 =	simm.s32 @!p0 $0x108  }
0x21: {  	s3 =	sadd.s32 s3, s9;
	s6 =	sadd.s32 @!p0 $0x88, s6;
	s7 =	simm.s32 @p2 $0x1082  }
0x22: {  	[simem:s7], [sflag:s8] =	dma.local @!p0 [hbm:s6], $0xF7A  }
0x23: {  	s9 =	sor.u32 $0xD0000000, s2;
	s6 =	simm.s32 $0x108;
	_ =	swait.ge @!p0 [sflag:s8], $0x0  }
0x24: {  	s3 =	sadd.s32 $0x88, s3;
	s6 =	simm.s32 @!p1 $0x1082;
	[sflag:s4] =	ssyncset.s32 $0xFFFFF086  }
0x25: {  	[simem:s6], [sflag:s4] =	dma.local [hbm:s3], $0xF7A  }
0x26: {  	[smem:$0x3F99] =	sst s1;
	(tag) =	ssettag s2;
	_ =	strace s9  }
0x27: {  	s1 =	sld [smem:$0x3FA9]  }
0x28: {  	s2 =	sld [smem:$0x3FAA]  }
0x29: {  	s4 =	sld [smem:$0x3FAC]  }
0x2a: {  	p0 =	seq.s32 s5, $0x0;
	s5 =	sld [smem:$0x3FAD]  }
0x2b: {  	s6 =	sld [smem:$0x3FAE]  }
0x2c: {  	s7 =	sld [smem:$0x3FAF]  }
0x2d: {  	s3 =	simm.s32 $0x108;
	s8 =	sld [smem:$0x3FB0]  }
0x2e: {  	s3 =	simm.s32 @!p0 $0x1082;
	s9 =	sld [smem:$0x3FB1]  }
0x2f: {  	lr =	sadd.s32 s0, s3;
	s0 =	sld [smem:$0x3FA8]  }
0x30: {  	s3 =	sld [smem:$0x3FAB]  }
0x31: {  	[smem:$0x3FB4] =	sst s10  }
0x32: {  	s10 =	sld [smem:$0x3FB2];
	_ =	sdelay $0x3  }
0x33: {  	p0 =	seq.s32 s10, $0x1;
	s10 =	sld [smem:$0x3FB4];
	_ =	sdelay $0x3  }
0x34: {  	[smem:$0x3FB4] =	sst s10  }
0x35: {  	s10 =	sld [smem:$0x3FB3];
	_ =	sdelay $0x3  }
0x36: {  	p1 =	seq.s32 s10, $0x1;
	s10 =	sld [smem:$0x3FB4];
	_ =	sdelay $0x3  }
0x37: {  	[smem:$0x3FB4] =	sst s10  }
0x38: {  	s10 =	sld [smem:$0x3FB5]  }
0x39: {  	_ = 	snop;
	(pc) =	sbr.ind lr, $3  }
0x3a: {  	_ = 	snop  }
0x3b: {  	_ = 	snop  }
0x3c: {  	p2 =	seq.s32 s10, $0x1;
	s10 =	sld [smem:$0x3FB4]  }
0x3d: {  	_ =	shalt  }
0x3e: {  	_ =	shalt  }
0x3f: {  	_ =	shalt  }
0x40: {  	_ =	shalt  }
0x41: {  	_ =	shalt  }
0x42: {  	_ =	shalt  }
0x43: {  	_ =	shalt  }
0x44: {  	_ =	shalt  }
0x45: {  	_ =	shalt  }
0x46: {  	_ =	shalt  }
0x47: {  	_ =	shalt  }
0x48: {  	_ =	shalt  }
0x49: {  	_ =	shalt  }
0x4a: {  	_ =	shalt  }
0x4b: {  	_ =	shalt  }
0x4c: {  	_ =	shalt  }
0x4d: {  	_ =	shalt  }
0x4e: {  	_ =	shalt  }
0x4f: {  	_ =	shalt  }
0x50: {  	_ =	shalt  }
0x51: {  	_ =	shalt  }
0x52: {  	_ =	shalt  }
0x53: {  	_ =	shalt  }
0x54: {  	_ =	shalt  }
0x55: {  	_ =	shalt  }
0x56: {  	_ =	shalt  }
0x57: {  	_ =	shalt  }
0x58: {  	_ =	shalt  }
0x59: {  	_ =	shalt  }
0x5a: {  	_ =	shalt  }
0x5b: {  	_ =	shalt  }
0x5c: {  	_ =	shalt  }
0x5d: {  	_ =	shalt  }
0x5e: {  	_ =	shalt  }
0x5f: {  	_ =	shalt  }
0x60: {  	_ =	shalt  }
0x61: {  	_ =	shalt  }
0x62: {  	_ =	shalt  }
0x63: {  	_ =	shalt  }
0x64: {  	_ =	shalt  }
0x65: {  	_ =	shalt  }
0x66: {  	_ =	shalt  }
0x67: {  	_ =	shalt  }
0x68: {  	_ =	shalt  }
0x69: {  	_ =	shalt  }
0x6a: {  	_ =	shalt  }
0x6b: {  	_ =	shalt  }
0x6c: {  	_ =	shalt  }
0x6d: {  	_ =	shalt  }
0x6e: {  	_ =	shalt  }
0x6f: {  	_ =	shalt  }
0x70: {  	_ =	shalt  }
0x71: {  	_ =	shalt  }
0x72: {  	_ =	shalt  }
0x73: {  	_ =	shalt  }
0x74: {  	_ =	shalt  }
0x75: {  	_ =	shalt  }
0x76: {  	_ =	shalt  }
0x77: {  	_ =	shalt  }
0x78: {  	_ =	shalt  }
0x79: {  	_ =	shalt  }
0x7a: {  	_ =	shalt  }
0x7b: {  	_ =	shalt  }
0x7c: {  	_ =	shalt  }
0x7d: {  	_ =	shalt  }
0x7e: {  	_ =	shalt  }
0x7f: {  	_ =	shalt  }
0x80: {  	_ =	shalt  }
0x81: {  	_ =	shalt  }
0x82: {  	_ =	shalt  }
0x83: {  	_ =	shalt  }
0x84: {  	_ =	shalt  }
0x85: {  	_ =	shalt  }
0x86: {  	_ =	shalt  }
0x87: {  	_ =	shalt  }
.Lfunc_end0:
.L_simem_size_0:
called_computation_lowered:
.L_overlay_start_0:
0x88: {  	s2 =	sld [smem:$0x3FD9]  }
0x89: {  	s3 =	sld [smem:$0x3FFE];
	_ =	sdelay $0x1  }
0x8a: {  	s1 =	srdreg.scid  }
0x8b: {  	s0 =	sand.u32 $0x1, s1  }
0x8c: {  	s17 =	sshll.u32 s0, $0xA;
	s2 =	sadd.s32 s3, s2  }
0x8d: {  	s2 =	sadd.s32 s2, s17  }
0x8e: {  	[smem:$0x3FC0] =	sst s2  }
0x8f: {  	_ = 	snop  }
0x90: {  	s2 =	sld [smem:$0x3FC9]  }
0x91: {  	s18 =	sld [smem:$0x3FC8]  }
0x92: {  	s4 =	sld [smem:$0x3FD0];
	(tm) =	ssettm $0x1  }
0x93: {  	s5 =	sld [smem:$0x3FFB];
	_ =	sdelay $0x3  }
0x94: {  	_ =	strace s5  }
0x95: {  	s5 =	sld [smem:$0x3FFC];
	_ =	sdelay $0x3  }
0x96: {  	_ =	strace s5  }
0x97: {  	s5 =	sld [smem:$0x3FFD];
	_ =	sdelay $0x3  }
0x98: {  	_ =	strace s5  }
0x99: {  	_ =	strace $0x8FFFFFFF  }
0x9a: {  	s19 =	sld [smem:$0x3FDB];
	_ =	sdelay $0x1  }
0x9b: {  	s6 =	simm.s32 $_scs_section_size  }
0x9c: {  	s7 =	simm.s32 $_size__tile_overlayer_lowered;
	s8 =	simm.s32 $_tile_overlayer_lowered  }
0x9d: {  	s22 =	simm.s32 $0x1BFF;
	s21 =	sshll.u32 s8, $0x1;
	s5 =	sadd.s32 s6, s19  }
0x9e: {  	s9 =	simm.s32 $0x0;
	s20 =	sshll.u32 s7, $0x1;
	s7 =	sadd.s32 s21, s5  }
0x9f: {  	[timem:s9], [sflag:s22] =	dma.local [hbm:s7], s20  }
0xa0: {  	_ =	swait.ge [sflag:s22], s20  }
0xa1: {  	s6 =	ssub.s32 $0x0, s20;
	[sflag:s22] =	ssyncset.done $0x0  }
0xa2: {  	[sflag:s22] =	ssyncadd.s32 s6;
	_ =	sdelay $0x1  }
0xa3: {  	s23 =	simm.s32 $0x1B8B  }
0xa4: {  	_ =	swait.ge [sflag:s23], $0x1  }
0xa5: {  	[sflag:s23] =	ssyncset.done $0x0  }
0xa6: {  	s25 =	simm.s32 $0x1B8E;
	s24 =	sld [smem:$0x3FFE];
	[sflag:s23] =	ssyncadd.s32 $0xFFFFFFFF  }
0xa7: {  	s26 =	simm.s32 $execute0_lowered;
	[smem:$0x3FD2] =	sst s25  }
0xa8: {  	s7 =	sshll.u32 s26, $0x1;
	_ =	strace $0x80000046;
	[dreg:$0x1] =	wrdreg $0xFFFFFFFF  }
0xa9: {  	s28 =	simm.s32 $_size_execute0_lowered;
	s5 =	sadd.s32 s5, s7;
	[dreg:$0x0] =	wrdreg $0x0  }
0xaa: {  	s7 =	sshll.u32 s28, $0x1;
	[dreg:$0x2] =	wrdreg s5  }
0xab: {  	[dreg:$0x3] =	wrdreg s7  }
0xac: {  	[dreg:$0x4] =	wrdreg $0xC0  }
0xad: {  	_ =	task [dreg:s9], $0x5FFFF  }
0xae: {  	[dreg:$0x1] =	wrdreg $0xFFFFFFFF  }
0xaf: {  	[dreg:$0x0] =	wrdreg $0x60  }
0xb0: {  	[dreg:$0x2] =	wrdreg s24  }
0xb1: {  	[dreg:$0x3] =	wrdreg s2  }
0xb2: {  	[dreg:$0x4] =	wrdreg s18  }
0xb3: {  	[dreg:$0x5] =	wrdreg s4  }
0xb4: {  	[dreg:$0x6] =	wrdreg $0x9  }
0xb5: {  	_ =	task.clear_ibuf [dreg:s9], $0x7FFFF;
	_ =	strace $0x90000046  }
0xb6: {  	s29 =	simm.s32 $0x9;
	_ =	strace $0x80000048  }
0xb7: {  	_ =	swait.ge [sflag:s29], $0x1  }
0xb8: {  	[sflag:s29] =	ssyncadd.s32 $0xFFFFFFFF  }
0xb9: {  	_ =	strace $0x90000048  }
0xba: {  	_ =	sfence  }
0xbb: {  	s30 =	sld [smem:$0x0];
	_ =	sdelay $0x2  }
0xbc: {  	s31 =	sshll.u32 s1, $0xD;
	s1 =	sshrl.u32 s1, $0x2  }
0xbd: {  	s3 =	sand.u32 $0x4000, s31;
	s1 =	sadd.s32 s1, s30  }
0xbe: {  	s0 =	sor.u32 s3, s0;
	s1 =	sshll.u32 s1, $0x11  }
0xbf: {  	s0 =	sor.u32 s1, s0  }
0xc0: {  	s0 =	sadd.s32 $0x8F2B, s0  }
0xc1: {  	[sflag:s0] =	ssyncadd.remote.s32 $0x1  }
0xc2: {  	_ =	sfence.sel $0xFFFF  }
0xc3: {  	[dreg:$0x0] =	wrdreg $0xFFFFFFFF;
	(pc) =	sbr.abs _section_cstart, $3  }
0xc4: {  	[dreg:$0x1] =	wrdreg $0xFFFFFFFF  }
0xc5: {  	_ =	task.clear_ibuf [dreg:s9], $0x2FFFF;
	_ =	strace $0x9FFFFFFF  }
0xc6: {  	(tm) =	ssettm $0x7FFFFFFF  }
0xc7: {  	_ =	shalt  }
tec
execute0_lowered:
.L_overlay_start_1:
0x0: {  	(tag) =	ssettag $0x1  }
0x1: {  	s0 =	rddreg [dreg:$0x0]  }
0x2: {  	s3 =	rddreg [dreg:$0x1]  }
0x3: {  	s4 =	rddreg [dreg:$0x2]  }
0x4: {  	s1 =	rddreg [dreg:$0x3]  }
0x5: {  	s2 =	simm.s32 $0x0;
	s5 =	srdreg.scid;
	s7 =	stileid.u32  }
0x6: {  	s11 =	simm.s32 $0x80;
	s13 =	simm.s32 $0x7000;
	s14 =	simm.s32 $0x7200  }
0x7: {  	s15 =	simm.s32 $0x7400;
	s16 =	simm.s32 $0x40000;
	s24 =	simm.s32 $0x9400  }
0x8: {  	s9 =	simm.s32 $0xC800;
	s10 =	simm.s32 $0xCC00;
	s17 =	simm.s32 $0xD000  }
0x9: {  	s18 =	simm.s32 $0xD400;
	s19 =	simm.s32 $0xD800;
	s20 =	simm.s32 $0xDC00  }
0xa: {  	s21 =	simm.s32 $0xE000;
	s22 =	simm.s32 $0xE400;
	s23 =	simm.s32 $0xE800  }
0xb: {  	s25 =	simm.s32 $0xEC00;
	s26 =	simm.s32 $0xF000;
	s12 =	simm.s32 $0x0  }
0xc: {  	[smem:$0x7FF] =	sst s2;
	s5 =	sand.u32 $0x1, s5;
	s0 =	sadd.s32 $0x200, s0  }
0xd: {  	s30 =	sshrl.u32 s7, $0x2;
	s7 =	sshll.u32 s7, $0x7;
	_ =	strace $0x80000047  }
0xe: {  	s6 =	ssub.s32 $0x2, s5;
	[dreg:$0x5] =	wrdreg s0;
	s8 =	sshll.u32 s30, $0x4  }
0xf: {  	s5 =	sshll.u32 s5, $0x6;
	s7 =	sand.u32 $0x180, s7;
	s29 =	sshrl.u32 s6, $0x1  }
0x10: {  	s3 =	sadd.s32 s3, s8;
	s31 =	sadd.s32 s4, s8;
	s7 =	sor.u32 s5, s7  }
0x11: {  	s8 =	smul.u32 $0x300000, s30;
	s0 =	ssub.s32 s6, s29;
	[dreg:$0x6] =	wrdreg s3  }
0x12: {  	s5 =	simm.s32 $0xC000;
	[dreg:$0x7] =	wrdreg s31;
	s0 =	smax.u32 s0, $0x1  }
0x13: {  	v0 =	vlaneseq.u32;
	v1 =	vimm.bf16 $0.0e+00;
	s3 =	simm.s32 $0xB400;
	s6 =	simm.s32 $0xC400;
	[dreg:$0x8] =	wrdreg s0  }
.LBB2_1:
0x14: {  	[dreg:$0x9] =	wrdreg s12  }
0x15: {  	s0 =	rddreg [dreg:$0x5];
	s29 =	simm.s32 $0x5  }
0x16: {  	[tilespmem:s2], [sflag:$0x5] =	stream.linear.gather [hbm4b:s0+s2], $0x7000, $0x38;
	[tilespmem:$0xF400] =	vst v63  }
0x17: {  	_ =	swait.ge [sflag:s29], $0x7000  }
0x18: {  	[sflag:s29] =	ssyncset.done $0x0  }
0x19: {  	s28 =	simm.s32 $0x200;
	s30 =	rddreg [dreg:$0x6];
	[sflag:s29] =	ssyncadd.s32 $0xFFFF9000  }
0x1a: {  	[tilespmem:s13], [sflag:$0x5] =	stream.strided.gather [hbm4b:s30+s11], $0x200, s28, s11, $0x38;
	[tilespmem:$0xF400] =	vst v63  }
0x1b: {  	_ =	swait.ge [sflag:s29], $0x200  }
0x1c: {  	[sflag:s29] =	ssyncset.done $0x0  }
0x1d: {  	s31 =	rddreg [dreg:$0x7];
	[sflag:s29] =	ssyncadd.s32 $0xFFFFFE00  }
0x1e: {  	[tilespmem:s14], [sflag:$0x5] =	stream.strided.gather [hbm4b:s31+s11], $0x200, s28, s11, $0x38;
	[tilespmem:$0xF400] =	vst v63  }
0x1f: {  	_ =	swait.ge [sflag:s29], $0x200  }
0x20: {  	[sflag:s29] =	ssyncset.done $0x0  }
0x21: {  	s28 =	simm.s32 $0x0;
	[sflag:s29] =	ssyncadd.s32 $0xFFFFFE00  }
.LBB2_2:
0x22: {  	s29 =	sshll.u32 s28, $0x2  }
0x23: {  	s30 =	sor.u32 s7, s29  }
0x24: {  	v2 =	vmov s30  }
0x25: {  	s12 =	simm.s32 $0x0;
	v2 =	vand.u32 $0xFFFFFFFC, v2  }
0x26: {  	p0 =	seq.s32 s28, $0x0;
	v3 =	vor.u32 s12, v0;
	v2 =	vbroadcast v2, $0x0  }
0x27: {  	s0 =	simm.s32 @!p0 $0x1  }
0x28: {  	_ =	swait.ge @!p0 [sflag:s0], $0x1800  }
0x29: {  	[sflag:s0] =	ssyncset.done @!p0 $0x0  }
0x2a: {  	[sflag:s0] =	ssyncadd.s32 @!p0 $0xFFFFE800  }
0x2b: {  	v5 =	vld.idx.msk [tilespmem:v3+s13+$0x0], $0xffff  }
0x2c: {  	v4 =	vld.idx.msk [tilespmem:v2+s13+$0x0], $0xffff  }
0x2d: {  	v2 =	vld.idx.msk [tilespmem:v2+s14+$0x0], $0xffff  }
0x2e: {  	v6 =	vld.idx.msk [tilespmem:v3+s14+$0x0], $0xffff  }
0x2f: {  	s4 =	simm.s32 $0x10  }
0x30: {  	v10 =	vor.u32 s4, v0  }
0x31: {  	v4 =	vmul.u32 $0x7, v4  }
0x32: {  	v5 =	vmul.u32 $0x7, v5;
	v2 =	vmul.u32 $0x7, v2  }
0x33: {  	v12 =	vadd.s32 $0xE00, v4;
	v4 =	vmul.u32 $0x7, v6  }
0x34: {  	v13 =	vadd.s32 $0x4600, v2;
	v25 =	vsub.s32 v12, v5  }
0x35: {  	v26 =	vsub.s32 v13, v5;
	v2 =	vadd.s32 $0xFFFFE400, v4;
	v4 =	vld.idx.msk [tilespmem:v10+s13+$0x0], $0xffff  }
0x36: {  	v5 =	vld.idx.msk [tilespmem:v10+s14+$0x0], $0xffff;
	v9 =	vsub.s32 v12, v2  }
0x37: {  	v6 =	vsub.s32 v13, v2;
	_ =	sdelay $0x1  }
0x38: {  	v2 =	vld.idx.msk [tilespmem:v25+s2+$0x0], $0xffff  }
0x39: {  	v11 =	vld.idx.msk [tilespmem:v26+s2+$0x0], $0xffff;
	v4 =	vmul.u32 $0x7, v4  }
0x3a: {  	v5 =	vmul.u32 $0x7, v5;
	v14 =	vld.idx.msk [tilespmem:v9+s2+$0x0], $0xffff  }
0x3b: {  	v15 =	vld.idx.msk [tilespmem:v6+s2+$0x0], $0xffff;
	v7 =	vsub.s32 v12, v4  }
0x3c: {  	v5 =	vadd.s32 $0xFFFFE400, v5;
	v4 =	vsub.s32 v13, v4  }
0x3d: {  	v16 =	vmov s12;
	v8 =	vsub.s32 v12, v5;
	v5 =	vsub.s32 v13, v5  }
0x3e: {  	v16 =	vshll.u32 v16, $0x3  }
0x3f: {  	v17 =	vand.u32 $0x6F, v3;
	v3 =	vand.u32 $0xC00, v16  }
0x40: {  	v14 =	vadd.bf16 v14, v2;
	v11 =	vadd.bf16 v15, v11;
	v2 =	vor.u32 v17, v3;
	v3 =	vld.idx.msk [tilespmem:v7+s2+$0x0], $0xffff  }
0x41: {  	v15 =	vld.idx.msk [tilespmem:v4+s2+$0x0], $0xffff  }
0x42: {  	v18 =	vor.u32 $0x80, v2;
	v21 =	vld.idx.msk [tilespmem:v5+s2+$0x0], $0xffff;
	v11 =	vadd.bf16 v11, v14  }
0x43: {  	v20 =	vadd.s32 $0x1, v25;
	v14 =	vld.idx.msk [tilespmem:v8+s2+$0x0], $0xffff  }
0x44: {  	v22 =	vadd.s32 $0x1, v9;
	v11 =	vmax.bf16 v11, v1  }
0x45: {  	v24 =	vadd.s32 $0x1, v26;
	v19 =	vunpack.i.l.bf16.f32 v11  }
0x46: {  	v23 =	vmov s4;
	v27 =	vadd.s32 $0x1, v6;
	v11 =	vunpack.i.u.bf16.f32 v11;
	[tilespmem:v2+s15+$0x0] =	vst.idx.msk $0xffff, v19  }
0x47: {  	v23 =	vshll.u32 v23, $0x3;
	v19 =	vand.u32 $0x7F, v10;
	[tilespmem:v18+s15+$0x0] =	vst.idx.msk $0xffff, v11  }
0x48: {  	v11 =	vadd.bf16 v14, v3;
	v14 =	vadd.bf16 v21, v15;
	v3 =	vand.u32 $0xC00, v23;
	v10 =	vld.idx.msk [tilespmem:v20+s2+$0x0], $0xffff  }
0x49: {  	v15 =	vld.idx.msk [tilespmem:v22+s2+$0x0], $0xffff;
	v3 =	vor.u32 v19, v3  }
0x4a: {  	v18 =	vld.idx.msk [tilespmem:v24+s2+$0x0], $0xffff;
	v11 =	vadd.bf16 v14, v11;
	v14 =	vor.u32 $0x80, v3  }
0x4b: {  	v21 =	vadd.s32 $0x1, v7;
	v20 =	vld.idx.msk [tilespmem:v27+s2+$0x0], $0xffff  }
0x4c: {  	v22 =	vadd.s32 $0x1, v8;
	v11 =	vmax.bf16 v11, v1  }
0x4d: {  	v27 =	vadd.s32 $0x1, v4;
	v24 =	vunpack.i.l.bf16.f32 v11  }
0x4e: {  	v11 =	vunpack.i.u.bf16.f32 v11;
	[tilespmem:v3+s15+$0x0] =	vst.idx.msk $0xffff, v24;
	v24 =	vadd.s32 $0x1, v5  }
0x4f: {  	[tilespmem:v14+s15+$0x0] =	vst.idx.msk $0xffff, v11  }
0x50: {  	v10 =	vadd.bf16 v15, v10;
	v11 =	vadd.bf16 v20, v18;
	v14 =	vld.idx.msk [tilespmem:v21+s2+$0x0], $0xffff  }
0x51: {  	v15 =	vor.u32 $0x100, v2;
	v18 =	vld.idx.msk [tilespmem:v22+s2+$0x0], $0xffff  }
0x52: {  	v20 =	vld.idx.msk [tilespmem:v27+s2+$0x0], $0xffff;
	v10 =	vadd.bf16 v11, v10;
	v11 =	vor.u32 $0x180, v2  }
0x53: {  	v21 =	vadd.s32 $0x2, v25;
	v22 =	vld.idx.msk [tilespmem:v24+s2+$0x0], $0xffff  }
0x54: {  	v10 =	vmax.bf16 v10, v1;
	v24 =	vadd.s32 $0x2, v9  }
0x55: {  	v27 =	vadd.s32 $0x2, v26;
	v28 =	vunpack.i.l.bf16.f32 v10  }
0x56: {  	v10 =	vunpack.i.u.bf16.f32 v10;
	[tilespmem:v15+s15+$0x0] =	vst.idx.msk $0xffff, v28;
	v15 =	vadd.s32 $0x2, v6  }
0x57: {  	[tilespmem:v11+s15+$0x0] =	vst.idx.msk $0xffff, v10  }
0x58: {  	v14 =	vadd.bf16 v18, v14;
	v10 =	vld.idx.msk [tilespmem:v21+s2+$0x0], $0xffff;
	v18 =	vadd.bf16 v22, v20  }
0x59: {  	v21 =	vor.u32 $0x100, v3;
	v11 =	vld.idx.msk [tilespmem:v24+s2+$0x0], $0xffff  }
0x5a: {  	v20 =	vld.idx.msk [tilespmem:v27+s2+$0x0], $0xffff;
	v14 =	vadd.bf16 v18, v14;
	v18 =	vor.u32 $0x180, v3  }
0x5b: {  	v22 =	vadd.s32 $0x2, v7;
	v15 =	vld.idx.msk [tilespmem:v15+s2+$0x0], $0xffff  }
0x5c: {  	v24 =	vadd.s32 $0x2, v8;
	v14 =	vmax.bf16 v14, v1  }
0x5d: {  	v28 =	vadd.s32 $0x2, v4;
	v27 =	vunpack.i.l.bf16.f32 v14  }
0x5e: {  	v14 =	vunpack.i.u.bf16.f32 v14;
	[tilespmem:v21+s15+$0x0] =	vst.idx.msk $0xffff, v27;
	v21 =	vadd.s32 $0x2, v5  }
0x5f: {  	[tilespmem:v18+s15+$0x0] =	vst.idx.msk $0xffff, v14  }
0x60: {  	s4 =	simm.s32 $0x20;
	v10 =	vadd.bf16 v11, v10;
	v11 =	vadd.bf16 v15, v20;
	v14 =	vld.idx.msk [tilespmem:v22+s2+$0x0], $0xffff  }
0x61: {  	v20 =	vor.u32 s4, v0;
	v15 =	vor.u32 $0x200, v2;
	v18 =	vld.idx.msk [tilespmem:v24+s2+$0x0], $0xffff  }
0x62: {  	v22 =	vld.idx.msk [tilespmem:v28+s2+$0x0], $0xffff;
	v10 =	vadd.bf16 v11, v10;
	v11 =	vor.u32 $0x280, v2  }
0x63: {  	v24 =	vadd.s32 $0x3, v25;
	v21 =	vld.idx.msk [tilespmem:v21+s2+$0x0], $0xffff  }
0x64: {  	v27 =	vadd.s32 $0x3, v9;
	v10 =	vmax.bf16 v10, v1  }
0x65: {  	v29 =	vadd.s32 $0x3, v26;
	v28 =	vunpack.i.l.bf16.f32 v10  }
0x66: {  	v30 =	vld.idx.msk [tilespmem:v20+s13+$0x0], $0xffff;
	v10 =	vunpack.i.u.bf16.f32 v10;
	[tilespmem:v15+s15+$0x0] =	vst.idx.msk $0xffff, v28;
	v15 =	vadd.s32 $0x3, v6  }
0x67: {  	v31 =	vld.idx.msk [tilespmem:v20+s14+$0x0], $0xffff;
	[tilespmem:v11+s15+$0x0] =	vst.idx.msk $0xffff, v10  }
0x68: {  	s0 =	simm.s32 $0x30;
	v10 =	vadd.bf16 v18, v14;
	v11 =	vld.idx.msk [tilespmem:v24+s2+$0x0], $0xffff;
	v14 =	vadd.bf16 v21, v22  }
0x69: {  	v28 =	vor.u32 s0, v0;
	v24 =	vld.idx.msk [tilespmem:v27+s2+$0x0], $0xffff;
	v21 =	vor.u32 $0x200, v3  }
0x6a: {  	v18 =	vld.idx.msk [tilespmem:v29+s2+$0x0], $0xffff;
	v10 =	vadd.bf16 v14, v10;
	v14 =	vor.u32 $0x280, v3  }
0x6b: {  	v16 =	vor.u32 v16, v17;
	v22 =	vadd.s32 $0x3, v7;
	v15 =	vld.idx.msk [tilespmem:v15+s2+$0x0], $0xffff  }
0x6c: {  	v17 =	vadd.s32 $0x3, v8;
	v27 =	vmul.u32 $0x7, v30;
	v10 =	vmax.bf16 v10, v1  }
0x6d: {  	v30 =	vadd.s32 $0x3, v4;
	v29 =	vunpack.i.l.bf16.f32 v10  }
0x6e: {  	v31 =	vmul.u32 $0x7, v31;
	v32 =	vld.idx.msk [tilespmem:v28+s13+$0x0], $0xffff;
	v33 =	vunpack.i.u.bf16.f32 v10;
	v10 =	vsub.s32 v12, v27;
	[tilespmem:v21+s15+$0x0] =	vst.idx.msk $0xffff, v29  }
0x6f: {  	v21 =	vadd.s32 $0x3, v5;
	v29 =	vld.idx.msk [tilespmem:v28+s14+$0x0], $0xffff;
	[tilespmem:v14+s15+$0x0] =	vst.idx.msk $0xffff, v33;
	v14 =	vadd.bf16 v24, v11  }
0x70: {  	v15 =	vadd.bf16 v15, v18;
	v11 =	vsub.s32 v13, v27;
	v18 =	vadd.s32 $0xFFFFE400, v31;
	v24 =	vld.idx.msk [tilespmem:v22+s2+$0x0], $0xffff  }
0x71: {  	v22 =	vsub.s32 v12, v18;
	v31 =	vld.idx.msk [tilespmem:v17+s2+$0x0], $0xffff  }
0x72: {  	v27 =	vor.u32 $0x300, v16;
	v18 =	vsub.s32 v13, v18;
	v30 =	vld.idx.msk [tilespmem:v30+s2+$0x0], $0xffff  }
0x73: {  	v59 =	vadd.s32 $0x4, v25;
	v17 =	vor.u32 $0x380, v16;
	v14 =	vadd.bf16 v15, v14;
	v35 =	vld.idx.msk [tilespmem:v10+s2+$0x0], $0xffff  }
0x74: {  	v36 =	vadd.s32 $0x4, v26;
	v34 =	vadd.s32 $0x4, v9;
	v15 =	vmov s4;
	v21 =	vld.idx.msk [tilespmem:v21+s2+$0x0], $0xffff  }
0x75: {  	v32 =	vmul.u32 $0x7, v32;
	v15 =	vshll.u32 v15, $0x3;
	v14 =	vmax.bf16 v14, v1;
	v37 =	vld.idx.msk [tilespmem:v11+s2+$0x0], $0xffff  }
0x76: {  	v29 =	vmul.u32 $0x7, v29;
	v16 =	vunpack.i.l.bf16.f32 v14;
	v14 =	vunpack.i.u.bf16.f32 v14;
	v38 =	vld.idx.msk [tilespmem:v22+s2+$0x0], $0xffff  }
0x77: {  	[tilespmem:v27+s15+$0x0] =	vst.idx.msk $0xffff, v16;
	v27 =	vadd.s32 $0x4, v6;
	v16 =	vand.u32 $0x6F, v20;
	v20 =	vand.u32 $0xC00, v15;
	v39 =	vld.idx.msk [tilespmem:v18+s2+$0x0], $0xffff  }
0x78: {  	v29 =	vadd.s32 $0xFFFFE400, v29;
	[tilespmem:v17+s15+$0x0] =	vst.idx.msk $0xffff, v14;
	v14 =	vor.u32 v16, v20;
	v20 =	vsub.s32 v12, v32  }
0x79: {  	v24 =	vadd.bf16 v31, v24;
	v17 =	vsub.s32 v13, v32;
	v41 =	vld.idx.msk [tilespmem:v59+s2+$0x0], $0xffff;
	v30 =	vadd.bf16 v21, v30  }
0x7a: {  	v23 =	vor.u32 v19, v23;
	v60 =	vor.u32 $0x300, v3;
	v19 =	vsub.s32 v13, v29;
	v31 =	vld.idx.msk [tilespmem:v34+s2+$0x0], $0xffff  }
0x7b: {  	v42 =	vld.idx.msk [tilespmem:v36+s2+$0x0], $0xffff;
	v21 =	vsub.s32 v12, v29;
	v29 =	vadd.bf16 v30, v24;
	v30 =	vor.u32 $0x380, v23  }
0x7c: {  	v44 =	vadd.s32 $0x4, v7;
	v45 =	vadd.s32 $0x4, v8;
	v33 =	vadd.s32 $0x4, v5;
	v43 =	vld.idx.msk [tilespmem:v27+s2+$0x0], $0xffff  }
0x7d: {  	v32 =	vadd.s32 $0x4, v4;
	v24 =	vor.u32 $0x1000, v2;
	v34 =	vld.idx.msk [tilespmem:v20+s2+$0x0], $0xffff;
	v29 =	vmax.bf16 v29, v1  }
0x7e: {  	v27 =	vadd.bf16 v38, v35;
	v61 =	vadd.bf16 v39, v37;
	v35 =	vld.idx.msk [tilespmem:v17+s2+$0x0], $0xffff;
	v62 =	vunpack.i.l.bf16.f32 v29  }
0x7f: {  	v23 =	vor.u32 $0x1080, v2;
	v37 =	vor.u32 $0x80, v14;
	v38 =	vld.idx.msk [tilespmem:v19+s2+$0x0], $0xffff;
	v40 =	vunpack.i.u.bf16.f32 v29;
	[tilespmem:v60+s15+$0x0] =	vst.idx.msk $0xffff, v62  }
0x80: {  	v63 =	vadd.bf16 v61, v27;
	v27 =	vadd.s32 $0x5, v26;
	v36 =	vld.idx.msk [tilespmem:v21+s2+$0x0], $0xffff;
	v29 =	vadd.s32 $0x5, v25;
	[tilespmem:v30+s15+$0x0] =	vst.idx.msk $0xffff, v40  }
0x81: {  	v25 =	vadd.bf16 v31, v41;
	v40 =	vadd.s32 $0x1, v10;
	v26 =	vadd.bf16 v43, v42;
	v30 =	vld.idx.msk [tilespmem:v44+s2+$0x0], $0xffff  }
0x82: {  	s31 =	simm.s32 $0x40;
	v39 =	vadd.s32 $0x1, v11;
	v41 =	vadd.s32 $0x1, v22;
	v42 =	vmax.bf16 v63, v1;
	v31 =	vld.idx.msk [tilespmem:v45+s2+$0x0], $0xffff  }
.LBB2_3:
0x83: {  	p1 =	slt.u32 s31, $0x1E0;
	v43 =	vunpack.i.l.bf16.f32 v42;
	v44 =	vadd.bf16 v26, v25;
	v45 =	vadd.s32 $0x5, v9;
	v32 =	vld.idx.msk [tilespmem:v32+s2+$0x0], $0xffff;
	v9 =	vmovc v22  }
0x84: {  	v22 =	vunpack.i.u.bf16.f32 v42;
	v42 =	vadd.s32 $0x1, v18;
	v26 =	vmov s0;
	[tilespmem:v14+s15+$0x0] =	vst.idx.msk $0xffff, v43;
	v33 =	vld.idx.msk [tilespmem:v33+s2+$0x0], $0xffff  }
0x85: {  	v25 =	vand.u32 $0x7F, v28;
	v26 =	vshll.u32 v26, $0x3;
	[tilespmem:v37+s15+$0x0] =	vst.idx.msk $0xffff, v22;
	v22 =	vmax.bf16 v44, v1  }
0x86: {  	v34 =	vadd.bf16 v36, v34;
	v35 =	vadd.bf16 v38, v35;
	v36 =	vand.u32 $0xC00, v26;
	v28 =	vld.idx.msk [tilespmem:v40+s2+$0x0], $0xffff  }
0x87: {  	v36 =	vor.u32 v25, v36;
	v38 =	vunpack.i.l.bf16.f32 v22;
	v40 =	vadd.s32 $0x5, v6;
	v6 =	vmovc v18;
	v37 =	vld.idx.msk [tilespmem:v41+s2+$0x0], $0xffff  }
0x88: {  	v22 =	vunpack.i.u.bf16.f32 v22;
	v34 =	vadd.bf16 v35, v34;
	v35 =	vor.u32 $0x80, v36;
	v18 =	vld.idx.msk [tilespmem:v39+s2+$0x0], $0xffff;
	[tilespmem:v24+s15+$0x0] =	vst.idx.msk $0xffff, v38  }
0x89: {  	v38 =	vadd.s32 $0x1, v20;
	v39 =	vadd.s32 $0x1, v21;
	v24 =	vld.idx.msk [tilespmem:v42+s2+$0x0], $0xffff;
	[tilespmem:v23+s15+$0x0] =	vst.idx.msk $0xffff, v22;
	v22 =	vor.u32 $0x1000, v3  }
0x8a: {  	v30 =	vadd.bf16 v31, v30;
	v23 =	vmax.bf16 v34, v1;
	v31 =	vadd.bf16 v33, v32;
	v29 =	vld.idx.msk [tilespmem:v29+s2+$0x0], $0xffff  }
0x8b: {  	v41 =	vor.u32 $0x1080, v3;
	v33 =	vadd.s32 $0x1, v17;
	v32 =	vunpack.i.l.bf16.f32 v23;
	v34 =	vld.idx.msk [tilespmem:v45+s2+$0x0], $0xffff  }
0x8c: {  	v23 =	vunpack.i.u.bf16.f32 v23;
	v30 =	vadd.bf16 v31, v30;
	[tilespmem:v36+s15+$0x0] =	vst.idx.msk $0xffff, v32;
	v32 =	vadd.s32 $0x1, v19;
	v27 =	vld.idx.msk [tilespmem:v27+s2+$0x0], $0xffff  }
0x8d: {  	v31 =	vadd.s32 $0x5, v7;
	v7 =	vmov v20;
	[tilespmem:v35+s15+$0x0] =	vst.idx.msk $0xffff, v23;
	v23 =	vld.idx.msk [tilespmem:v40+s2+$0x0], $0xffff  }
0x8e: {  	v20 =	vadd.bf16 v37, v28;
	v30 =	vmax.bf16 v30, v1;
	v35 =	vadd.s32 $0x5, v8;
	v8 =	vmovc v21;
	v28 =	vld.idx.msk [tilespmem:v38+s2+$0x0], $0xffff  }
0x8f: {  	v37 =	vadd.s32 $0x5, v4;
	v4 =	vmovc v17;
	v18 =	vadd.bf16 v24, v18;
	v24 =	vunpack.i.l.bf16.f32 v30;
	v21 =	vld.idx.msk [tilespmem:v39+s2+$0x0], $0xffff  }
0x90: {  	v17 =	vor.u32 $0x100, v14;
	v30 =	vunpack.i.u.bf16.f32 v30;
	v33 =	vld.idx.msk [tilespmem:v33+s2+$0x0], $0xffff;
	[tilespmem:v22+s15+$0x0] =	vst.idx.msk $0xffff, v24;
	v22 =	vadd.s32 $0x5, v5;
	v5 =	vmovc v19  }
0x91: {  	v18 =	vadd.bf16 v18, v20;
	v19 =	vor.u32 $0x180, v14;
	v20 =	vld.idx.msk [tilespmem:v32+s2+$0x0], $0xffff;
	[tilespmem:v41+s15+$0x0] =	vst.idx.msk $0xffff, v30  }
0x92: {  	v24 =	vadd.s32 $0x2, v10;
	v30 =	vld.idx.msk [tilespmem:v31+s2+$0x0], $0xffff  }
0x93: {  	v32 =	vadd.s32 $0x2, v11;
	v18 =	vmax.bf16 v18, v1;
	v31 =	vadd.s32 $0x2, v9;
	v35 =	vld.idx.msk [tilespmem:v35+s2+$0x0], $0xffff  }
0x94: {  	v29 =	vadd.bf16 v34, v29;
	v23 =	vadd.bf16 v23, v27;
	v38 =	vunpack.i.l.bf16.f32 v18;
	v27 =	vld.idx.msk [tilespmem:v37+s2+$0x0], $0xffff  }
0x95: {  	v18 =	vunpack.i.u.bf16.f32 v18;
	[tilespmem:v17+s15+$0x0] =	vst.idx.msk $0xffff, v38;
	v17 =	vadd.s32 $0x2, v6;
	v22 =	vld.idx.msk [tilespmem:v22+s2+$0x0], $0xffff  }
0x96: {  	[tilespmem:v19+s15+$0x0] =	vst.idx.msk $0xffff, v18;
	v18 =	vadd.bf16 v23, v29  }
0x97: {  	v23 =	vor.u32 $0x1100, v2;
	v19 =	vld.idx.msk [tilespmem:v24+s2+$0x0], $0xffff  }
0x98: {  	v21 =	vadd.bf16 v21, v28;
	v20 =	vadd.bf16 v20, v33;
	v24 =	vld.idx.msk [tilespmem:v31+s2+$0x0], $0xffff;
	v18 =	vmax.bf16 v18, v1  }
0x99: {  	v29 =	vor.u32 $0x100, v36;
	v28 =	vld.idx.msk [tilespmem:v32+s2+$0x0], $0xffff;
	v31 =	vunpack.i.l.bf16.f32 v18;
	v32 =	vor.u32 $0x1180, v2;
	v2 =	vmovc v14  }
0x9a: {  	v14 =	vld.idx.msk [tilespmem:v17+s2+$0x0], $0xffff;
	v17 =	vadd.bf16 v20, v21;
	v20 =	vor.u32 $0x180, v36;
	v21 =	vor.u32 $0x1100, v3  }
0x9b: {  	v33 =	vadd.s32 $0x2, v7;
	v30 =	vadd.bf16 v35, v30;
	v22 =	vadd.bf16 v22, v27  }
0x9c: {  	v34 =	vor.u32 $0x1180, v3;
	v27 =	vadd.s32 $0x2, v8;
	v3 =	vmovc v36;
	v17 =	vmax.bf16 v17, v1  }
0x9d: {  	v36 =	vadd.s32 $0x2, v4;
	v22 =	vadd.bf16 v22, v30;
	v35 =	vunpack.i.l.bf16.f32 v17;
	[tilespmem:v23+s15+$0x0] =	vst.idx.msk $0xffff, v31  }
0x9e: {  	v17 =	vunpack.i.u.bf16.f32 v17;
	v23 =	vadd.s32 $0x2, v5;
	[tilespmem:v29+s15+$0x0] =	vst.idx.msk $0xffff, v35  }
0x9f: {  	v19 =	vadd.bf16 v24, v19;
	[tilespmem:v20+s15+$0x0] =	vst.idx.msk $0xffff, v17;
	v17 =	vunpack.i.u.bf16.f32 v18;
	v18 =	vmax.bf16 v22, v1  }
0xa0: {  	v14 =	vadd.bf16 v14, v28;
	v20 =	vld.idx.msk [tilespmem:v33+s2+$0x0], $0xffff;
	[tilespmem:v32+s15+$0x0] =	vst.idx.msk $0xffff, v17;
	v17 =	vunpack.i.l.bf16.f32 v18  }
0xa1: {  	v24 =	vor.u32 s31, v0;
	v22 =	vor.u32 $0x200, v2;
	v18 =	vunpack.i.u.bf16.f32 v18;
	v27 =	vld.idx.msk [tilespmem:v27+s2+$0x0], $0xffff;
	[tilespmem:v21+s15+$0x0] =	vst.idx.msk $0xffff, v17  }
0xa2: {  	v14 =	vadd.bf16 v14, v19;
	v17 =	vor.u32 $0x280, v2;
	v19 =	vld.idx.msk [tilespmem:v36+s2+$0x0], $0xffff;
	[tilespmem:v34+s15+$0x0] =	vst.idx.msk $0xffff, v18  }
0xa3: {  	v18 =	vadd.s32 $0x3, v10;
	v21 =	vld.idx.msk [tilespmem:v23+s2+$0x0], $0xffff  }
0xa4: {  	v14 =	vmax.bf16 v14, v1;
	v23 =	vadd.s32 $0x3, v9  }
0xa5: {  	v29 =	vadd.s32 $0x3, v11;
	v28 =	vunpack.i.l.bf16.f32 v14  }
0xa6: {  	v14 =	vunpack.i.u.bf16.f32 v14;
	v30 =	vld.idx.msk [tilespmem:v24+s13+$0x0], $0xffff;
	[tilespmem:v22+s15+$0x0] =	vst.idx.msk $0xffff, v28;
	v22 =	vadd.s32 $0x3, v6  }
0xa7: {  	v31 =	vld.idx.msk [tilespmem:v24+s14+$0x0], $0xffff;
	[tilespmem:v17+s15+$0x0] =	vst.idx.msk $0xffff, v14  }
0xa8: {  	v14 =	vld.idx.msk [tilespmem:v18+s2+$0x0], $0xffff  }
0xa9: {  	s0 =	sadd.s32 $0x10, s31;
	v18 =	vadd.bf16 v27, v20;
	v19 =	vadd.bf16 v21, v19;
	v17 =	vld.idx.msk [tilespmem:v23+s2+$0x0], $0xffff  }
0xaa: {  	v28 =	vor.u32 s0, v0;
	v21 =	vor.u32 $0x200, v3;
	v20 =	vld.idx.msk [tilespmem:v29+s2+$0x0], $0xffff  }
0xab: {  	v18 =	vadd.bf16 v19, v18;
	v19 =	vor.u32 $0x280, v3;
	v22 =	vld.idx.msk [tilespmem:v22+s2+$0x0], $0xffff  }
0xac: {  	v23 =	vadd.s32 $0x3, v7  }
0xad: {  	v15 =	vor.u32 v15, v16;
	v16 =	vmax.bf16 v18, v1;
	v18 =	vadd.s32 $0x3, v8  }
0xae: {  	v27 =	vmul.u32 $0x7, v30;
	v30 =	vadd.s32 $0x3, v4;
	v29 =	vunpack.i.l.bf16.f32 v16  }
0xaf: {  	v31 =	vmul.u32 $0x7, v31;
	v16 =	vunpack.i.u.bf16.f32 v16;
	v32 =	vld.idx.msk [tilespmem:v28+s13+$0x0], $0xffff;
	[tilespmem:v21+s15+$0x0] =	vst.idx.msk $0xffff, v29;
	v21 =	vadd.s32 $0x3, v5  }
0xb0: {  	v39 =	vsub.s32 v12, v27;
	v43 =	vsub.s32 v13, v27;
	v27 =	vld.idx.msk [tilespmem:v28+s14+$0x0], $0xffff;
	[tilespmem:v19+s15+$0x0] =	vst.idx.msk $0xffff, v16  }
0xb1: {  	v14 =	vadd.bf16 v17, v14;
	v16 =	vadd.s32 $0xFFFFE400, v31;
	v17 =	vadd.bf16 v22, v20;
	v19 =	vld.idx.msk [tilespmem:v23+s2+$0x0], $0xffff  }
0xb2: {  	v20 =	vor.u32 $0x300, v15;
	v22 =	vsub.s32 v12, v16;
	v23 =	vld.idx.msk [tilespmem:v18+s2+$0x0], $0xffff  }
0xb3: {  	v18 =	vsub.s32 v13, v16;
	v14 =	vadd.bf16 v17, v14;
	v17 =	vor.u32 $0x380, v15;
	v29 =	vld.idx.msk [tilespmem:v30+s2+$0x0], $0xffff  }
0xb4: {  	v30 =	vadd.s32 $0x4, v10;
	v21 =	vld.idx.msk [tilespmem:v21+s2+$0x0], $0xffff  }
0xb5: {  	v33 =	vadd.s32 $0x4, v9;
	v15 =	vmov s31;
	v14 =	vmax.bf16 v14, v1;
	v31 =	vld.idx.msk [tilespmem:v39+s2+$0x0], $0xffff  }
0xb6: {  	v34 =	vadd.s32 $0x4, v11;
	v15 =	vshll.u32 v15, $0x3;
	v16 =	vunpack.i.l.bf16.f32 v14;
	v35 =	vld.idx.msk [tilespmem:v43+s2+$0x0], $0xffff  }
0xb7: {  	v37 =	vadd.s32 $0x4, v6;
	v32 =	vmul.u32 $0x7, v32;
	v14 =	vunpack.i.u.bf16.f32 v14;
	v36 =	vld.idx.msk [tilespmem:v22+s2+$0x0], $0xffff;
	[tilespmem:v20+s15+$0x0] =	vst.idx.msk $0xffff, v16  }
0xb8: {  	v16 =	vand.u32 $0x6F, v24;
	v20 =	vand.u32 $0xC00, v15;
	v24 =	vmul.u32 $0x7, v27;
	v38 =	vld.idx.msk [tilespmem:v18+s2+$0x0], $0xffff;
	[tilespmem:v17+s15+$0x0] =	vst.idx.msk $0xffff, v14  }
0xb9: {  	v14 =	vor.u32 v16, v20;
	v20 =	vsub.s32 v12, v32;
	v17 =	vsub.s32 v13, v32;
	v30 =	vld.idx.msk [tilespmem:v30+s2+$0x0], $0xffff  }
0xba: {  	v23 =	vadd.bf16 v23, v19;
	v24 =	vadd.s32 $0xFFFFE400, v24;
	v27 =	vadd.bf16 v21, v29;
	v41 =	vld.idx.msk [tilespmem:v33+s2+$0x0], $0xffff  }
0xbb: {  	v25 =	vor.u32 v25, v26;
	v29 =	vor.u32 $0x300, v3;
	v21 =	vsub.s32 v12, v24;
	v42 =	vld.idx.msk [tilespmem:v34+s2+$0x0], $0xffff  }
0xbc: {  	v25 =	vor.u32 $0x380, v25;
	v19 =	vsub.s32 v13, v24;
	v27 =	vadd.bf16 v27, v23;
	v26 =	vld.idx.msk [tilespmem:v37+s2+$0x0], $0xffff  }
0xbd: {  	v44 =	vadd.s32 $0x4, v7;
	v24 =	vor.u32 $0x1000, v2;
	v23 =	vor.u32 $0x1080, v2  }
0xbe: {  	v45 =	vadd.s32 $0x4, v8;
	v31 =	vadd.bf16 v36, v31;
	v27 =	vmax.bf16 v27, v1;
	v34 =	vld.idx.msk [tilespmem:v20+s2+$0x0], $0xffff  }
.Ltmp0:
0xbf: {  	v32 =	vadd.s32 $0x4, v4;
	v38 =	vadd.bf16 v38, v35;
	v33 =	vunpack.i.l.bf16.f32 v27;
	v35 =	vld.idx.msk [tilespmem:v17+s2+$0x0], $0xffff;
	(pc) =	sbr.rel @p1 .LBB2_3-.Ltmp0, $4  }
0xc0: {  	v37 =	vor.u32 $0x80, v14;
	v40 =	vunpack.i.u.bf16.f32 v27;
	v36 =	vld.idx.msk [tilespmem:v21+s2+$0x0], $0xffff;
	[tilespmem:v29+s15+$0x0] =	vst.idx.msk $0xffff, v33;
	v33 =	vadd.s32 $0x4, v5  }
0xc1: {  	v27 =	vadd.s32 $0x5, v11;
	v31 =	vadd.bf16 v38, v31;
	v29 =	vadd.s32 $0x5, v10;
	v38 =	vld.idx.msk [tilespmem:v19+s2+$0x0], $0xffff;
	[tilespmem:v25+s15+$0x0] =	vst.idx.msk $0xffff, v40  }
0xc2: {  	v10 =	vmovc v39;
	v40 =	vadd.s32 $0x1, v39;
	v25 =	vadd.bf16 v41, v30;
	v26 =	vadd.bf16 v26, v42;
	v30 =	vld.idx.msk [tilespmem:v44+s2+$0x0], $0xffff  }
0xc3: {  	s31 =	sadd.s32 $0x20, s31;
	v11 =	vmovc v43;
	v42 =	vmax.bf16 v31, v1;
	v41 =	vadd.s32 $0x1, v22;
	v39 =	vadd.s32 $0x1, v43;
	v31 =	vld.idx.msk [tilespmem:v45+s2+$0x0], $0xffff  }
0xc4: {  	_ =	sdelay $0x1  }
0xc5: {  	v12 =	vunpack.i.l.bf16.f32 v42;
	v13 =	vunpack.i.u.bf16.f32 v42;
	v58 =	vmov s0  }
0xc6: {  	v43 =	vadd.s32 $0x1, v18;
	v28 =	vand.u32 $0x7F, v28;
	v42 =	vshll.u32 v58, $0x3  }
0xc7: {  	[tilespmem:v14+s15+$0x0] =	vst.idx.msk $0xffff, v12;
	v34 =	vadd.bf16 v36, v34;
	v35 =	vadd.bf16 v38, v35;
	v12 =	vand.u32 $0xC00, v42  }
0xc8: {  	[tilespmem:v37+s15+$0x0] =	vst.idx.msk $0xffff, v13;
	v12 =	vor.u32 v28, v12  }
0xc9: {  	v13 =	vld.idx.msk [tilespmem:v40+s2+$0x0], $0xffff;
	v34 =	vadd.bf16 v35, v34;
	v59 =	vor.u32 $0x80, v12  }
0xca: {  	v61 =	vadd.s32 $0x1, v20;
	v60 =	vld.idx.msk [tilespmem:v41+s2+$0x0], $0xffff  }
0xcb: {  	v63 =	vadd.s32 $0x1, v21;
	v62 =	vld.idx.msk [tilespmem:v39+s2+$0x0], $0xffff;
	v34 =	vmax.bf16 v34, v1  }
0xcc: {  	v47 =	vadd.s32 $0x1, v17;
	v45 =	vld.idx.msk [tilespmem:v43+s2+$0x0], $0xffff;
	v46 =	vunpack.i.l.bf16.f32 v34  }
0xcd: {  	v48 =	vadd.s32 $0x1, v19;
	v34 =	vunpack.i.u.bf16.f32 v34;
	[tilespmem:v12+s15+$0x0] =	vst.idx.msk $0xffff, v46  }
0xce: {  	[tilespmem:v59+s15+$0x0] =	vst.idx.msk $0xffff, v34  }
0xcf: {  	v34 =	vld.idx.msk [tilespmem:v61+s2+$0x0], $0xffff  }
0xd0: {  	v35 =	vld.idx.msk [tilespmem:v63+s2+$0x0], $0xffff  }
0xd1: {  	v13 =	vadd.bf16 v60, v13;
	v49 =	vadd.bf16 v45, v62;
	v50 =	vld.idx.msk [tilespmem:v47+s2+$0x0], $0xffff  }
0xd2: {  	v51 =	vor.u32 $0x100, v14;
	v52 =	vld.idx.msk [tilespmem:v48+s2+$0x0], $0xffff  }
0xd3: {  	v53 =	vor.u32 $0x180, v14;
	v13 =	vadd.bf16 v49, v13;
	_ =	sdelay $0x1  }
0xd4: {  	v54 =	vadd.s32 $0x2, v10;
	v13 =	vmax.bf16 v13, v1  }
0xd5: {  	v55 =	vadd.s32 $0x2, v22;
	v56 =	vadd.s32 $0x2, v11;
	v44 =	vunpack.i.l.bf16.f32 v13  }
0xd6: {  	v13 =	vunpack.i.u.bf16.f32 v13;
	v34 =	vadd.bf16 v35, v34;
	v58 =	vadd.bf16 v52, v50;
	[tilespmem:v51+s15+$0x0] =	vst.idx.msk $0xffff, v44  }
0xd7: {  	v57 =	vadd.s32 $0x2, v18;
	[tilespmem:v53+s15+$0x0] =	vst.idx.msk $0xffff, v13;
	v13 =	vor.u32 $0x100, v12  }
0xd8: {  	v59 =	vor.u32 $0x180, v12;
	v34 =	vadd.bf16 v58, v34  }
0xd9: {  	v61 =	vadd.s32 $0x2, v20;
	v36 =	vld.idx.msk [tilespmem:v54+s2+$0x0], $0xffff  }
0xda: {  	v63 =	vadd.s32 $0x2, v21;
	v60 =	vld.idx.msk [tilespmem:v55+s2+$0x0], $0xffff;
	v34 =	vmax.bf16 v34, v1  }
0xdb: {  	v49 =	vadd.s32 $0x2, v17;
	v62 =	vld.idx.msk [tilespmem:v56+s2+$0x0], $0xffff;
	v48 =	vunpack.i.l.bf16.f32 v34  }
0xdc: {  	v38 =	vld.idx.msk [tilespmem:v57+s2+$0x0], $0xffff;
	v34 =	vunpack.i.u.bf16.f32 v34;
	[tilespmem:v13+s15+$0x0] =	vst.idx.msk $0xffff, v48;
	v13 =	vadd.s32 $0x2, v19  }
0xdd: {  	[tilespmem:v59+s15+$0x0] =	vst.idx.msk $0xffff, v34  }
0xde: {  	v34 =	vld.idx.msk [tilespmem:v61+s2+$0x0], $0xffff  }
0xdf: {  	v35 =	vld.idx.msk [tilespmem:v63+s2+$0x0], $0xffff  }
0xe0: {  	v51 =	vld.idx.msk [tilespmem:v49+s2+$0x0], $0xffff  }
0xe1: {  	v36 =	vadd.bf16 v60, v36;
	v50 =	vadd.bf16 v38, v62;
	v13 =	vld.idx.msk [tilespmem:v13+s2+$0x0], $0xffff  }
0xe2: {  	v52 =	vor.u32 $0x200, v14  }
0xe3: {  	v53 =	vor.u32 $0x280, v14;
	v36 =	vadd.bf16 v50, v36  }
0xe4: {  	v54 =	vadd.s32 $0x3, v10  }
0xe5: {  	v55 =	vadd.s32 $0x3, v22;
	v57 =	vadd.s32 $0x3, v11;
	v36 =	vmax.bf16 v36, v1  }
0xe6: {  	v56 =	vunpack.i.l.bf16.f32 v36;
	v34 =	vadd.bf16 v35, v34;
	v13 =	vadd.bf16 v13, v51  }
0xe7: {  	v58 =	vadd.s32 $0x3, v18;
	v59 =	vor.u32 $0x200, v12;
	v36 =	vunpack.i.u.bf16.f32 v36;
	[tilespmem:v52+s15+$0x0] =	vst.idx.msk $0xffff, v56  }
0xe8: {  	v60 =	vor.u32 $0x280, v12;
	[tilespmem:v53+s15+$0x0] =	vst.idx.msk $0xffff, v36;
	v13 =	vadd.bf16 v13, v34  }
0xe9: {  	v61 =	vadd.s32 $0x3, v20;
	v36 =	vld.idx.msk [tilespmem:v54+s2+$0x0], $0xffff  }
0xea: {  	v63 =	vadd.s32 $0x3, v21;
	v37 =	vld.idx.msk [tilespmem:v55+s2+$0x0], $0xffff;
	v13 =	vmax.bf16 v13, v1  }
0xeb: {  	v49 =	vadd.s32 $0x3, v17;
	v62 =	vld.idx.msk [tilespmem:v57+s2+$0x0], $0xffff;
	v48 =	vunpack.i.l.bf16.f32 v13  }
0xec: {  	v50 =	vadd.s32 $0x3, v19;
	v39 =	vld.idx.msk [tilespmem:v58+s2+$0x0], $0xffff;
	v13 =	vunpack.i.u.bf16.f32 v13;
	[tilespmem:v59+s15+$0x0] =	vst.idx.msk $0xffff, v48  }
0xed: {  	[tilespmem:v60+s15+$0x0] =	vst.idx.msk $0xffff, v13  }
0xee: {  	v13 =	vld.idx.msk [tilespmem:v61+s2+$0x0], $0xffff  }
0xef: {  	v34 =	vld.idx.msk [tilespmem:v63+s2+$0x0], $0xffff  }
0xf0: {  	v52 =	vld.idx.msk [tilespmem:v49+s2+$0x0], $0xffff  }
0xf1: {  	v15 =	vor.u32 v15, v16;
	v36 =	vadd.bf16 v37, v36;
	v51 =	vadd.bf16 v39, v62;
	v35 =	vld.idx.msk [tilespmem:v50+s2+$0x0], $0xffff  }
0xf2: {  	v53 =	vor.u32 $0x300, v15  }
0xf3: {  	v15 =	vor.u32 $0x380, v15;
	v16 =	vadd.bf16 v51, v36  }
0xf4: {  	v28 =	vor.u32 v28, v42;
	v54 =	vadd.s32 $0x4, v10  }
0xf5: {  	v55 =	vadd.s32 $0x4, v22;
	v57 =	vadd.s32 $0x4, v11;
	v16 =	vmax.bf16 v16, v1  }
0xf6: {  	v56 =	vunpack.i.l.bf16.f32 v16;
	v13 =	vadd.bf16 v34, v13;
	v58 =	vadd.bf16 v35, v52  }
0xf7: {  	v32 =	vld.idx.msk [tilespmem:v32+s2+$0x0], $0xffff;
	v59 =	vor.u32 $0x300, v12;
	v60 =	vadd.s32 $0x4, v18;
	v16 =	vunpack.i.u.bf16.f32 v16;
	[tilespmem:v53+s15+$0x0] =	vst.idx.msk $0xffff, v56  }
0xf8: {  	v33 =	vld.idx.msk [tilespmem:v33+s2+$0x0], $0xffff;
	v28 =	vor.u32 $0x380, v28;
	[tilespmem:v15+s15+$0x0] =	vst.idx.msk $0xffff, v16;
	v13 =	vadd.bf16 v58, v13  }
0xf9: {  	v15 =	vadd.s32 $0x4, v20;
	v16 =	vld.idx.msk [tilespmem:v54+s2+$0x0], $0xffff  }
0xfa: {  	v61 =	vadd.s32 $0x4, v21;
	v62 =	vld.idx.msk [tilespmem:v55+s2+$0x0], $0xffff;
	v13 =	vmax.bf16 v13, v1  }
0xfb: {  	v25 =	vadd.bf16 v26, v25;
	v42 =	vadd.s32 $0x4, v17;
	v26 =	vld.idx.msk [tilespmem:v57+s2+$0x0], $0xffff;
	v63 =	vunpack.i.l.bf16.f32 v13  }
0xfc: {  	v43 =	vadd.s32 $0x4, v19;
	v44 =	vld.idx.msk [tilespmem:v60+s2+$0x0], $0xffff;
	v13 =	vunpack.i.u.bf16.f32 v13;
	[tilespmem:v59+s15+$0x0] =	vst.idx.msk $0xffff, v63  }
0xfd: {  	v30 =	vadd.bf16 v31, v30;
	v31 =	vadd.bf16 v33, v32;
	[tilespmem:v28+s15+$0x0] =	vst.idx.msk $0xffff, v13  }
0xfe: {  	v9 =	vadd.s32 $0x5, v9;
	v6 =	vadd.s32 $0x5, v6;
	v13 =	vmax.bf16 v25, v1;
	v15 =	vld.idx.msk [tilespmem:v15+s2+$0x0], $0xffff  }
0xff: {  	v30 =	vadd.bf16 v31, v30;
	v28 =	vor.u32 $0x1000, v3;
	v25 =	vunpack.i.l.bf16.f32 v13;
	v31 =	vld.idx.msk [tilespmem:v61+s2+$0x0], $0xffff  }
0x100: {  	v7 =	vadd.s32 $0x5, v7;
	v13 =	vunpack.i.u.bf16.f32 v13;
	[tilespmem:v24+s15+$0x0] =	vst.idx.msk $0xffff, v25;
	v24 =	vor.u32 $0x1080, v3;
	v25 =	vld.idx.msk [tilespmem:v42+s2+$0x0], $0xffff  }
0x101: {  	v16 =	vadd.bf16 v62, v16;
	v26 =	vadd.bf16 v44, v26;
	[tilespmem:v23+s15+$0x0] =	vst.idx.msk $0xffff, v13;
	v23 =	vld.idx.msk [tilespmem:v43+s2+$0x0], $0xffff  }
0x102: {  	v8 =	vadd.s32 $0x5, v8;
	v4 =	vadd.s32 $0x5, v4;
	v13 =	vmax.bf16 v30, v1;
	v29 =	vld.idx.msk [tilespmem:v29+s2+$0x0], $0xffff  }
0x103: {  	v45 =	vor.u32 $0x1000, v14;
	v16 =	vadd.bf16 v26, v16;
	v30 =	vunpack.i.l.bf16.f32 v13;
	v9 =	vld.idx.msk [tilespmem:v9+s2+$0x0], $0xffff  }
0x104: {  	v5 =	vadd.s32 $0x5, v5;
	v13 =	vunpack.i.u.bf16.f32 v13;
	v27 =	vld.idx.msk [tilespmem:v27+s2+$0x0], $0xffff;
	[tilespmem:v28+s15+$0x0] =	vst.idx.msk $0xffff, v30;
	v28 =	vor.u32 $0x1080, v14  }
0x105: {  	v10 =	vadd.s32 $0x5, v10;
	v11 =	vadd.s32 $0x5, v11;
	v16 =	vmax.bf16 v16, v1;
	v6 =	vld.idx.msk [tilespmem:v6+s2+$0x0], $0xffff;
	[tilespmem:v24+s15+$0x0] =	vst.idx.msk $0xffff, v13  }
0x106: {  	v15 =	vadd.bf16 v31, v15;
	v13 =	vadd.s32 $0x5, v22;
	v7 =	vld.idx.msk [tilespmem:v7+s2+$0x0], $0xffff;
	v22 =	vadd.bf16 v23, v25  }
0x107: {  	v18 =	vadd.s32 $0x5, v18;
	v24 =	vor.u32 $0x1000, v12;
	v8 =	vld.idx.msk [tilespmem:v8+s2+$0x0], $0xffff;
	v23 =	vunpack.i.l.bf16.f32 v16  }
0x108: {  	v4 =	vld.idx.msk [tilespmem:v4+s2+$0x0], $0xffff;
	v16 =	vunpack.i.u.bf16.f32 v16;
	[tilespmem:v45+s15+$0x0] =	vst.idx.msk $0xffff, v23;
	v23 =	vor.u32 $0x1080, v12;
	v15 =	vadd.bf16 v22, v15  }
0x109: {  	v5 =	vld.idx.msk [tilespmem:v5+s2+$0x0], $0xffff;
	[tilespmem:v28+s15+$0x0] =	vst.idx.msk $0xffff, v16;
	v16 =	vadd.s32 $0x5, v20  }
0x10a: {  	v20 =	vadd.s32 $0x5, v21;
	v10 =	vld.idx.msk [tilespmem:v10+s2+$0x0], $0xffff;
	v15 =	vmax.bf16 v15, v1  }
0x10b: {  	v17 =	vadd.s32 $0x5, v17;
	v11 =	vld.idx.msk [tilespmem:v11+s2+$0x0], $0xffff;
	v21 =	vunpack.i.l.bf16.f32 v15  }
0x10c: {  	v19 =	vadd.s32 $0x5, v19;
	v18 =	vld.idx.msk [tilespmem:v18+s2+$0x0], $0xffff;
	v15 =	vunpack.i.u.bf16.f32 v15;
	[tilespmem:v24+s15+$0x0] =	vst.idx.msk $0xffff, v21  }
0x10d: {  	v9 =	vadd.bf16 v9, v29;
	v6 =	vadd.bf16 v6, v27;
	v13 =	vld.idx.msk [tilespmem:v13+s2+$0x0], $0xffff;
	[tilespmem:v23+s15+$0x0] =	vst.idx.msk $0xffff, v15  }
0x10e: {  	v15 =	vld.idx.msk [tilespmem:v16+s2+$0x0], $0xffff  }
0x10f: {  	v6 =	vadd.bf16 v6, v9;
	v9 =	vld.idx.msk [tilespmem:v20+s2+$0x0], $0xffff  }
0x110: {  	v7 =	vadd.bf16 v8, v7;
	v4 =	vadd.bf16 v5, v4;
	v5 =	vld.idx.msk [tilespmem:v17+s2+$0x0], $0xffff  }
0x111: {  	v8 =	vor.u32 $0x1100, v2;
	v16 =	vld.idx.msk [tilespmem:v19+s2+$0x0], $0xffff  }
0x112: {  	v6 =	vmax.bf16 v6, v1;
	v2 =	vor.u32 $0x1180, v2;
	v4 =	vadd.bf16 v4, v7  }
0x113: {  	v7 =	vor.u32 $0x1100, v3;
	v11 =	vadd.bf16 v18, v11;
	v10 =	vadd.bf16 v13, v10  }
0x114: {  	v3 =	vor.u32 $0x1180, v3;
	v13 =	vunpack.i.l.bf16.f32 v6;
	v6 =	vunpack.i.u.bf16.f32 v6  }
0x115: {  	v4 =	vmax.bf16 v4, v1;
	v10 =	vadd.bf16 v11, v10;
	v11 =	vor.u32 $0x1100, v14  }
0x116: {  	[tilespmem:v8+s15+$0x0] =	vst.idx.msk $0xffff, v13;
	v8 =	vor.u32 $0x1180, v14;
	v9 =	vadd.bf16 v9, v15;
	v5 =	vadd.bf16 v16, v5  }
0x117: {  	[tilespmem:v2+s15+$0x0] =	vst.idx.msk $0xffff, v6;
	v2 =	vunpack.i.l.bf16.f32 v4;
	v4 =	vunpack.i.u.bf16.f32 v4;
	v6 =	vor.u32 $0x1100, v12  }
0x118: {  	s4 =	sshll.u32 s28, $0x9;
	s12 =	sshll.u32 s30, $0x9;
	[tilespmem:v7+s15+$0x0] =	vst.idx.msk $0xffff, v2;
	v7 =	vor.u32 $0x1180, v12;
	v2 =	vmax.bf16 v10, v1;
	v5 =	vadd.bf16 v5, v9  }
0x119: {  	s0 =	sand.u32 $0x200, s4;
	s12 =	sand.u32 $0x3F000, s12;
	[tilespmem:v3+s15+$0x0] =	vst.idx.msk $0xffff, v4;
	v3 =	vunpack.i.l.bf16.f32 v2  }
0x11a: {  	s0 =	sor.u32 s12, s0;
	v2 =	vunpack.i.u.bf16.f32 v2;
	[tilespmem:v11+s15+$0x0] =	vst.idx.msk $0xffff, v3;
	v3 =	vmax.bf16 v5, v1  }
0x11b: {  	s0 =	sor.u32 s8, s0;
	[tilespmem:v8+s15+$0x0] =	vst.idx.msk $0xffff, v2;
	v2 =	vunpack.i.l.bf16.f32 v3  }
0x11c: {  	s0 =	sshrl.u32 s0, $0x3;
	v3 =	vunpack.i.u.bf16.f32 v3;
	[tilespmem:v6+s15+$0x0] =	vst.idx.msk $0xffff, v2  }
0x11d: {  	s0 =	sadd.s32 s1, s0;
	[tilespmem:v7+s15+$0x0] =	vst.idx.msk $0xffff, v3  }
0x11e: {  	[hbm4b:s0+s11] =	stream.strided.scatter [tilespmem:s15], [sflag:$0x1], $0x400, s16, s11, $0x38;
	[tilespmem:$0xF400] =	vst v63  }
0x11f: {  	s30 =	simm.s32 $0x7800;
	s4 =	sadd.s32 $0x80, s0  }
0x120: {  	[hbm4b:s4+s11] =	stream.strided.scatter [tilespmem:s30], [sflag:$0x1], $0x400, s16, s11, $0x38;
	[tilespmem:$0xF400] =	vst v63  }
0x121: {  	s4 =	sadd.s32 $0x100, s0;
	s30 =	simm.s32 $0x7C00  }
0x122: {  	[hbm4b:s4+s11] =	stream.strided.scatter [tilespmem:s30], [sflag:$0x1], $0x400, s16, s11, $0x38;
	[tilespmem:$0xF400] =	vst v63  }
0x123: {  	s4 =	sadd.s32 $0x180, s0;
	s30 =	simm.s32 $0x8000  }
0x124: {  	[hbm4b:s4+s11] =	stream.strided.scatter [tilespmem:s30], [sflag:$0x1], $0x400, s16, s11, $0x38;
	[tilespmem:$0xF400] =	vst v63  }
0x125: {  	s0 =	sadd.s32 $0x40000, s0;
	s4 =	simm.s32 $0x8400  }
0x126: {  	[hbm4b:s0+s11] =	stream.strided.scatter [tilespmem:s4], [sflag:$0x1], $0x200, s16, s11, $0x38;
	[tilespmem:$0xF400] =	vst v63  }
0x127: {  	s30 =	simm.s32 $0x8800;
	s4 =	sadd.s32 $0x80, s0  }
0x128: {  	[hbm4b:s4+s11] =	stream.strided.scatter [tilespmem:s30], [sflag:$0x1], $0x200, s16, s11, $0x38;
	[tilespmem:$0xF400] =	vst v63  }
0x129: {  	s30 =	sor.u32 $0x1, s29  }
0x12a: {  	s31 =	sor.u32 s7, s30  }
0x12b: {  	s12 =	sadd.s32 $0x100, s0;
	s4 =	simm.s32 $0x8C00;
	v2 =	vmov s31  }
0x12c: {  	[hbm4b:s12+s11] =	stream.strided.scatter [tilespmem:s4], [sflag:$0x1], $0x200, s16, s11, $0x38;
	v2 =	vand.u32 $0xFFFFFFFD, v2;
	[tilespmem:$0xF400] =	vst v63  }
0x12d: {  	s0 =	sadd.s32 $0x180, s0;
	s12 =	simm.s32 $0x9000;
	v2 =	vbroadcast v2, $0x0  }
0x12e: {  	[hbm4b:s0+s11] =	stream.strided.scatter [tilespmem:s12], [sflag:$0x1], $0x200, s16, s11, $0x38;
	[tilespmem:$0xF400] =	vst v63  }
0x12f: {  	s0 =	simm.s32 @!p0 $0x2;
	s12 =	simm.s32 $0x0  }
0x130: {  	_ =	swait.ge @!p0 [sflag:s0], $0x1800;
	v3 =	vor.u32 s12, v0  }
0x131: {  	[sflag:s0] =	ssyncset.done @!p0 $0x0  }
0x132: {  	[sflag:s0] =	ssyncadd.s32 @!p0 $0xFFFFE800  }
0x133: {  	v4 =	vld.idx.msk [tilespmem:v2+s13+$0x0], $0xffff  }
0x134: {  	v2 =	vld.idx.msk [tilespmem:v2+s14+$0x0], $0xffff  }
0x135: {  	v5 =	vld.idx.msk [tilespmem:v3+s13+$0x0], $0xffff  }
0x136: {  	v6 =	vld.idx.msk [tilespmem:v3+s14+$0x0], $0xffff  }
0x137: {  	s4 =	simm.s32 $0x10  }
0x138: {  	v10 =	vor.u32 s4, v0  }
0x139: {  	v4 =	vmul.u32 $0x7, v4  }
0x13a: {  	v2 =	vmul.u32 $0x7, v2;
	v5 =	vmul.u32 $0x7, v5  }
0x13b: {  	v12 =	vadd.s32 $0xE00, v4;
	v4 =	vmul.u32 $0x7, v6  }
0x13c: {  	v13 =	vadd.s32 $0x4600, v2;
	v25 =	vsub.s32 v12, v5  }
0x13d: {  	v26 =	vsub.s32 v13, v5;
	v2 =	vadd.s32 $0xFFFFE400, v4;
	v4 =	vld.idx.msk [tilespmem:v10+s13+$0x0], $0xffff  }
0x13e: {  	v5 =	vld.idx.msk [tilespmem:v10+s14+$0x0], $0xffff;
	v9 =	vsub.s32 v12, v2  }
0x13f: {  	v6 =	vsub.s32 v13, v2;
	_ =	sdelay $0x1  }
0x140: {  	v2 =	vld.idx.msk [tilespmem:v25+s2+$0x0], $0xffff  }
0x141: {  	v11 =	vld.idx.msk [tilespmem:v26+s2+$0x0], $0xffff;
	v4 =	vmul.u32 $0x7, v4  }
0x142: {  	v5 =	vmul.u32 $0x7, v5;
	v14 =	vld.idx.msk [tilespmem:v9+s2+$0x0], $0xffff  }
0x143: {  	v15 =	vld.idx.msk [tilespmem:v6+s2+$0x0], $0xffff;
	v7 =	vsub.s32 v12, v4  }
0x144: {  	v5 =	vadd.s32 $0xFFFFE400, v5;
	v4 =	vsub.s32 v13, v4  }
0x145: {  	v16 =	vmov s12;
	v8 =	vsub.s32 v12, v5;
	v5 =	vsub.s32 v13, v5  }
0x146: {  	v16 =	vshll.u32 v16, $0x3  }
0x147: {  	v17 =	vand.u32 $0x6F, v3;
	v3 =	vand.u32 $0xC00, v16  }
0x148: {  	v14 =	vadd.bf16 v14, v2;
	v11 =	vadd.bf16 v15, v11;
	v2 =	vor.u32 v17, v3;
	v3 =	vld.idx.msk [tilespmem:v7+s2+$0x0], $0xffff  }
0x149: {  	v15 =	vld.idx.msk [tilespmem:v4+s2+$0x0], $0xffff  }
0x14a: {  	v18 =	vor.u32 $0x80, v2;
	v21 =	vld.idx.msk [tilespmem:v5+s2+$0x0], $0xffff;
	v11 =	vadd.bf16 v11, v14  }
0x14b: {  	v20 =	vadd.s32 $0x1, v25;
	v14 =	vld.idx.msk [tilespmem:v8+s2+$0x0], $0xffff  }
0x14c: {  	v22 =	vadd.s32 $0x1, v9;
	v11 =	vmax.bf16 v11, v1  }
0x14d: {  	v24 =	vadd.s32 $0x1, v26;
	v19 =	vunpack.i.l.bf16.f32 v11  }
0x14e: {  	v23 =	vmov s4;
	v27 =	vadd.s32 $0x1, v6;
	v11 =	vunpack.i.u.bf16.f32 v11;
	[tilespmem:v2+s24+$0x0] =	vst.idx.msk $0xffff, v19  }
0x14f: {  	v23 =	vshll.u32 v23, $0x3;
	v19 =	vand.u32 $0x7F, v10;
	[tilespmem:v18+s24+$0x0] =	vst.idx.msk $0xffff, v11  }
0x150: {  	v11 =	vadd.bf16 v14, v3;
	v14 =	vadd.bf16 v21, v15;
	v3 =	vand.u32 $0xC00, v23;
	v10 =	vld.idx.msk [tilespmem:v20+s2+$0x0], $0xffff  }
0x151: {  	v15 =	vld.idx.msk [tilespmem:v22+s2+$0x0], $0xffff;
	v3 =	vor.u32 v19, v3  }
0x152: {  	v18 =	vld.idx.msk [tilespmem:v24+s2+$0x0], $0xffff;
	v11 =	vadd.bf16 v14, v11;
	v14 =	vor.u32 $0x80, v3  }
0x153: {  	v21 =	vadd.s32 $0x1, v7;
	v20 =	vld.idx.msk [tilespmem:v27+s2+$0x0], $0xffff  }
0x154: {  	v22 =	vadd.s32 $0x1, v8;
	v11 =	vmax.bf16 v11, v1  }
0x155: {  	v27 =	vadd.s32 $0x1, v4;
	v24 =	vunpack.i.l.bf16.f32 v11  }
0x156: {  	v11 =	vunpack.i.u.bf16.f32 v11;
	[tilespmem:v3+s24+$0x0] =	vst.idx.msk $0xffff, v24;
	v24 =	vadd.s32 $0x1, v5  }
0x157: {  	[tilespmem:v14+s24+$0x0] =	vst.idx.msk $0xffff, v11  }
0x158: {  	v10 =	vadd.bf16 v15, v10;
	v11 =	vadd.bf16 v20, v18;
	v14 =	vld.idx.msk [tilespmem:v21+s2+$0x0], $0xffff  }
0x159: {  	v15 =	vor.u32 $0x100, v2;
	v18 =	vld.idx.msk [tilespmem:v22+s2+$0x0], $0xffff  }
0x15a: {  	v20 =	vld.idx.msk [tilespmem:v27+s2+$0x0], $0xffff;
	v10 =	vadd.bf16 v11, v10;
	v11 =	vor.u32 $0x180, v2  }
0x15b: {  	v21 =	vadd.s32 $0x2, v25;
	v22 =	vld.idx.msk [tilespmem:v24+s2+$0x0], $0xffff  }
0x15c: {  	v10 =	vmax.bf16 v10, v1;
	v24 =	vadd.s32 $0x2, v9  }
0x15d: {  	v27 =	vadd.s32 $0x2, v26;
	v28 =	vunpack.i.l.bf16.f32 v10  }
0x15e: {  	v10 =	vunpack.i.u.bf16.f32 v10;
	[tilespmem:v15+s24+$0x0] =	vst.idx.msk $0xffff, v28;
	v15 =	vadd.s32 $0x2, v6  }
0x15f: {  	[tilespmem:v11+s24+$0x0] =	vst.idx.msk $0xffff, v10  }
0x160: {  	v14 =	vadd.bf16 v18, v14;
	v10 =	vld.idx.msk [tilespmem:v21+s2+$0x0], $0xffff;
	v18 =	vadd.bf16 v22, v20  }
0x161: {  	v21 =	vor.u32 $0x100, v3;
	v11 =	vld.idx.msk [tilespmem:v24+s2+$0x0], $0xffff  }
0x162: {  	v20 =	vld.idx.msk [tilespmem:v27+s2+$0x0], $0xffff;
	v14 =	vadd.bf16 v18, v14;
	v18 =	vor.u32 $0x180, v3  }
0x163: {  	v22 =	vadd.s32 $0x2, v7;
	v15 =	vld.idx.msk [tilespmem:v15+s2+$0x0], $0xffff  }
0x164: {  	v24 =	vadd.s32 $0x2, v8;
	v14 =	vmax.bf16 v14, v1  }
0x165: {  	v28 =	vadd.s32 $0x2, v4;
	v27 =	vunpack.i.l.bf16.f32 v14  }
0x166: {  	v14 =	vunpack.i.u.bf16.f32 v14;
	[tilespmem:v21+s24+$0x0] =	vst.idx.msk $0xffff, v27;
	v21 =	vadd.s32 $0x2, v5  }
0x167: {  	[tilespmem:v18+s24+$0x0] =	vst.idx.msk $0xffff, v14  }
0x168: {  	s4 =	simm.s32 $0x20;
	v10 =	vadd.bf16 v11, v10;
	v11 =	vadd.bf16 v15, v20;
	v14 =	vld.idx.msk [tilespmem:v22+s2+$0x0], $0xffff  }
0x169: {  	v20 =	vor.u32 s4, v0;
	v15 =	vor.u32 $0x200, v2;
	v18 =	vld.idx.msk [tilespmem:v24+s2+$0x0], $0xffff  }
0x16a: {  	v22 =	vld.idx.msk [tilespmem:v28+s2+$0x0], $0xffff;
	v10 =	vadd.bf16 v11, v10;
	v11 =	vor.u32 $0x280, v2  }
0x16b: {  	v24 =	vadd.s32 $0x3, v25;
	v21 =	vld.idx.msk [tilespmem:v21+s2+$0x0], $0xffff  }
0x16c: {  	v27 =	vadd.s32 $0x3, v9;
	v10 =	vmax.bf16 v10, v1  }
0x16d: {  	v29 =	vadd.s32 $0x3, v26;
	v28 =	vunpack.i.l.bf16.f32 v10  }
0x16e: {  	v30 =	vld.idx.msk [tilespmem:v20+s13+$0x0], $0xffff;
	v10 =	vunpack.i.u.bf16.f32 v10;
	[tilespmem:v15+s24+$0x0] =	vst.idx.msk $0xffff, v28;
	v15 =	vadd.s32 $0x3, v6  }
0x16f: {  	v31 =	vld.idx.msk [tilespmem:v20+s14+$0x0], $0xffff;
	[tilespmem:v11+s24+$0x0] =	vst.idx.msk $0xffff, v10  }
0x170: {  	s12 =	simm.s32 $0x30;
	v10 =	vadd.bf16 v18, v14;
	v11 =	vld.idx.msk [tilespmem:v24+s2+$0x0], $0xffff;
	v14 =	vadd.bf16 v21, v22  }
0x171: {  	v28 =	vor.u32 s12, v0;
	v24 =	vld.idx.msk [tilespmem:v27+s2+$0x0], $0xffff;
	v21 =	vor.u32 $0x200, v3  }
0x172: {  	v18 =	vld.idx.msk [tilespmem:v29+s2+$0x0], $0xffff;
	v10 =	vadd.bf16 v14, v10;
	v14 =	vor.u32 $0x280, v3  }
0x173: {  	v16 =	vor.u32 v16, v17;
	v22 =	vadd.s32 $0x3, v7;
	v15 =	vld.idx.msk [tilespmem:v15+s2+$0x0], $0xffff  }
0x174: {  	v17 =	vadd.s32 $0x3, v8;
	v27 =	vmul.u32 $0x7, v30;
	v10 =	vmax.bf16 v10, v1  }
0x175: {  	v30 =	vadd.s32 $0x3, v4;
	v29 =	vunpack.i.l.bf16.f32 v10  }
0x176: {  	v31 =	vmul.u32 $0x7, v31;
	v46 =	vld.idx.msk [tilespmem:v28+s13+$0x0], $0xffff;
	v47 =	vunpack.i.u.bf16.f32 v10;
	v10 =	vsub.s32 v12, v27;
	[tilespmem:v21+s24+$0x0] =	vst.idx.msk $0xffff, v29  }
0x177: {  	v21 =	vadd.s32 $0x3, v5;
	v29 =	vld.idx.msk [tilespmem:v28+s14+$0x0], $0xffff;
	[tilespmem:v14+s24+$0x0] =	vst.idx.msk $0xffff, v47;
	v14 =	vadd.bf16 v24, v11  }
0x178: {  	v15 =	vadd.bf16 v15, v18;
	v11 =	vsub.s32 v13, v27;
	v18 =	vadd.s32 $0xFFFFE400, v31;
	v24 =	vld.idx.msk [tilespmem:v22+s2+$0x0], $0xffff  }
0x179: {  	v22 =	vsub.s32 v12, v18;
	v31 =	vld.idx.msk [tilespmem:v17+s2+$0x0], $0xffff  }
0x17a: {  	v27 =	vor.u32 $0x300, v16;
	v18 =	vsub.s32 v13, v18;
	v30 =	vld.idx.msk [tilespmem:v30+s2+$0x0], $0xffff  }
0x17b: {  	v48 =	vadd.s32 $0x4, v25;
	v17 =	vor.u32 $0x380, v16;
	v14 =	vadd.bf16 v15, v14;
	v50 =	vld.idx.msk [tilespmem:v10+s2+$0x0], $0xffff  }
0x17c: {  	v51 =	vadd.s32 $0x4, v26;
	v49 =	vadd.s32 $0x4, v9;
	v15 =	vmov s4;
	v21 =	vld.idx.msk [tilespmem:v21+s2+$0x0], $0xffff  }
0x17d: {  	v32 =	vmul.u32 $0x7, v46;
	v15 =	vshll.u32 v15, $0x3;
	v14 =	vmax.bf16 v14, v1;
	v52 =	vld.idx.msk [tilespmem:v11+s2+$0x0], $0xffff  }
0x17e: {  	v29 =	vmul.u32 $0x7, v29;
	v16 =	vunpack.i.l.bf16.f32 v14;
	v14 =	vunpack.i.u.bf16.f32 v14;
	v53 =	vld.idx.msk [tilespmem:v22+s2+$0x0], $0xffff  }
0x17f: {  	[tilespmem:v27+s24+$0x0] =	vst.idx.msk $0xffff, v16;
	v27 =	vadd.s32 $0x4, v6;
	v16 =	vand.u32 $0x6F, v20;
	v20 =	vand.u32 $0xC00, v15;
	v54 =	vld.idx.msk [tilespmem:v18+s2+$0x0], $0xffff  }
0x180: {  	v29 =	vadd.s32 $0xFFFFE400, v29;
	[tilespmem:v17+s24+$0x0] =	vst.idx.msk $0xffff, v14;
	v14 =	vor.u32 v16, v20;
	v20 =	vsub.s32 v12, v32  }
0x181: {  	v24 =	vadd.bf16 v31, v24;
	v17 =	vsub.s32 v13, v32;
	v55 =	vld.idx.msk [tilespmem:v48+s2+$0x0], $0xffff;
	v30 =	vadd.bf16 v21, v30  }
0x182: {  	v23 =	vor.u32 v19, v23;
	v56 =	vor.u32 $0x300, v3;
	v19 =	vsub.s32 v13, v29;
	v31 =	vld.idx.msk [tilespmem:v49+s2+$0x0], $0xffff  }
0x183: {  	v57 =	vld.idx.msk [tilespmem:v51+s2+$0x0], $0xffff;
	v21 =	vsub.s32 v12, v29;
	v29 =	vadd.bf16 v30, v24;
	v30 =	vor.u32 $0x380, v23  }
0x184: {  	v59 =	vadd.s32 $0x4, v7;
	v45 =	vadd.s32 $0x4, v8;
	v33 =	vadd.s32 $0x4, v5;
	v58 =	vld.idx.msk [tilespmem:v27+s2+$0x0], $0xffff  }
0x185: {  	v40 =	vadd.s32 $0x1, v10;
	v32 =	vadd.s32 $0x4, v4;
	v34 =	vld.idx.msk [tilespmem:v20+s2+$0x0], $0xffff;
	v29 =	vmax.bf16 v29, v1  }
0x186: {  	v27 =	vadd.bf16 v53, v50;
	v60 =	vadd.bf16 v54, v52;
	v35 =	vld.idx.msk [tilespmem:v17+s2+$0x0], $0xffff;
	v61 =	vunpack.i.l.bf16.f32 v29  }
0x187: {  	v39 =	vadd.s32 $0x1, v11;
	v41 =	vadd.s32 $0x1, v22;
	v38 =	vld.idx.msk [tilespmem:v19+s2+$0x0], $0xffff;
	v62 =	vunpack.i.u.bf16.f32 v29;
	[tilespmem:v56+s24+$0x0] =	vst.idx.msk $0xffff, v61  }
0x188: {  	v37 =	vor.u32 $0x80, v14;
	v63 =	vadd.bf16 v60, v27;
	v27 =	vadd.s32 $0x5, v26;
	v36 =	vld.idx.msk [tilespmem:v21+s2+$0x0], $0xffff;
	[tilespmem:v30+s24+$0x0] =	vst.idx.msk $0xffff, v62  }
0x189: {  	v29 =	vadd.s32 $0x5, v25;
	v25 =	vadd.bf16 v31, v55;
	v26 =	vadd.bf16 v58, v57;
	v30 =	vld.idx.msk [tilespmem:v59+s2+$0x0], $0xffff  }
0x18a: {  	s0 =	simm.s32 $0x40;
	v24 =	vor.u32 $0x1000, v2;
	v23 =	vor.u32 $0x1080, v2;
	v42 =	vmax.bf16 v63, v1;
	v31 =	vld.idx.msk [tilespmem:v45+s2+$0x0], $0xffff  }
.LBB2_5:
0x18b: {  	p1 =	slt.u32 s0, $0x1E0;
	v43 =	vunpack.i.l.bf16.f32 v42;
	v44 =	vadd.bf16 v26, v25;
	v45 =	vadd.s32 $0x5, v9;
	v32 =	vld.idx.msk [tilespmem:v32+s2+$0x0], $0xffff;
	v9 =	vmovc v22  }
0x18c: {  	v22 =	vunpack.i.u.bf16.f32 v42;
	v42 =	vadd.s32 $0x1, v18;
	v26 =	vmov s12;
	[tilespmem:v14+s24+$0x0] =	vst.idx.msk $0xffff, v43;
	v33 =	vld.idx.msk [tilespmem:v33+s2+$0x0], $0xffff  }
0x18d: {  	v25 =	vand.u32 $0x7F, v28;
	v26 =	vshll.u32 v26, $0x3;
	[tilespmem:v37+s24+$0x0] =	vst.idx.msk $0xffff, v22;
	v22 =	vmax.bf16 v44, v1  }
0x18e: {  	v34 =	vadd.bf16 v36, v34;
	v35 =	vadd.bf16 v38, v35;
	v36 =	vand.u32 $0xC00, v26;
	v28 =	vld.idx.msk [tilespmem:v40+s2+$0x0], $0xffff  }
0x18f: {  	v36 =	vor.u32 v25, v36;
	v38 =	vunpack.i.l.bf16.f32 v22;
	v40 =	vadd.s32 $0x5, v6;
	v6 =	vmovc v18;
	v37 =	vld.idx.msk [tilespmem:v41+s2+$0x0], $0xffff  }
0x190: {  	v22 =	vunpack.i.u.bf16.f32 v22;
	v34 =	vadd.bf16 v35, v34;
	v35 =	vor.u32 $0x80, v36;
	v18 =	vld.idx.msk [tilespmem:v39+s2+$0x0], $0xffff;
	[tilespmem:v24+s24+$0x0] =	vst.idx.msk $0xffff, v38  }
0x191: {  	v38 =	vadd.s32 $0x1, v20;
	v39 =	vadd.s32 $0x1, v21;
	v24 =	vld.idx.msk [tilespmem:v42+s2+$0x0], $0xffff;
	[tilespmem:v23+s24+$0x0] =	vst.idx.msk $0xffff, v22;
	v22 =	vor.u32 $0x1000, v3  }
0x192: {  	v30 =	vadd.bf16 v31, v30;
	v23 =	vmax.bf16 v34, v1;
	v31 =	vadd.bf16 v33, v32;
	v29 =	vld.idx.msk [tilespmem:v29+s2+$0x0], $0xffff  }
0x193: {  	v41 =	vor.u32 $0x1080, v3;
	v33 =	vadd.s32 $0x1, v17;
	v32 =	vunpack.i.l.bf16.f32 v23;
	v34 =	vld.idx.msk [tilespmem:v45+s2+$0x0], $0xffff  }
0x194: {  	v23 =	vunpack.i.u.bf16.f32 v23;
	v30 =	vadd.bf16 v31, v30;
	[tilespmem:v36+s24+$0x0] =	vst.idx.msk $0xffff, v32;
	v32 =	vadd.s32 $0x1, v19;
	v27 =	vld.idx.msk [tilespmem:v27+s2+$0x0], $0xffff  }
0x195: {  	v31 =	vadd.s32 $0x5, v7;
	v7 =	vmov v20;
	[tilespmem:v35+s24+$0x0] =	vst.idx.msk $0xffff, v23;
	v23 =	vld.idx.msk [tilespmem:v40+s2+$0x0], $0xffff  }
0x196: {  	v20 =	vadd.bf16 v37, v28;
	v30 =	vmax.bf16 v30, v1;
	v35 =	vadd.s32 $0x5, v8;
	v8 =	vmovc v21;
	v28 =	vld.idx.msk [tilespmem:v38+s2+$0x0], $0xffff  }
0x197: {  	v37 =	vadd.s32 $0x5, v4;
	v4 =	vmovc v17;
	v18 =	vadd.bf16 v24, v18;
	v24 =	vunpack.i.l.bf16.f32 v30;
	v21 =	vld.idx.msk [tilespmem:v39+s2+$0x0], $0xffff  }
0x198: {  	v17 =	vor.u32 $0x100, v14;
	v30 =	vunpack.i.u.bf16.f32 v30;
	v33 =	vld.idx.msk [tilespmem:v33+s2+$0x0], $0xffff;
	[tilespmem:v22+s24+$0x0] =	vst.idx.msk $0xffff, v24;
	v22 =	vadd.s32 $0x5, v5;
	v5 =	vmovc v19  }
0x199: {  	v18 =	vadd.bf16 v18, v20;
	v19 =	vor.u32 $0x180, v14;
	v20 =	vld.idx.msk [tilespmem:v32+s2+$0x0], $0xffff;
	[tilespmem:v41+s24+$0x0] =	vst.idx.msk $0xffff, v30  }
0x19a: {  	v24 =	vadd.s32 $0x2, v10;
	v30 =	vld.idx.msk [tilespmem:v31+s2+$0x0], $0xffff  }
0x19b: {  	v32 =	vadd.s32 $0x2, v11;
	v18 =	vmax.bf16 v18, v1;
	v31 =	vadd.s32 $0x2, v9;
	v35 =	vld.idx.msk [tilespmem:v35+s2+$0x0], $0xffff  }
0x19c: {  	v29 =	vadd.bf16 v34, v29;
	v23 =	vadd.bf16 v23, v27;
	v38 =	vunpack.i.l.bf16.f32 v18;
	v27 =	vld.idx.msk [tilespmem:v37+s2+$0x0], $0xffff  }
0x19d: {  	v18 =	vunpack.i.u.bf16.f32 v18;
	[tilespmem:v17+s24+$0x0] =	vst.idx.msk $0xffff, v38;
	v17 =	vadd.s32 $0x2, v6;
	v22 =	vld.idx.msk [tilespmem:v22+s2+$0x0], $0xffff  }
0x19e: {  	[tilespmem:v19+s24+$0x0] =	vst.idx.msk $0xffff, v18;
	v18 =	vadd.bf16 v23, v29  }
0x19f: {  	v23 =	vor.u32 $0x1100, v2;
	v19 =	vld.idx.msk [tilespmem:v24+s2+$0x0], $0xffff  }
0x1a0: {  	v21 =	vadd.bf16 v21, v28;
	v20 =	vadd.bf16 v20, v33;
	v24 =	vld.idx.msk [tilespmem:v31+s2+$0x0], $0xffff;
	v18 =	vmax.bf16 v18, v1  }
0x1a1: {  	v29 =	vor.u32 $0x100, v36;
	v28 =	vld.idx.msk [tilespmem:v32+s2+$0x0], $0xffff;
	v31 =	vunpack.i.l.bf16.f32 v18;
	v32 =	vor.u32 $0x1180, v2;
	v2 =	vmovc v14  }
0x1a2: {  	v14 =	vld.idx.msk [tilespmem:v17+s2+$0x0], $0xffff;
	v17 =	vadd.bf16 v20, v21;
	v20 =	vor.u32 $0x180, v36;
	v21 =	vor.u32 $0x1100, v3  }
0x1a3: {  	v33 =	vadd.s32 $0x2, v7;
	v30 =	vadd.bf16 v35, v30;
	v22 =	vadd.bf16 v22, v27  }
0x1a4: {  	v34 =	vor.u32 $0x1180, v3;
	v27 =	vadd.s32 $0x2, v8;
	v3 =	vmovc v36;
	v17 =	vmax.bf16 v17, v1  }
0x1a5: {  	v36 =	vadd.s32 $0x2, v4;
	v22 =	vadd.bf16 v22, v30;
	v35 =	vunpack.i.l.bf16.f32 v17;
	[tilespmem:v23+s24+$0x0] =	vst.idx.msk $0xffff, v31  }
0x1a6: {  	v17 =	vunpack.i.u.bf16.f32 v17;
	v23 =	vadd.s32 $0x2, v5;
	[tilespmem:v29+s24+$0x0] =	vst.idx.msk $0xffff, v35  }
0x1a7: {  	v19 =	vadd.bf16 v24, v19;
	[tilespmem:v20+s24+$0x0] =	vst.idx.msk $0xffff, v17;
	v17 =	vunpack.i.u.bf16.f32 v18;
	v18 =	vmax.bf16 v22, v1  }
0x1a8: {  	v14 =	vadd.bf16 v14, v28;
	v20 =	vld.idx.msk [tilespmem:v33+s2+$0x0], $0xffff;
	[tilespmem:v32+s24+$0x0] =	vst.idx.msk $0xffff, v17;
	v17 =	vunpack.i.l.bf16.f32 v18  }
0x1a9: {  	v24 =	vor.u32 s0, v0;
	v22 =	vor.u32 $0x200, v2;
	v18 =	vunpack.i.u.bf16.f32 v18;
	v27 =	vld.idx.msk [tilespmem:v27+s2+$0x0], $0xffff;
	[tilespmem:v21+s24+$0x0] =	vst.idx.msk $0xffff, v17  }
0x1aa: {  	v14 =	vadd.bf16 v14, v19;
	v17 =	vor.u32 $0x280, v2;
	v19 =	vld.idx.msk [tilespmem:v36+s2+$0x0], $0xffff;
	[tilespmem:v34+s24+$0x0] =	vst.idx.msk $0xffff, v18  }
0x1ab: {  	v18 =	vadd.s32 $0x3, v10;
	v21 =	vld.idx.msk [tilespmem:v23+s2+$0x0], $0xffff  }
0x1ac: {  	v14 =	vmax.bf16 v14, v1;
	v23 =	vadd.s32 $0x3, v9  }
0x1ad: {  	v29 =	vadd.s32 $0x3, v11;
	v28 =	vunpack.i.l.bf16.f32 v14  }
0x1ae: {  	v14 =	vunpack.i.u.bf16.f32 v14;
	v30 =	vld.idx.msk [tilespmem:v24+s13+$0x0], $0xffff;
	[tilespmem:v22+s24+$0x0] =	vst.idx.msk $0xffff, v28;
	v22 =	vadd.s32 $0x3, v6  }
0x1af: {  	v31 =	vld.idx.msk [tilespmem:v24+s14+$0x0], $0xffff;
	[tilespmem:v17+s24+$0x0] =	vst.idx.msk $0xffff, v14  }
0x1b0: {  	v14 =	vld.idx.msk [tilespmem:v18+s2+$0x0], $0xffff  }
0x1b1: {  	s12 =	sadd.s32 $0x10, s0;
	v18 =	vadd.bf16 v27, v20;
	v19 =	vadd.bf16 v21, v19;
	v17 =	vld.idx.msk [tilespmem:v23+s2+$0x0], $0xffff  }
0x1b2: {  	v28 =	vor.u32 s12, v0;
	v21 =	vor.u32 $0x200, v3;
	v20 =	vld.idx.msk [tilespmem:v29+s2+$0x0], $0xffff  }
0x1b3: {  	v18 =	vadd.bf16 v19, v18;
	v19 =	vor.u32 $0x280, v3;
	v22 =	vld.idx.msk [tilespmem:v22+s2+$0x0], $0xffff  }
0x1b4: {  	v23 =	vadd.s32 $0x3, v7  }
0x1b5: {  	v15 =	vor.u32 v15, v16;
	v16 =	vmax.bf16 v18, v1;
	v18 =	vadd.s32 $0x3, v8  }
0x1b6: {  	v27 =	vmul.u32 $0x7, v30;
	v30 =	vadd.s32 $0x3, v4;
	v29 =	vunpack.i.l.bf16.f32 v16  }
0x1b7: {  	v31 =	vmul.u32 $0x7, v31;
	v16 =	vunpack.i.u.bf16.f32 v16;
	v32 =	vld.idx.msk [tilespmem:v28+s13+$0x0], $0xffff;
	[tilespmem:v21+s24+$0x0] =	vst.idx.msk $0xffff, v29;
	v21 =	vadd.s32 $0x3, v5  }
0x1b8: {  	v39 =	vsub.s32 v12, v27;
	v43 =	vsub.s32 v13, v27;
	v27 =	vld.idx.msk [tilespmem:v28+s14+$0x0], $0xffff;
	[tilespmem:v19+s24+$0x0] =	vst.idx.msk $0xffff, v16  }
0x1b9: {  	v14 =	vadd.bf16 v17, v14;
	v16 =	vadd.s32 $0xFFFFE400, v31;
	v17 =	vadd.bf16 v22, v20;
	v19 =	vld.idx.msk [tilespmem:v23+s2+$0x0], $0xffff  }
0x1ba: {  	v20 =	vor.u32 $0x300, v15;
	v22 =	vsub.s32 v12, v16;
	v23 =	vld.idx.msk [tilespmem:v18+s2+$0x0], $0xffff  }
0x1bb: {  	v18 =	vsub.s32 v13, v16;
	v14 =	vadd.bf16 v17, v14;
	v17 =	vor.u32 $0x380, v15;
	v29 =	vld.idx.msk [tilespmem:v30+s2+$0x0], $0xffff  }
0x1bc: {  	v30 =	vadd.s32 $0x4, v10;
	v21 =	vld.idx.msk [tilespmem:v21+s2+$0x0], $0xffff  }
0x1bd: {  	v33 =	vadd.s32 $0x4, v9;
	v15 =	vmov s0;
	v14 =	vmax.bf16 v14, v1;
	v31 =	vld.idx.msk [tilespmem:v39+s2+$0x0], $0xffff  }
0x1be: {  	v34 =	vadd.s32 $0x4, v11;
	v15 =	vshll.u32 v15, $0x3;
	v16 =	vunpack.i.l.bf16.f32 v14;
	v35 =	vld.idx.msk [tilespmem:v43+s2+$0x0], $0xffff  }
0x1bf: {  	v37 =	vadd.s32 $0x4, v6;
	v32 =	vmul.u32 $0x7, v32;
	v14 =	vunpack.i.u.bf16.f32 v14;
	v36 =	vld.idx.msk [tilespmem:v22+s2+$0x0], $0xffff;
	[tilespmem:v20+s24+$0x0] =	vst.idx.msk $0xffff, v16  }
0x1c0: {  	v16 =	vand.u32 $0x6F, v24;
	v20 =	vand.u32 $0xC00, v15;
	v24 =	vmul.u32 $0x7, v27;
	v38 =	vld.idx.msk [tilespmem:v18+s2+$0x0], $0xffff;
	[tilespmem:v17+s24+$0x0] =	vst.idx.msk $0xffff, v14  }
0x1c1: {  	v14 =	vor.u32 v16, v20;
	v20 =	vsub.s32 v12, v32;
	v17 =	vsub.s32 v13, v32;
	v30 =	vld.idx.msk [tilespmem:v30+s2+$0x0], $0xffff  }
0x1c2: {  	v23 =	vadd.bf16 v23, v19;
	v24 =	vadd.s32 $0xFFFFE400, v24;
	v27 =	vadd.bf16 v21, v29;
	v41 =	vld.idx.msk [tilespmem:v33+s2+$0x0], $0xffff  }
0x1c3: {  	v25 =	vor.u32 v25, v26;
	v29 =	vor.u32 $0x300, v3;
	v21 =	vsub.s32 v12, v24;
	v42 =	vld.idx.msk [tilespmem:v34+s2+$0x0], $0xffff  }
0x1c4: {  	v25 =	vor.u32 $0x380, v25;
	v19 =	vsub.s32 v13, v24;
	v27 =	vadd.bf16 v27, v23;
	v26 =	vld.idx.msk [tilespmem:v37+s2+$0x0], $0xffff  }
0x1c5: {  	v44 =	vadd.s32 $0x4, v7;
	v24 =	vor.u32 $0x1000, v2;
	v23 =	vor.u32 $0x1080, v2  }
0x1c6: {  	v45 =	vadd.s32 $0x4, v8;
	v31 =	vadd.bf16 v36, v31;
	v27 =	vmax.bf16 v27, v1;
	v34 =	vld.idx.msk [tilespmem:v20+s2+$0x0], $0xffff  }
.Ltmp1:
0x1c7: {  	v32 =	vadd.s32 $0x4, v4;
	v38 =	vadd.bf16 v38, v35;
	v33 =	vunpack.i.l.bf16.f32 v27;
	v35 =	vld.idx.msk [tilespmem:v17+s2+$0x0], $0xffff;
	(pc) =	sbr.rel @p1 .LBB2_5-.Ltmp1, $4  }
0x1c8: {  	v37 =	vor.u32 $0x80, v14;
	v40 =	vunpack.i.u.bf16.f32 v27;
	v36 =	vld.idx.msk [tilespmem:v21+s2+$0x0], $0xffff;
	[tilespmem:v29+s24+$0x0] =	vst.idx.msk $0xffff, v33;
	v33 =	vadd.s32 $0x4, v5  }
0x1c9: {  	v27 =	vadd.s32 $0x5, v11;
	v31 =	vadd.bf16 v38, v31;
	v29 =	vadd.s32 $0x5, v10;
	v38 =	vld.idx.msk [tilespmem:v19+s2+$0x0], $0xffff;
	[tilespmem:v25+s24+$0x0] =	vst.idx.msk $0xffff, v40  }
0x1ca: {  	v10 =	vmovc v39;
	v40 =	vadd.s32 $0x1, v39;
	v25 =	vadd.bf16 v41, v30;
	v26 =	vadd.bf16 v26, v42;
	v30 =	vld.idx.msk [tilespmem:v44+s2+$0x0], $0xffff  }
0x1cb: {  	s0 =	sadd.s32 $0x20, s0;
	v11 =	vmovc v43;
	v42 =	vmax.bf16 v31, v1;
	v41 =	vadd.s32 $0x1, v22;
	v39 =	vadd.s32 $0x1, v43;
	v31 =	vld.idx.msk [tilespmem:v45+s2+$0x0], $0xffff  }
0x1cc: {  	_ =	sdelay $0x1  }
0x1cd: {  	v12 =	vunpack.i.l.bf16.f32 v42;
	v13 =	vunpack.i.u.bf16.f32 v42;
	v58 =	vmov s12  }
0x1ce: {  	v43 =	vadd.s32 $0x1, v18;
	v28 =	vand.u32 $0x7F, v28;
	v42 =	vshll.u32 v58, $0x3  }
0x1cf: {  	[tilespmem:v14+s24+$0x0] =	vst.idx.msk $0xffff, v12;
	v34 =	vadd.bf16 v36, v34;
	v35 =	vadd.bf16 v38, v35;
	v12 =	vand.u32 $0xC00, v42  }
0x1d0: {  	[tilespmem:v37+s24+$0x0] =	vst.idx.msk $0xffff, v13;
	v12 =	vor.u32 v28, v12  }
0x1d1: {  	v13 =	vld.idx.msk [tilespmem:v40+s2+$0x0], $0xffff;
	v34 =	vadd.bf16 v35, v34;
	v59 =	vor.u32 $0x80, v12  }
0x1d2: {  	v61 =	vadd.s32 $0x1, v20;
	v60 =	vld.idx.msk [tilespmem:v41+s2+$0x0], $0xffff  }
0x1d3: {  	v63 =	vadd.s32 $0x1, v21;
	v62 =	vld.idx.msk [tilespmem:v39+s2+$0x0], $0xffff;
	v34 =	vmax.bf16 v34, v1  }
0x1d4: {  	v47 =	vadd.s32 $0x1, v17;
	v45 =	vld.idx.msk [tilespmem:v43+s2+$0x0], $0xffff;
	v46 =	vunpack.i.l.bf16.f32 v34  }
0x1d5: {  	v48 =	vadd.s32 $0x1, v19;
	v34 =	vunpack.i.u.bf16.f32 v34;
	[tilespmem:v12+s24+$0x0] =	vst.idx.msk $0xffff, v46  }
0x1d6: {  	[tilespmem:v59+s24+$0x0] =	vst.idx.msk $0xffff, v34  }
0x1d7: {  	v34 =	vld.idx.msk [tilespmem:v61+s2+$0x0], $0xffff  }
0x1d8: {  	v35 =	vld.idx.msk [tilespmem:v63+s2+$0x0], $0xffff  }
0x1d9: {  	v13 =	vadd.bf16 v60, v13;
	v49 =	vadd.bf16 v45, v62;
	v50 =	vld.idx.msk [tilespmem:v47+s2+$0x0], $0xffff  }
0x1da: {  	v51 =	vor.u32 $0x100, v14;
	v52 =	vld.idx.msk [tilespmem:v48+s2+$0x0], $0xffff  }
0x1db: {  	v53 =	vor.u32 $0x180, v14;
	v13 =	vadd.bf16 v49, v13;
	_ =	sdelay $0x1  }
0x1dc: {  	v54 =	vadd.s32 $0x2, v10;
	v13 =	vmax.bf16 v13, v1  }
0x1dd: {  	v55 =	vadd.s32 $0x2, v22;
	v56 =	vadd.s32 $0x2, v11;
	v44 =	vunpack.i.l.bf16.f32 v13  }
0x1de: {  	v13 =	vunpack.i.u.bf16.f32 v13;
	v34 =	vadd.bf16 v35, v34;
	v58 =	vadd.bf16 v52, v50;
	[tilespmem:v51+s24+$0x0] =	vst.idx.msk $0xffff, v44  }
0x1df: {  	v57 =	vadd.s32 $0x2, v18;
	[tilespmem:v53+s24+$0x0] =	vst.idx.msk $0xffff, v13;
	v13 =	vor.u32 $0x100, v12  }
0x1e0: {  	v59 =	vor.u32 $0x180, v12;
	v34 =	vadd.bf16 v58, v34  }
0x1e1: {  	v61 =	vadd.s32 $0x2, v20;
	v36 =	vld.idx.msk [tilespmem:v54+s2+$0x0], $0xffff  }
0x1e2: {  	v63 =	vadd.s32 $0x2, v21;
	v60 =	vld.idx.msk [tilespmem:v55+s2+$0x0], $0xffff;
	v34 =	vmax.bf16 v34, v1  }
0x1e3: {  	v49 =	vadd.s32 $0x2, v17;
	v62 =	vld.idx.msk [tilespmem:v56+s2+$0x0], $0xffff;
	v48 =	vunpack.i.l.bf16.f32 v34  }
0x1e4: {  	v38 =	vld.idx.msk [tilespmem:v57+s2+$0x0], $0xffff;
	v34 =	vunpack.i.u.bf16.f32 v34;
	[tilespmem:v13+s24+$0x0] =	vst.idx.msk $0xffff, v48;
	v13 =	vadd.s32 $0x2, v19  }
0x1e5: {  	[tilespmem:v59+s24+$0x0] =	vst.idx.msk $0xffff, v34  }
0x1e6: {  	v34 =	vld.idx.msk [tilespmem:v61+s2+$0x0], $0xffff  }
0x1e7: {  	v35 =	vld.idx.msk [tilespmem:v63+s2+$0x0], $0xffff  }
0x1e8: {  	v51 =	vld.idx.msk [tilespmem:v49+s2+$0x0], $0xffff  }
0x1e9: {  	v36 =	vadd.bf16 v60, v36;
	v50 =	vadd.bf16 v38, v62;
	v13 =	vld.idx.msk [tilespmem:v13+s2+$0x0], $0xffff  }
0x1ea: {  	v52 =	vor.u32 $0x200, v14  }
0x1eb: {  	v53 =	vor.u32 $0x280, v14;
	v36 =	vadd.bf16 v50, v36  }
0x1ec: {  	v54 =	vadd.s32 $0x3, v10  }
0x1ed: {  	v55 =	vadd.s32 $0x3, v22;
	v57 =	vadd.s32 $0x3, v11;
	v36 =	vmax.bf16 v36, v1  }
0x1ee: {  	v56 =	vunpack.i.l.bf16.f32 v36;
	v34 =	vadd.bf16 v35, v34;
	v13 =	vadd.bf16 v13, v51  }
0x1ef: {  	v58 =	vadd.s32 $0x3, v18;
	v59 =	vor.u32 $0x200, v12;
	v36 =	vunpack.i.u.bf16.f32 v36;
	[tilespmem:v52+s24+$0x0] =	vst.idx.msk $0xffff, v56  }
0x1f0: {  	v60 =	vor.u32 $0x280, v12;
	[tilespmem:v53+s24+$0x0] =	vst.idx.msk $0xffff, v36;
	v13 =	vadd.bf16 v13, v34  }
0x1f1: {  	v61 =	vadd.s32 $0x3, v20;
	v36 =	vld.idx.msk [tilespmem:v54+s2+$0x0], $0xffff  }
0x1f2: {  	v63 =	vadd.s32 $0x3, v21;
	v37 =	vld.idx.msk [tilespmem:v55+s2+$0x0], $0xffff;
	v13 =	vmax.bf16 v13, v1  }
0x1f3: {  	v49 =	vadd.s32 $0x3, v17;
	v62 =	vld.idx.msk [tilespmem:v57+s2+$0x0], $0xffff;
	v48 =	vunpack.i.l.bf16.f32 v13  }
0x1f4: {  	v50 =	vadd.s32 $0x3, v19;
	v39 =	vld.idx.msk [tilespmem:v58+s2+$0x0], $0xffff;
	v13 =	vunpack.i.u.bf16.f32 v13;
	[tilespmem:v59+s24+$0x0] =	vst.idx.msk $0xffff, v48  }
0x1f5: {  	[tilespmem:v60+s24+$0x0] =	vst.idx.msk $0xffff, v13  }
0x1f6: {  	v13 =	vld.idx.msk [tilespmem:v61+s2+$0x0], $0xffff  }
0x1f7: {  	v34 =	vld.idx.msk [tilespmem:v63+s2+$0x0], $0xffff  }
0x1f8: {  	v52 =	vld.idx.msk [tilespmem:v49+s2+$0x0], $0xffff  }
0x1f9: {  	v15 =	vor.u32 v15, v16;
	v36 =	vadd.bf16 v37, v36;
	v51 =	vadd.bf16 v39, v62;
	v35 =	vld.idx.msk [tilespmem:v50+s2+$0x0], $0xffff  }
0x1fa: {  	v53 =	vor.u32 $0x300, v15  }
0x1fb: {  	v15 =	vor.u32 $0x380, v15;
	v16 =	vadd.bf16 v51, v36  }
0x1fc: {  	v28 =	vor.u32 v28, v42;
	v54 =	vadd.s32 $0x4, v10  }
0x1fd: {  	v55 =	vadd.s32 $0x4, v22;
	v57 =	vadd.s32 $0x4, v11;
	v16 =	vmax.bf16 v16, v1  }
0x1fe: {  	v56 =	vunpack.i.l.bf16.f32 v16;
	v13 =	vadd.bf16 v34, v13;
	v58 =	vadd.bf16 v35, v52  }
0x1ff: {  	v32 =	vld.idx.msk [tilespmem:v32+s2+$0x0], $0xffff;
	v59 =	vor.u32 $0x300, v12;
	v60 =	vadd.s32 $0x4, v18;
	v16 =	vunpack.i.u.bf16.f32 v16;
	[tilespmem:v53+s24+$0x0] =	vst.idx.msk $0xffff, v56  }
0x200: {  	v33 =	vld.idx.msk [tilespmem:v33+s2+$0x0], $0xffff;
	v28 =	vor.u32 $0x380, v28;
	[tilespmem:v15+s24+$0x0] =	vst.idx.msk $0xffff, v16;
	v13 =	vadd.bf16 v58, v13  }
0x201: {  	v15 =	vadd.s32 $0x4, v20;
	v16 =	vld.idx.msk [tilespmem:v54+s2+$0x0], $0xffff  }
0x202: {  	v61 =	vadd.s32 $0x4, v21;
	v62 =	vld.idx.msk [tilespmem:v55+s2+$0x0], $0xffff;
	v13 =	vmax.bf16 v13, v1  }
0x203: {  	v25 =	vadd.bf16 v26, v25;
	v42 =	vadd.s32 $0x4, v17;
	v26 =	vld.idx.msk [tilespmem:v57+s2+$0x0], $0xffff;
	v63 =	vunpack.i.l.bf16.f32 v13  }
0x204: {  	v43 =	vadd.s32 $0x4, v19;
	v44 =	vld.idx.msk [tilespmem:v60+s2+$0x0], $0xffff;
	v13 =	vunpack.i.u.bf16.f32 v13;
	[tilespmem:v59+s24+$0x0] =	vst.idx.msk $0xffff, v63  }
0x205: {  	v30 =	vadd.bf16 v31, v30;
	v31 =	vadd.bf16 v33, v32;
	[tilespmem:v28+s24+$0x0] =	vst.idx.msk $0xffff, v13  }
0x206: {  	v9 =	vadd.s32 $0x5, v9;
	v6 =	vadd.s32 $0x5, v6;
	v13 =	vmax.bf16 v25, v1;
	v15 =	vld.idx.msk [tilespmem:v15+s2+$0x0], $0xffff  }
0x207: {  	v30 =	vadd.bf16 v31, v30;
	v28 =	vor.u32 $0x1000, v3;
	v25 =	vunpack.i.l.bf16.f32 v13;
	v31 =	vld.idx.msk [tilespmem:v61+s2+$0x0], $0xffff  }
0x208: {  	v7 =	vadd.s32 $0x5, v7;
	v13 =	vunpack.i.u.bf16.f32 v13;
	[tilespmem:v24+s24+$0x0] =	vst.idx.msk $0xffff, v25;
	v24 =	vor.u32 $0x1080, v3;
	v25 =	vld.idx.msk [tilespmem:v42+s2+$0x0], $0xffff  }
0x209: {  	v16 =	vadd.bf16 v62, v16;
	v26 =	vadd.bf16 v44, v26;
	[tilespmem:v23+s24+$0x0] =	vst.idx.msk $0xffff, v13;
	v23 =	vld.idx.msk [tilespmem:v43+s2+$0x0], $0xffff  }
0x20a: {  	v8 =	vadd.s32 $0x5, v8;
	v4 =	vadd.s32 $0x5, v4;
	v13 =	vmax.bf16 v30, v1;
	v29 =	vld.idx.msk [tilespmem:v29+s2+$0x0], $0xffff  }
0x20b: {  	v45 =	vor.u32 $0x1000, v14;
	v16 =	vadd.bf16 v26, v16;
	v30 =	vunpack.i.l.bf16.f32 v13;
	v9 =	vld.idx.msk [tilespmem:v9+s2+$0x0], $0xffff  }
0x20c: {  	v5 =	vadd.s32 $0x5, v5;
	v13 =	vunpack.i.u.bf16.f32 v13;
	v27 =	vld.idx.msk [tilespmem:v27+s2+$0x0], $0xffff;
	[tilespmem:v28+s24+$0x0] =	vst.idx.msk $0xffff, v30;
	v28 =	vor.u32 $0x1080, v14  }
0x20d: {  	v10 =	vadd.s32 $0x5, v10;
	v11 =	vadd.s32 $0x5, v11;
	v16 =	vmax.bf16 v16, v1;
	v6 =	vld.idx.msk [tilespmem:v6+s2+$0x0], $0xffff;
	[tilespmem:v24+s24+$0x0] =	vst.idx.msk $0xffff, v13  }
0x20e: {  	v15 =	vadd.bf16 v31, v15;
	v13 =	vadd.s32 $0x5, v22;
	v7 =	vld.idx.msk [tilespmem:v7+s2+$0x0], $0xffff;
	v22 =	vadd.bf16 v23, v25  }
0x20f: {  	v18 =	vadd.s32 $0x5, v18;
	v24 =	vor.u32 $0x1000, v12;
	v8 =	vld.idx.msk [tilespmem:v8+s2+$0x0], $0xffff;
	v23 =	vunpack.i.l.bf16.f32 v16  }
0x210: {  	v4 =	vld.idx.msk [tilespmem:v4+s2+$0x0], $0xffff;
	v16 =	vunpack.i.u.bf16.f32 v16;
	[tilespmem:v45+s24+$0x0] =	vst.idx.msk $0xffff, v23;
	v23 =	vor.u32 $0x1080, v12;
	v15 =	vadd.bf16 v22, v15  }
0x211: {  	v5 =	vld.idx.msk [tilespmem:v5+s2+$0x0], $0xffff;
	[tilespmem:v28+s24+$0x0] =	vst.idx.msk $0xffff, v16;
	v16 =	vadd.s32 $0x5, v20  }
0x212: {  	v20 =	vadd.s32 $0x5, v21;
	v10 =	vld.idx.msk [tilespmem:v10+s2+$0x0], $0xffff;
	v15 =	vmax.bf16 v15, v1  }
0x213: {  	v17 =	vadd.s32 $0x5, v17;
	v11 =	vld.idx.msk [tilespmem:v11+s2+$0x0], $0xffff;
	v21 =	vunpack.i.l.bf16.f32 v15  }
0x214: {  	v19 =	vadd.s32 $0x5, v19;
	v18 =	vld.idx.msk [tilespmem:v18+s2+$0x0], $0xffff;
	v15 =	vunpack.i.u.bf16.f32 v15;
	[tilespmem:v24+s24+$0x0] =	vst.idx.msk $0xffff, v21  }
0x215: {  	v9 =	vadd.bf16 v9, v29;
	v6 =	vadd.bf16 v6, v27;
	v13 =	vld.idx.msk [tilespmem:v13+s2+$0x0], $0xffff;
	[tilespmem:v23+s24+$0x0] =	vst.idx.msk $0xffff, v15  }
0x216: {  	v15 =	vld.idx.msk [tilespmem:v16+s2+$0x0], $0xffff  }
0x217: {  	v6 =	vadd.bf16 v6, v9;
	v9 =	vld.idx.msk [tilespmem:v20+s2+$0x0], $0xffff  }
0x218: {  	v7 =	vadd.bf16 v8, v7;
	v4 =	vadd.bf16 v5, v4;
	v5 =	vld.idx.msk [tilespmem:v17+s2+$0x0], $0xffff  }
0x219: {  	v8 =	vor.u32 $0x1100, v2;
	v16 =	vld.idx.msk [tilespmem:v19+s2+$0x0], $0xffff  }
0x21a: {  	v6 =	vmax.bf16 v6, v1;
	v2 =	vor.u32 $0x1180, v2;
	v4 =	vadd.bf16 v4, v7  }
0x21b: {  	v7 =	vor.u32 $0x1100, v3;
	v11 =	vadd.bf16 v18, v11;
	v10 =	vadd.bf16 v13, v10  }
0x21c: {  	v3 =	vor.u32 $0x1180, v3;
	v13 =	vunpack.i.l.bf16.f32 v6;
	v6 =	vunpack.i.u.bf16.f32 v6  }
0x21d: {  	v4 =	vmax.bf16 v4, v1;
	v10 =	vadd.bf16 v11, v10;
	v11 =	vor.u32 $0x1100, v14  }
0x21e: {  	[tilespmem:v8+s24+$0x0] =	vst.idx.msk $0xffff, v13;
	v8 =	vor.u32 $0x1180, v14;
	v9 =	vadd.bf16 v9, v15;
	v5 =	vadd.bf16 v16, v5  }
0x21f: {  	[tilespmem:v2+s24+$0x0] =	vst.idx.msk $0xffff, v6;
	v2 =	vunpack.i.l.bf16.f32 v4;
	v4 =	vunpack.i.u.bf16.f32 v4;
	v6 =	vor.u32 $0x1100, v12  }
0x220: {  	s0 =	sshll.u32 s30, $0x7;
	s4 =	sshll.u32 s31, $0x9;
	[tilespmem:v7+s24+$0x0] =	vst.idx.msk $0xffff, v2;
	v7 =	vor.u32 $0x1180, v12;
	v2 =	vmax.bf16 v10, v1;
	v5 =	vadd.bf16 v5, v9  }
0x221: {  	s0 =	sand.u32 $0x280, s0;
	s12 =	sand.u32 $0x3F000, s4;
	[tilespmem:v3+s24+$0x0] =	vst.idx.msk $0xffff, v4;
	v3 =	vunpack.i.l.bf16.f32 v2  }
0x222: {  	s0 =	sor.u32 s12, s0;
	v2 =	vunpack.i.u.bf16.f32 v2;
	[tilespmem:v11+s24+$0x0] =	vst.idx.msk $0xffff, v3;
	v3 =	vmax.bf16 v5, v1  }
0x223: {  	s0 =	sor.u32 s8, s0;
	[tilespmem:v8+s24+$0x0] =	vst.idx.msk $0xffff, v2;
	v2 =	vunpack.i.l.bf16.f32 v3  }
0x224: {  	s0 =	sshrl.u32 s0, $0x3;
	v3 =	vunpack.i.u.bf16.f32 v3;
	[tilespmem:v6+s24+$0x0] =	vst.idx.msk $0xffff, v2  }
0x225: {  	s0 =	sadd.s32 s1, s0;
	[tilespmem:v7+s24+$0x0] =	vst.idx.msk $0xffff, v3  }
0x226: {  	[hbm4b:s0+s11] =	stream.strided.scatter [tilespmem:s24], [sflag:$0x2], $0x400, s16, s11, $0x38;
	[tilespmem:$0xF400] =	vst v63  }
0x227: {  	s4 =	simm.s32 $0x9800;
	s12 =	sadd.s32 $0x80, s0  }
0x228: {  	[hbm4b:s12+s11] =	stream.strided.scatter [tilespmem:s4], [sflag:$0x2], $0x400, s16, s11, $0x38;
	[tilespmem:$0xF400] =	vst v63  }
0x229: {  	s12 =	sadd.s32 $0x100, s0;
	s4 =	simm.s32 $0x9C00  }
0x22a: {  	[hbm4b:s12+s11] =	stream.strided.scatter [tilespmem:s4], [sflag:$0x2], $0x400, s16, s11, $0x38;
	[tilespmem:$0xF400] =	vst v63  }
0x22b: {  	s12 =	sadd.s32 $0x180, s0;
	s4 =	simm.s32 $0xA000  }
0x22c: {  	[hbm4b:s12+s11] =	stream.strided.scatter [tilespmem:s4], [sflag:$0x2], $0x400, s16, s11, $0x38;
	[tilespmem:$0xF400] =	vst v63  }
0x22d: {  	s30 =	sor.u32 $0x2, s29;
	s0 =	sadd.s32 $0x40000, s0;
	s12 =	simm.s32 $0xA400  }
0x22e: {  	[hbm4b:s0+s11] =	stream.strided.scatter [tilespmem:s12], [sflag:$0x2], $0x200, s16, s11, $0x38;
	[tilespmem:$0xF400] =	vst v63  }
0x22f: {  	s31 =	sor.u32 s7, s30;
	s4 =	simm.s32 $0xA800;
	s12 =	sadd.s32 $0x80, s0  }
0x230: {  	[hbm4b:s12+s11] =	stream.strided.scatter [tilespmem:s4], [sflag:$0x2], $0x200, s16, s11, $0x38;
	[tilespmem:$0xF400] =	vst v63  }
0x231: {  	v2 =	vmov s31;
	s12 =	sadd.s32 $0x100, s0;
	s4 =	simm.s32 $0xAC00  }
0x232: {  	v2 =	vand.u32 $0xFFFFFFFE, v2;
	[hbm4b:s12+s11] =	stream.strided.scatter [tilespmem:s4], [sflag:$0x2], $0x200, s16, s11, $0x38;
	[tilespmem:$0xF400] =	vst v63  }
0x233: {  	v2 =	vbroadcast v2, $0x0;
	s0 =	sadd.s32 $0x180, s0;
	s12 =	simm.s32 $0xB000  }
0x234: {  	[hbm4b:s0+s11] =	stream.strided.scatter [tilespmem:s12], [sflag:$0x2], $0x200, s16, s11, $0x38;
	[tilespmem:$0xF400] =	vst v63  }
0x235: {  	s0 =	simm.s32 @!p0 $0x3;
	s12 =	simm.s32 $0x0  }
0x236: {  	_ =	swait.ge @!p0 [sflag:s0], $0x1800;
	v3 =	vor.u32 s12, v0  }
0x237: {  	[sflag:s0] =	ssyncset.done @!p0 $0x0  }
0x238: {  	[sflag:s0] =	ssyncadd.s32 @!p0 $0xFFFFE800  }
0x239: {  	v4 =	vld.idx.msk [tilespmem:v2+s13+$0x0], $0xffff  }
0x23a: {  	v2 =	vld.idx.msk [tilespmem:v2+s14+$0x0], $0xffff  }
0x23b: {  	v5 =	vld.idx.msk [tilespmem:v3+s13+$0x0], $0xffff  }
0x23c: {  	v6 =	vld.idx.msk [tilespmem:v3+s14+$0x0], $0xffff  }
0x23d: {  	s4 =	simm.s32 $0x10  }
0x23e: {  	v10 =	vor.u32 s4, v0  }
0x23f: {  	v4 =	vmul.u32 $0x7, v4  }
0x240: {  	v2 =	vmul.u32 $0x7, v2;
	v5 =	vmul.u32 $0x7, v5  }
0x241: {  	v12 =	vadd.s32 $0xE00, v4;
	v4 =	vmul.u32 $0x7, v6  }
0x242: {  	v13 =	vadd.s32 $0x4600, v2;
	v25 =	vsub.s32 v12, v5  }
0x243: {  	v26 =	vsub.s32 v13, v5;
	v2 =	vadd.s32 $0xFFFFE400, v4;
	v4 =	vld.idx.msk [tilespmem:v10+s13+$0x0], $0xffff  }
0x244: {  	v5 =	vld.idx.msk [tilespmem:v10+s14+$0x0], $0xffff;
	v9 =	vsub.s32 v12, v2  }
0x245: {  	v6 =	vsub.s32 v13, v2;
	_ =	sdelay $0x1  }
0x246: {  	v2 =	vld.idx.msk [tilespmem:v25+s2+$0x0], $0xffff  }
0x247: {  	v11 =	vld.idx.msk [tilespmem:v26+s2+$0x0], $0xffff;
	v4 =	vmul.u32 $0x7, v4  }
0x248: {  	v5 =	vmul.u32 $0x7, v5;
	v14 =	vld.idx.msk [tilespmem:v9+s2+$0x0], $0xffff  }
0x249: {  	v15 =	vld.idx.msk [tilespmem:v6+s2+$0x0], $0xffff;
	v7 =	vsub.s32 v12, v4  }
0x24a: {  	v4 =	vsub.s32 v13, v4;
	v5 =	vadd.s32 $0xFFFFE400, v5  }
0x24b: {  	v16 =	vmov s12;
	v8 =	vsub.s32 v12, v5  }
0x24c: {  	v16 =	vshll.u32 v16, $0x3;
	v5 =	vsub.s32 v13, v5  }
0x24d: {  	v17 =	vand.u32 $0x6F, v3;
	v3 =	vand.u32 $0xC00, v16  }
0x24e: {  	v14 =	vadd.bf16 v14, v2;
	v11 =	vadd.bf16 v15, v11;
	v2 =	vor.u32 v17, v3;
	v3 =	vld.idx.msk [tilespmem:v7+s2+$0x0], $0xffff  }
0x24f: {  	v15 =	vld.idx.msk [tilespmem:v4+s2+$0x0], $0xffff  }
0x250: {  	v18 =	vor.u32 $0x80, v2;
	v11 =	vadd.bf16 v11, v14;
	v14 =	vld.idx.msk [tilespmem:v8+s2+$0x0], $0xffff  }
0x251: {  	v20 =	vadd.s32 $0x1, v25;
	v21 =	vld.idx.msk [tilespmem:v5+s2+$0x0], $0xffff  }
0x252: {  	v22 =	vadd.s32 $0x1, v9;
	v11 =	vmax.bf16 v11, v1  }
0x253: {  	v24 =	vadd.s32 $0x1, v26;
	v19 =	vunpack.i.l.bf16.f32 v11  }
0x254: {  	v23 =	vmov s4;
	v27 =	vadd.s32 $0x1, v6;
	v11 =	vunpack.i.u.bf16.f32 v11;
	[tilespmem:v2+s3+$0x0] =	vst.idx.msk $0xffff, v19  }
0x255: {  	v23 =	vshll.u32 v23, $0x3;
	v19 =	vand.u32 $0x7F, v10;
	[tilespmem:v18+s3+$0x0] =	vst.idx.msk $0xffff, v11  }
0x256: {  	v11 =	vadd.bf16 v14, v3;
	v14 =	vadd.bf16 v21, v15;
	v3 =	vand.u32 $0xC00, v23;
	v10 =	vld.idx.msk [tilespmem:v20+s2+$0x0], $0xffff  }
0x257: {  	v15 =	vld.idx.msk [tilespmem:v22+s2+$0x0], $0xffff;
	v3 =	vor.u32 v19, v3  }
0x258: {  	v18 =	vld.idx.msk [tilespmem:v24+s2+$0x0], $0xffff;
	v11 =	vadd.bf16 v14, v11;
	v14 =	vor.u32 $0x80, v3  }
0x259: {  	v21 =	vadd.s32 $0x1, v7;
	v20 =	vld.idx.msk [tilespmem:v27+s2+$0x0], $0xffff  }
0x25a: {  	v22 =	vadd.s32 $0x1, v8;
	v11 =	vmax.bf16 v11, v1  }
0x25b: {  	v27 =	vadd.s32 $0x1, v4;
	v24 =	vunpack.i.l.bf16.f32 v11  }
0x25c: {  	v11 =	vunpack.i.u.bf16.f32 v11;
	[tilespmem:v3+s3+$0x0] =	vst.idx.msk $0xffff, v24;
	v24 =	vadd.s32 $0x1, v5  }
0x25d: {  	[tilespmem:v14+s3+$0x0] =	vst.idx.msk $0xffff, v11  }
0x25e: {  	v10 =	vadd.bf16 v15, v10;
	v11 =	vadd.bf16 v20, v18;
	v14 =	vld.idx.msk [tilespmem:v21+s2+$0x0], $0xffff  }
0x25f: {  	v15 =	vor.u32 $0x100, v2;
	v18 =	vld.idx.msk [tilespmem:v22+s2+$0x0], $0xffff  }
0x260: {  	v20 =	vld.idx.msk [tilespmem:v27+s2+$0x0], $0xffff;
	v10 =	vadd.bf16 v11, v10;
	v11 =	vor.u32 $0x180, v2  }
0x261: {  	v21 =	vadd.s32 $0x2, v25;
	v22 =	vld.idx.msk [tilespmem:v24+s2+$0x0], $0xffff  }
0x262: {  	v10 =	vmax.bf16 v10, v1;
	v24 =	vadd.s32 $0x2, v9  }
0x263: {  	v27 =	vadd.s32 $0x2, v26;
	v28 =	vunpack.i.l.bf16.f32 v10  }
0x264: {  	v10 =	vunpack.i.u.bf16.f32 v10;
	[tilespmem:v15+s3+$0x0] =	vst.idx.msk $0xffff, v28;
	v15 =	vadd.s32 $0x2, v6  }
0x265: {  	[tilespmem:v11+s3+$0x0] =	vst.idx.msk $0xffff, v10  }
0x266: {  	v14 =	vadd.bf16 v18, v14;
	v10 =	vld.idx.msk [tilespmem:v21+s2+$0x0], $0xffff;
	v18 =	vadd.bf16 v22, v20  }
0x267: {  	v21 =	vor.u32 $0x100, v3;
	v11 =	vld.idx.msk [tilespmem:v24+s2+$0x0], $0xffff  }
0x268: {  	v20 =	vld.idx.msk [tilespmem:v27+s2+$0x0], $0xffff;
	v14 =	vadd.bf16 v18, v14;
	v18 =	vor.u32 $0x180, v3  }
0x269: {  	v22 =	vadd.s32 $0x2, v7;
	v15 =	vld.idx.msk [tilespmem:v15+s2+$0x0], $0xffff  }
0x26a: {  	v24 =	vadd.s32 $0x2, v8;
	v14 =	vmax.bf16 v14, v1  }
0x26b: {  	v28 =	vadd.s32 $0x2, v4;
	v27 =	vunpack.i.l.bf16.f32 v14  }
0x26c: {  	v14 =	vunpack.i.u.bf16.f32 v14;
	[tilespmem:v21+s3+$0x0] =	vst.idx.msk $0xffff, v27;
	v21 =	vadd.s32 $0x2, v5  }
0x26d: {  	[tilespmem:v18+s3+$0x0] =	vst.idx.msk $0xffff, v14  }
0x26e: {  	s4 =	simm.s32 $0x20;
	v10 =	vadd.bf16 v11, v10;
	v11 =	vadd.bf16 v15, v20;
	v14 =	vld.idx.msk [tilespmem:v22+s2+$0x0], $0xffff  }
0x26f: {  	v20 =	vor.u32 s4, v0;
	v15 =	vor.u32 $0x200, v2;
	v18 =	vld.idx.msk [tilespmem:v24+s2+$0x0], $0xffff  }
0x270: {  	v22 =	vld.idx.msk [tilespmem:v28+s2+$0x0], $0xffff;
	v10 =	vadd.bf16 v11, v10;
	v11 =	vor.u32 $0x280, v2  }
0x271: {  	v24 =	vadd.s32 $0x3, v25;
	v21 =	vld.idx.msk [tilespmem:v21+s2+$0x0], $0xffff  }
0x272: {  	v27 =	vadd.s32 $0x3, v9;
	v10 =	vmax.bf16 v10, v1  }
0x273: {  	v29 =	vadd.s32 $0x3, v26;
	v28 =	vunpack.i.l.bf16.f32 v10  }
0x274: {  	v30 =	vld.idx.msk [tilespmem:v20+s13+$0x0], $0xffff;
	v10 =	vunpack.i.u.bf16.f32 v10;
	[tilespmem:v15+s3+$0x0] =	vst.idx.msk $0xffff, v28;
	v15 =	vadd.s32 $0x3, v6  }
0x275: {  	v31 =	vld.idx.msk [tilespmem:v20+s14+$0x0], $0xffff;
	[tilespmem:v11+s3+$0x0] =	vst.idx.msk $0xffff, v10  }
0x276: {  	s12 =	simm.s32 $0x30;
	v10 =	vadd.bf16 v18, v14;
	v11 =	vld.idx.msk [tilespmem:v24+s2+$0x0], $0xffff;
	v14 =	vadd.bf16 v21, v22  }
0x277: {  	v28 =	vor.u32 s12, v0;
	v24 =	vld.idx.msk [tilespmem:v27+s2+$0x0], $0xffff;
	v21 =	vor.u32 $0x200, v3  }
0x278: {  	v18 =	vld.idx.msk [tilespmem:v29+s2+$0x0], $0xffff;
	v10 =	vadd.bf16 v14, v10;
	v14 =	vor.u32 $0x280, v3  }
0x279: {  	v16 =	vor.u32 v16, v17;
	v22 =	vadd.s32 $0x3, v7;
	v15 =	vld.idx.msk [tilespmem:v15+s2+$0x0], $0xffff  }
0x27a: {  	v17 =	vadd.s32 $0x3, v8;
	v27 =	vmul.u32 $0x7, v30;
	v10 =	vmax.bf16 v10, v1  }
0x27b: {  	v30 =	vadd.s32 $0x3, v4;
	v29 =	vunpack.i.l.bf16.f32 v10  }
0x27c: {  	v31 =	vmul.u32 $0x7, v31;
	v46 =	vld.idx.msk [tilespmem:v28+s13+$0x0], $0xffff;
	v47 =	vunpack.i.u.bf16.f32 v10;
	v10 =	vsub.s32 v12, v27;
	[tilespmem:v21+s3+$0x0] =	vst.idx.msk $0xffff, v29  }
0x27d: {  	v21 =	vadd.s32 $0x3, v5;
	v29 =	vld.idx.msk [tilespmem:v28+s14+$0x0], $0xffff;
	[tilespmem:v14+s3+$0x0] =	vst.idx.msk $0xffff, v47;
	v14 =	vadd.bf16 v24, v11  }
0x27e: {  	v15 =	vadd.bf16 v15, v18;
	v11 =	vsub.s32 v13, v27;
	v18 =	vadd.s32 $0xFFFFE400, v31;
	v24 =	vld.idx.msk [tilespmem:v22+s2+$0x0], $0xffff  }
0x27f: {  	v22 =	vsub.s32 v12, v18;
	v31 =	vld.idx.msk [tilespmem:v17+s2+$0x0], $0xffff  }
0x280: {  	v27 =	vor.u32 $0x300, v16;
	v18 =	vsub.s32 v13, v18;
	v30 =	vld.idx.msk [tilespmem:v30+s2+$0x0], $0xffff  }
0x281: {  	v48 =	vadd.s32 $0x4, v25;
	v17 =	vor.u32 $0x380, v16;
	v14 =	vadd.bf16 v15, v14;
	v50 =	vld.idx.msk [tilespmem:v10+s2+$0x0], $0xffff  }
0x282: {  	v51 =	vadd.s32 $0x4, v26;
	v49 =	vadd.s32 $0x4, v9;
	v15 =	vmov s4;
	v21 =	vld.idx.msk [tilespmem:v21+s2+$0x0], $0xffff  }
0x283: {  	v32 =	vmul.u32 $0x7, v46;
	v15 =	vshll.u32 v15, $0x3;
	v14 =	vmax.bf16 v14, v1;
	v52 =	vld.idx.msk [tilespmem:v11+s2+$0x0], $0xffff  }
0x284: {  	v29 =	vmul.u32 $0x7, v29;
	v16 =	vunpack.i.l.bf16.f32 v14;
	v14 =	vunpack.i.u.bf16.f32 v14;
	v53 =	vld.idx.msk [tilespmem:v22+s2+$0x0], $0xffff  }
0x285: {  	[tilespmem:v27+s3+$0x0] =	vst.idx.msk $0xffff, v16;
	v27 =	vadd.s32 $0x4, v6;
	v16 =	vand.u32 $0x6F, v20;
	v20 =	vand.u32 $0xC00, v15;
	v54 =	vld.idx.msk [tilespmem:v18+s2+$0x0], $0xffff  }
0x286: {  	v29 =	vadd.s32 $0xFFFFE400, v29;
	[tilespmem:v17+s3+$0x0] =	vst.idx.msk $0xffff, v14;
	v14 =	vor.u32 v16, v20;
	v20 =	vsub.s32 v12, v32  }
0x287: {  	v24 =	vadd.bf16 v31, v24;
	v17 =	vsub.s32 v13, v32;
	v55 =	vld.idx.msk [tilespmem:v48+s2+$0x0], $0xffff;
	v30 =	vadd.bf16 v21, v30  }
0x288: {  	v23 =	vor.u32 v19, v23;
	v56 =	vor.u32 $0x300, v3;
	v19 =	vsub.s32 v13, v29;
	v31 =	vld.idx.msk [tilespmem:v49+s2+$0x0], $0xffff  }
0x289: {  	v57 =	vld.idx.msk [tilespmem:v51+s2+$0x0], $0xffff;
	v21 =	vsub.s32 v12, v29;
	v29 =	vadd.bf16 v30, v24;
	v30 =	vor.u32 $0x380, v23  }
0x28a: {  	v59 =	vadd.s32 $0x4, v7;
	v45 =	vadd.s32 $0x4, v8;
	v33 =	vadd.s32 $0x4, v5;
	v58 =	vld.idx.msk [tilespmem:v27+s2+$0x0], $0xffff  }
0x28b: {  	v40 =	vadd.s32 $0x1, v10;
	v32 =	vadd.s32 $0x4, v4;
	v34 =	vld.idx.msk [tilespmem:v20+s2+$0x0], $0xffff;
	v29 =	vmax.bf16 v29, v1  }
0x28c: {  	v27 =	vadd.bf16 v53, v50;
	v60 =	vadd.bf16 v54, v52;
	v35 =	vld.idx.msk [tilespmem:v17+s2+$0x0], $0xffff;
	v61 =	vunpack.i.l.bf16.f32 v29  }
0x28d: {  	v39 =	vadd.s32 $0x1, v11;
	v41 =	vadd.s32 $0x1, v22;
	v38 =	vld.idx.msk [tilespmem:v19+s2+$0x0], $0xffff;
	v62 =	vunpack.i.u.bf16.f32 v29;
	[tilespmem:v56+s3+$0x0] =	vst.idx.msk $0xffff, v61  }
0x28e: {  	v37 =	vor.u32 $0x80, v14;
	v63 =	vadd.bf16 v60, v27;
	v27 =	vadd.s32 $0x5, v26;
	v36 =	vld.idx.msk [tilespmem:v21+s2+$0x0], $0xffff;
	[tilespmem:v30+s3+$0x0] =	vst.idx.msk $0xffff, v62  }
0x28f: {  	v29 =	vadd.s32 $0x5, v25;
	v25 =	vadd.bf16 v31, v55;
	v26 =	vadd.bf16 v58, v57;
	v30 =	vld.idx.msk [tilespmem:v59+s2+$0x0], $0xffff  }
0x290: {  	s0 =	simm.s32 $0x40;
	v24 =	vor.u32 $0x1000, v2;
	v23 =	vor.u32 $0x1080, v2;
	v42 =	vmax.bf16 v63, v1;
	v31 =	vld.idx.msk [tilespmem:v45+s2+$0x0], $0xffff  }
.LBB2_7:
0x291: {  	p1 =	slt.u32 s0, $0x1E0;
	v43 =	vunpack.i.l.bf16.f32 v42;
	v44 =	vadd.bf16 v26, v25;
	v45 =	vadd.s32 $0x5, v9;
	v32 =	vld.idx.msk [tilespmem:v32+s2+$0x0], $0xffff;
	v9 =	vmovc v22  }
0x292: {  	v22 =	vunpack.i.u.bf16.f32 v42;
	v42 =	vadd.s32 $0x1, v18;
	v26 =	vmov s12;
	[tilespmem:v14+s3+$0x0] =	vst.idx.msk $0xffff, v43;
	v33 =	vld.idx.msk [tilespmem:v33+s2+$0x0], $0xffff  }
0x293: {  	v25 =	vand.u32 $0x7F, v28;
	v26 =	vshll.u32 v26, $0x3;
	[tilespmem:v37+s3+$0x0] =	vst.idx.msk $0xffff, v22;
	v22 =	vmax.bf16 v44, v1  }
0x294: {  	v34 =	vadd.bf16 v36, v34;
	v35 =	vadd.bf16 v38, v35;
	v36 =	vand.u32 $0xC00, v26;
	v28 =	vld.idx.msk [tilespmem:v40+s2+$0x0], $0xffff  }
0x295: {  	v36 =	vor.u32 v25, v36;
	v38 =	vunpack.i.l.bf16.f32 v22;
	v40 =	vadd.s32 $0x5, v6;
	v6 =	vmovc v18;
	v37 =	vld.idx.msk [tilespmem:v41+s2+$0x0], $0xffff  }
0x296: {  	v22 =	vunpack.i.u.bf16.f32 v22;
	v34 =	vadd.bf16 v35, v34;
	v35 =	vor.u32 $0x80, v36;
	v18 =	vld.idx.msk [tilespmem:v39+s2+$0x0], $0xffff;
	[tilespmem:v24+s3+$0x0] =	vst.idx.msk $0xffff, v38  }
0x297: {  	v38 =	vadd.s32 $0x1, v20;
	v39 =	vadd.s32 $0x1, v21;
	v24 =	vld.idx.msk [tilespmem:v42+s2+$0x0], $0xffff;
	[tilespmem:v23+s3+$0x0] =	vst.idx.msk $0xffff, v22;
	v22 =	vor.u32 $0x1000, v3  }
0x298: {  	v30 =	vadd.bf16 v31, v30;
	v23 =	vmax.bf16 v34, v1;
	v31 =	vadd.bf16 v33, v32;
	v29 =	vld.idx.msk [tilespmem:v29+s2+$0x0], $0xffff  }
0x299: {  	v41 =	vor.u32 $0x1080, v3;
	v33 =	vadd.s32 $0x1, v17;
	v32 =	vunpack.i.l.bf16.f32 v23;
	v34 =	vld.idx.msk [tilespmem:v45+s2+$0x0], $0xffff  }
0x29a: {  	v23 =	vunpack.i.u.bf16.f32 v23;
	v30 =	vadd.bf16 v31, v30;
	[tilespmem:v36+s3+$0x0] =	vst.idx.msk $0xffff, v32;
	v32 =	vadd.s32 $0x1, v19;
	v27 =	vld.idx.msk [tilespmem:v27+s2+$0x0], $0xffff  }
0x29b: {  	v31 =	vadd.s32 $0x5, v7;
	v7 =	vmov v20;
	[tilespmem:v35+s3+$0x0] =	vst.idx.msk $0xffff, v23;
	v23 =	vld.idx.msk [tilespmem:v40+s2+$0x0], $0xffff  }
0x29c: {  	v20 =	vadd.bf16 v37, v28;
	v30 =	vmax.bf16 v30, v1;
	v35 =	vadd.s32 $0x5, v8;
	v8 =	vmovc v21;
	v28 =	vld.idx.msk [tilespmem:v38+s2+$0x0], $0xffff  }
0x29d: {  	v37 =	vadd.s32 $0x5, v4;
	v4 =	vmovc v17;
	v18 =	vadd.bf16 v24, v18;
	v24 =	vunpack.i.l.bf16.f32 v30;
	v21 =	vld.idx.msk [tilespmem:v39+s2+$0x0], $0xffff  }
0x29e: {  	v17 =	vor.u32 $0x100, v14;
	v30 =	vunpack.i.u.bf16.f32 v30;
	v33 =	vld.idx.msk [tilespmem:v33+s2+$0x0], $0xffff;
	[tilespmem:v22+s3+$0x0] =	vst.idx.msk $0xffff, v24;
	v22 =	vadd.s32 $0x5, v5;
	v5 =	vmovc v19  }
0x29f: {  	v18 =	vadd.bf16 v18, v20;
	v19 =	vor.u32 $0x180, v14;
	v20 =	vld.idx.msk [tilespmem:v32+s2+$0x0], $0xffff;
	[tilespmem:v41+s3+$0x0] =	vst.idx.msk $0xffff, v30  }
0x2a0: {  	v24 =	vadd.s32 $0x2, v10;
	v30 =	vld.idx.msk [tilespmem:v31+s2+$0x0], $0xffff  }
0x2a1: {  	v32 =	vadd.s32 $0x2, v11;
	v18 =	vmax.bf16 v18, v1;
	v31 =	vadd.s32 $0x2, v9;
	v35 =	vld.idx.msk [tilespmem:v35+s2+$0x0], $0xffff  }
0x2a2: {  	v29 =	vadd.bf16 v34, v29;
	v23 =	vadd.bf16 v23, v27;
	v38 =	vunpack.i.l.bf16.f32 v18;
	v27 =	vld.idx.msk [tilespmem:v37+s2+$0x0], $0xffff  }
0x2a3: {  	v18 =	vunpack.i.u.bf16.f32 v18;
	[tilespmem:v17+s3+$0x0] =	vst.idx.msk $0xffff, v38;
	v17 =	vadd.s32 $0x2, v6;
	v22 =	vld.idx.msk [tilespmem:v22+s2+$0x0], $0xffff  }
0x2a4: {  	[tilespmem:v19+s3+$0x0] =	vst.idx.msk $0xffff, v18;
	v18 =	vadd.bf16 v23, v29  }
0x2a5: {  	v23 =	vor.u32 $0x1100, v2;
	v19 =	vld.idx.msk [tilespmem:v24+s2+$0x0], $0xffff  }
0x2a6: {  	v21 =	vadd.bf16 v21, v28;
	v20 =	vadd.bf16 v20, v33;
	v24 =	vld.idx.msk [tilespmem:v31+s2+$0x0], $0xffff;
	v18 =	vmax.bf16 v18, v1  }
0x2a7: {  	v29 =	vor.u32 $0x100, v36;
	v28 =	vld.idx.msk [tilespmem:v32+s2+$0x0], $0xffff;
	v31 =	vunpack.i.l.bf16.f32 v18;
	v32 =	vor.u32 $0x1180, v2;
	v2 =	vmovc v14  }
0x2a8: {  	v14 =	vld.idx.msk [tilespmem:v17+s2+$0x0], $0xffff;
	v17 =	vadd.bf16 v20, v21;
	v20 =	vor.u32 $0x180, v36;
	v21 =	vor.u32 $0x1100, v3  }
0x2a9: {  	v33 =	vadd.s32 $0x2, v7;
	v30 =	vadd.bf16 v35, v30;
	v22 =	vadd.bf16 v22, v27  }
0x2aa: {  	v34 =	vor.u32 $0x1180, v3;
	v27 =	vadd.s32 $0x2, v8;
	v3 =	vmovc v36;
	v17 =	vmax.bf16 v17, v1  }
0x2ab: {  	v36 =	vadd.s32 $0x2, v4;
	v22 =	vadd.bf16 v22, v30;
	v35 =	vunpack.i.l.bf16.f32 v17;
	[tilespmem:v23+s3+$0x0] =	vst.idx.msk $0xffff, v31  }
0x2ac: {  	v17 =	vunpack.i.u.bf16.f32 v17;
	v23 =	vadd.s32 $0x2, v5;
	[tilespmem:v29+s3+$0x0] =	vst.idx.msk $0xffff, v35  }
0x2ad: {  	v19 =	vadd.bf16 v24, v19;
	[tilespmem:v20+s3+$0x0] =	vst.idx.msk $0xffff, v17;
	v17 =	vunpack.i.u.bf16.f32 v18;
	v18 =	vmax.bf16 v22, v1  }
0x2ae: {  	v14 =	vadd.bf16 v14, v28;
	v20 =	vld.idx.msk [tilespmem:v33+s2+$0x0], $0xffff;
	[tilespmem:v32+s3+$0x0] =	vst.idx.msk $0xffff, v17;
	v17 =	vunpack.i.l.bf16.f32 v18  }
0x2af: {  	v24 =	vor.u32 s0, v0;
	v22 =	vor.u32 $0x200, v2;
	v18 =	vunpack.i.u.bf16.f32 v18;
	v27 =	vld.idx.msk [tilespmem:v27+s2+$0x0], $0xffff;
	[tilespmem:v21+s3+$0x0] =	vst.idx.msk $0xffff, v17  }
0x2b0: {  	v14 =	vadd.bf16 v14, v19;
	v17 =	vor.u32 $0x280, v2;
	v19 =	vld.idx.msk [tilespmem:v36+s2+$0x0], $0xffff;
	[tilespmem:v34+s3+$0x0] =	vst.idx.msk $0xffff, v18  }
0x2b1: {  	v18 =	vadd.s32 $0x3, v10;
	v21 =	vld.idx.msk [tilespmem:v23+s2+$0x0], $0xffff  }
0x2b2: {  	v14 =	vmax.bf16 v14, v1;
	v23 =	vadd.s32 $0x3, v9  }
0x2b3: {  	v29 =	vadd.s32 $0x3, v11;
	v28 =	vunpack.i.l.bf16.f32 v14  }
0x2b4: {  	v14 =	vunpack.i.u.bf16.f32 v14;
	v30 =	vld.idx.msk [tilespmem:v24+s13+$0x0], $0xffff;
	[tilespmem:v22+s3+$0x0] =	vst.idx.msk $0xffff, v28;
	v22 =	vadd.s32 $0x3, v6  }
0x2b5: {  	v31 =	vld.idx.msk [tilespmem:v24+s14+$0x0], $0xffff;
	[tilespmem:v17+s3+$0x0] =	vst.idx.msk $0xffff, v14  }
0x2b6: {  	v14 =	vld.idx.msk [tilespmem:v18+s2+$0x0], $0xffff  }
0x2b7: {  	s12 =	sadd.s32 $0x10, s0;
	v18 =	vadd.bf16 v27, v20;
	v19 =	vadd.bf16 v21, v19;
	v17 =	vld.idx.msk [tilespmem:v23+s2+$0x0], $0xffff  }
0x2b8: {  	v28 =	vor.u32 s12, v0;
	v21 =	vor.u32 $0x200, v3;
	v20 =	vld.idx.msk [tilespmem:v29+s2+$0x0], $0xffff  }
0x2b9: {  	v18 =	vadd.bf16 v19, v18;
	v19 =	vor.u32 $0x280, v3;
	v22 =	vld.idx.msk [tilespmem:v22+s2+$0x0], $0xffff  }
0x2ba: {  	v23 =	vadd.s32 $0x3, v7  }
0x2bb: {  	v15 =	vor.u32 v15, v16;
	v16 =	vmax.bf16 v18, v1;
	v18 =	vadd.s32 $0x3, v8  }
0x2bc: {  	v27 =	vmul.u32 $0x7, v30;
	v30 =	vadd.s32 $0x3, v4;
	v29 =	vunpack.i.l.bf16.f32 v16  }
0x2bd: {  	v31 =	vmul.u32 $0x7, v31;
	v16 =	vunpack.i.u.bf16.f32 v16;
	v32 =	vld.idx.msk [tilespmem:v28+s13+$0x0], $0xffff;
	[tilespmem:v21+s3+$0x0] =	vst.idx.msk $0xffff, v29;
	v21 =	vadd.s32 $0x3, v5  }
0x2be: {  	v39 =	vsub.s32 v12, v27;
	v43 =	vsub.s32 v13, v27;
	v27 =	vld.idx.msk [tilespmem:v28+s14+$0x0], $0xffff;
	[tilespmem:v19+s3+$0x0] =	vst.idx.msk $0xffff, v16  }
0x2bf: {  	v14 =	vadd.bf16 v17, v14;
	v16 =	vadd.s32 $0xFFFFE400, v31;
	v17 =	vadd.bf16 v22, v20;
	v19 =	vld.idx.msk [tilespmem:v23+s2+$0x0], $0xffff  }
0x2c0: {  	v20 =	vor.u32 $0x300, v15;
	v22 =	vsub.s32 v12, v16;
	v23 =	vld.idx.msk [tilespmem:v18+s2+$0x0], $0xffff  }
0x2c1: {  	v18 =	vsub.s32 v13, v16;
	v14 =	vadd.bf16 v17, v14;
	v17 =	vor.u32 $0x380, v15;
	v29 =	vld.idx.msk [tilespmem:v30+s2+$0x0], $0xffff  }
0x2c2: {  	v30 =	vadd.s32 $0x4, v10;
	v21 =	vld.idx.msk [tilespmem:v21+s2+$0x0], $0xffff  }
0x2c3: {  	v33 =	vadd.s32 $0x4, v9;
	v15 =	vmov s0;
	v14 =	vmax.bf16 v14, v1;
	v31 =	vld.idx.msk [tilespmem:v39+s2+$0x0], $0xffff  }
0x2c4: {  	v34 =	vadd.s32 $0x4, v11;
	v15 =	vshll.u32 v15, $0x3;
	v16 =	vunpack.i.l.bf16.f32 v14;
	v35 =	vld.idx.msk [tilespmem:v43+s2+$0x0], $0xffff  }
0x2c5: {  	v37 =	vadd.s32 $0x4, v6;
	v32 =	vmul.u32 $0x7, v32;
	v14 =	vunpack.i.u.bf16.f32 v14;
	v36 =	vld.idx.msk [tilespmem:v22+s2+$0x0], $0xffff;
	[tilespmem:v20+s3+$0x0] =	vst.idx.msk $0xffff, v16  }
0x2c6: {  	v16 =	vand.u32 $0x6F, v24;
	v20 =	vand.u32 $0xC00, v15;
	v24 =	vmul.u32 $0x7, v27;
	v38 =	vld.idx.msk [tilespmem:v18+s2+$0x0], $0xffff;
	[tilespmem:v17+s3+$0x0] =	vst.idx.msk $0xffff, v14  }
0x2c7: {  	v14 =	vor.u32 v16, v20;
	v20 =	vsub.s32 v12, v32;
	v17 =	vsub.s32 v13, v32;
	v30 =	vld.idx.msk [tilespmem:v30+s2+$0x0], $0xffff  }
0x2c8: {  	v23 =	vadd.bf16 v23, v19;
	v24 =	vadd.s32 $0xFFFFE400, v24;
	v27 =	vadd.bf16 v21, v29;
	v41 =	vld.idx.msk [tilespmem:v33+s2+$0x0], $0xffff  }
0x2c9: {  	v25 =	vor.u32 v25, v26;
	v29 =	vor.u32 $0x300, v3;
	v21 =	vsub.s32 v12, v24;
	v42 =	vld.idx.msk [tilespmem:v34+s2+$0x0], $0xffff  }
0x2ca: {  	v25 =	vor.u32 $0x380, v25;
	v19 =	vsub.s32 v13, v24;
	v27 =	vadd.bf16 v27, v23;
	v26 =	vld.idx.msk [tilespmem:v37+s2+$0x0], $0xffff  }
0x2cb: {  	v44 =	vadd.s32 $0x4, v7;
	v24 =	vor.u32 $0x1000, v2;
	v23 =	vor.u32 $0x1080, v2  }
0x2cc: {  	v45 =	vadd.s32 $0x4, v8;
	v31 =	vadd.bf16 v36, v31;
	v27 =	vmax.bf16 v27, v1;
	v34 =	vld.idx.msk [tilespmem:v20+s2+$0x0], $0xffff  }
.Ltmp2:
0x2cd: {  	v32 =	vadd.s32 $0x4, v4;
	v38 =	vadd.bf16 v38, v35;
	v33 =	vunpack.i.l.bf16.f32 v27;
	v35 =	vld.idx.msk [tilespmem:v17+s2+$0x0], $0xffff;
	(pc) =	sbr.rel @p1 .LBB2_7-.Ltmp2, $4  }
0x2ce: {  	v37 =	vor.u32 $0x80, v14;
	v40 =	vunpack.i.u.bf16.f32 v27;
	v36 =	vld.idx.msk [tilespmem:v21+s2+$0x0], $0xffff;
	[tilespmem:v29+s3+$0x0] =	vst.idx.msk $0xffff, v33;
	v33 =	vadd.s32 $0x4, v5  }
0x2cf: {  	v27 =	vadd.s32 $0x5, v11;
	v31 =	vadd.bf16 v38, v31;
	v29 =	vadd.s32 $0x5, v10;
	v38 =	vld.idx.msk [tilespmem:v19+s2+$0x0], $0xffff;
	[tilespmem:v25+s3+$0x0] =	vst.idx.msk $0xffff, v40  }
0x2d0: {  	v10 =	vmovc v39;
	v40 =	vadd.s32 $0x1, v39;
	v25 =	vadd.bf16 v41, v30;
	v26 =	vadd.bf16 v26, v42;
	v30 =	vld.idx.msk [tilespmem:v44+s2+$0x0], $0xffff  }
0x2d1: {  	s0 =	sadd.s32 $0x20, s0;
	v11 =	vmovc v43;
	v42 =	vmax.bf16 v31, v1;
	v41 =	vadd.s32 $0x1, v22;
	v39 =	vadd.s32 $0x1, v43;
	v31 =	vld.idx.msk [tilespmem:v45+s2+$0x0], $0xffff  }
0x2d2: {  	_ =	sdelay $0x1  }
0x2d3: {  	v12 =	vunpack.i.l.bf16.f32 v42;
	v13 =	vunpack.i.u.bf16.f32 v42;
	v58 =	vmov s12  }
0x2d4: {  	v43 =	vadd.s32 $0x1, v18;
	v28 =	vand.u32 $0x7F, v28;
	v42 =	vshll.u32 v58, $0x3  }
0x2d5: {  	[tilespmem:v14+s3+$0x0] =	vst.idx.msk $0xffff, v12;
	v34 =	vadd.bf16 v36, v34;
	v35 =	vadd.bf16 v38, v35;
	v12 =	vand.u32 $0xC00, v42  }
0x2d6: {  	[tilespmem:v37+s3+$0x0] =	vst.idx.msk $0xffff, v13;
	v12 =	vor.u32 v28, v12  }
0x2d7: {  	v13 =	vld.idx.msk [tilespmem:v40+s2+$0x0], $0xffff;
	v34 =	vadd.bf16 v35, v34;
	v59 =	vor.u32 $0x80, v12  }
0x2d8: {  	v61 =	vadd.s32 $0x1, v20;
	v60 =	vld.idx.msk [tilespmem:v41+s2+$0x0], $0xffff  }
0x2d9: {  	v63 =	vadd.s32 $0x1, v21;
	v62 =	vld.idx.msk [tilespmem:v39+s2+$0x0], $0xffff;
	v34 =	vmax.bf16 v34, v1  }
0x2da: {  	v47 =	vadd.s32 $0x1, v17;
	v45 =	vld.idx.msk [tilespmem:v43+s2+$0x0], $0xffff;
	v46 =	vunpack.i.l.bf16.f32 v34  }
0x2db: {  	v48 =	vadd.s32 $0x1, v19;
	v34 =	vunpack.i.u.bf16.f32 v34;
	[tilespmem:v12+s3+$0x0] =	vst.idx.msk $0xffff, v46  }
0x2dc: {  	[tilespmem:v59+s3+$0x0] =	vst.idx.msk $0xffff, v34  }
0x2dd: {  	v34 =	vld.idx.msk [tilespmem:v61+s2+$0x0], $0xffff  }
0x2de: {  	v35 =	vld.idx.msk [tilespmem:v63+s2+$0x0], $0xffff  }
0x2df: {  	v13 =	vadd.bf16 v60, v13;
	v49 =	vadd.bf16 v45, v62;
	v50 =	vld.idx.msk [tilespmem:v47+s2+$0x0], $0xffff  }
0x2e0: {  	v51 =	vor.u32 $0x100, v14;
	v52 =	vld.idx.msk [tilespmem:v48+s2+$0x0], $0xffff  }
0x2e1: {  	v53 =	vor.u32 $0x180, v14;
	v13 =	vadd.bf16 v49, v13;
	_ =	sdelay $0x1  }
0x2e2: {  	v54 =	vadd.s32 $0x2, v10;
	v13 =	vmax.bf16 v13, v1  }
0x2e3: {  	v55 =	vadd.s32 $0x2, v22;
	v56 =	vadd.s32 $0x2, v11;
	v44 =	vunpack.i.l.bf16.f32 v13  }
0x2e4: {  	v13 =	vunpack.i.u.bf16.f32 v13;
	v34 =	vadd.bf16 v35, v34;
	v58 =	vadd.bf16 v52, v50;
	[tilespmem:v51+s3+$0x0] =	vst.idx.msk $0xffff, v44  }
0x2e5: {  	v57 =	vadd.s32 $0x2, v18;
	[tilespmem:v53+s3+$0x0] =	vst.idx.msk $0xffff, v13;
	v13 =	vor.u32 $0x100, v12  }
0x2e6: {  	v59 =	vor.u32 $0x180, v12;
	v34 =	vadd.bf16 v58, v34  }
0x2e7: {  	v61 =	vadd.s32 $0x2, v20;
	v36 =	vld.idx.msk [tilespmem:v54+s2+$0x0], $0xffff  }
0x2e8: {  	v63 =	vadd.s32 $0x2, v21;
	v60 =	vld.idx.msk [tilespmem:v55+s2+$0x0], $0xffff;
	v34 =	vmax.bf16 v34, v1  }
0x2e9: {  	v49 =	vadd.s32 $0x2, v17;
	v62 =	vld.idx.msk [tilespmem:v56+s2+$0x0], $0xffff;
	v48 =	vunpack.i.l.bf16.f32 v34  }
0x2ea: {  	v38 =	vld.idx.msk [tilespmem:v57+s2+$0x0], $0xffff;
	v34 =	vunpack.i.u.bf16.f32 v34;
	[tilespmem:v13+s3+$0x0] =	vst.idx.msk $0xffff, v48;
	v13 =	vadd.s32 $0x2, v19  }
0x2eb: {  	[tilespmem:v59+s3+$0x0] =	vst.idx.msk $0xffff, v34  }
0x2ec: {  	v34 =	vld.idx.msk [tilespmem:v61+s2+$0x0], $0xffff  }
0x2ed: {  	v35 =	vld.idx.msk [tilespmem:v63+s2+$0x0], $0xffff  }
0x2ee: {  	v51 =	vld.idx.msk [tilespmem:v49+s2+$0x0], $0xffff  }
0x2ef: {  	v36 =	vadd.bf16 v60, v36;
	v50 =	vadd.bf16 v38, v62;
	v13 =	vld.idx.msk [tilespmem:v13+s2+$0x0], $0xffff  }
0x2f0: {  	v52 =	vor.u32 $0x200, v14  }
0x2f1: {  	v53 =	vor.u32 $0x280, v14;
	v36 =	vadd.bf16 v50, v36  }
0x2f2: {  	v54 =	vadd.s32 $0x3, v10  }
0x2f3: {  	v55 =	vadd.s32 $0x3, v22;
	v57 =	vadd.s32 $0x3, v11;
	v36 =	vmax.bf16 v36, v1  }
0x2f4: {  	v56 =	vunpack.i.l.bf16.f32 v36;
	v34 =	vadd.bf16 v35, v34;
	v13 =	vadd.bf16 v13, v51  }
0x2f5: {  	v58 =	vadd.s32 $0x3, v18;
	v59 =	vor.u32 $0x200, v12;
	v36 =	vunpack.i.u.bf16.f32 v36;
	[tilespmem:v52+s3+$0x0] =	vst.idx.msk $0xffff, v56  }
0x2f6: {  	v60 =	vor.u32 $0x280, v12;
	[tilespmem:v53+s3+$0x0] =	vst.idx.msk $0xffff, v36;
	v13 =	vadd.bf16 v13, v34  }
0x2f7: {  	v61 =	vadd.s32 $0x3, v20;
	v36 =	vld.idx.msk [tilespmem:v54+s2+$0x0], $0xffff  }
0x2f8: {  	v63 =	vadd.s32 $0x3, v21;
	v37 =	vld.idx.msk [tilespmem:v55+s2+$0x0], $0xffff;
	v13 =	vmax.bf16 v13, v1  }
0x2f9: {  	v49 =	vadd.s32 $0x3, v17;
	v62 =	vld.idx.msk [tilespmem:v57+s2+$0x0], $0xffff;
	v48 =	vunpack.i.l.bf16.f32 v13  }
0x2fa: {  	v50 =	vadd.s32 $0x3, v19;
	v39 =	vld.idx.msk [tilespmem:v58+s2+$0x0], $0xffff;
	v13 =	vunpack.i.u.bf16.f32 v13;
	[tilespmem:v59+s3+$0x0] =	vst.idx.msk $0xffff, v48  }
0x2fb: {  	[tilespmem:v60+s3+$0x0] =	vst.idx.msk $0xffff, v13  }
0x2fc: {  	v13 =	vld.idx.msk [tilespmem:v61+s2+$0x0], $0xffff  }
0x2fd: {  	v34 =	vld.idx.msk [tilespmem:v63+s2+$0x0], $0xffff  }
0x2fe: {  	v52 =	vld.idx.msk [tilespmem:v49+s2+$0x0], $0xffff  }
0x2ff: {  	v15 =	vor.u32 v15, v16;
	v36 =	vadd.bf16 v37, v36;
	v51 =	vadd.bf16 v39, v62;
	v35 =	vld.idx.msk [tilespmem:v50+s2+$0x0], $0xffff  }
0x300: {  	v53 =	vor.u32 $0x300, v15  }
0x301: {  	v15 =	vor.u32 $0x380, v15;
	v16 =	vadd.bf16 v51, v36  }
0x302: {  	v28 =	vor.u32 v28, v42;
	v54 =	vadd.s32 $0x4, v10  }
0x303: {  	v55 =	vadd.s32 $0x4, v22;
	v57 =	vadd.s32 $0x4, v11;
	v16 =	vmax.bf16 v16, v1  }
0x304: {  	v56 =	vunpack.i.l.bf16.f32 v16;
	v13 =	vadd.bf16 v34, v13;
	v58 =	vadd.bf16 v35, v52  }
0x305: {  	v32 =	vld.idx.msk [tilespmem:v32+s2+$0x0], $0xffff;
	v59 =	vor.u32 $0x300, v12;
	v60 =	vadd.s32 $0x4, v18;
	v16 =	vunpack.i.u.bf16.f32 v16;
	[tilespmem:v53+s3+$0x0] =	vst.idx.msk $0xffff, v56  }
0x306: {  	v33 =	vld.idx.msk [tilespmem:v33+s2+$0x0], $0xffff;
	v28 =	vor.u32 $0x380, v28;
	[tilespmem:v15+s3+$0x0] =	vst.idx.msk $0xffff, v16;
	v13 =	vadd.bf16 v58, v13  }
0x307: {  	v15 =	vadd.s32 $0x4, v20;
	v16 =	vld.idx.msk [tilespmem:v54+s2+$0x0], $0xffff  }
0x308: {  	v61 =	vadd.s32 $0x4, v21;
	v62 =	vld.idx.msk [tilespmem:v55+s2+$0x0], $0xffff;
	v13 =	vmax.bf16 v13, v1  }
0x309: {  	v25 =	vadd.bf16 v26, v25;
	v42 =	vadd.s32 $0x4, v17;
	v26 =	vld.idx.msk [tilespmem:v57+s2+$0x0], $0xffff;
	v63 =	vunpack.i.l.bf16.f32 v13  }
0x30a: {  	v43 =	vadd.s32 $0x4, v19;
	v44 =	vld.idx.msk [tilespmem:v60+s2+$0x0], $0xffff;
	v13 =	vunpack.i.u.bf16.f32 v13;
	[tilespmem:v59+s3+$0x0] =	vst.idx.msk $0xffff, v63  }
0x30b: {  	v30 =	vadd.bf16 v31, v30;
	v31 =	vadd.bf16 v33, v32;
	[tilespmem:v28+s3+$0x0] =	vst.idx.msk $0xffff, v13  }
0x30c: {  	v9 =	vadd.s32 $0x5, v9;
	v6 =	vadd.s32 $0x5, v6;
	v13 =	vmax.bf16 v25, v1;
	v15 =	vld.idx.msk [tilespmem:v15+s2+$0x0], $0xffff  }
0x30d: {  	v30 =	vadd.bf16 v31, v30;
	v28 =	vor.u32 $0x1000, v3;
	v25 =	vunpack.i.l.bf16.f32 v13;
	v31 =	vld.idx.msk [tilespmem:v61+s2+$0x0], $0xffff  }
0x30e: {  	v7 =	vadd.s32 $0x5, v7;
	v13 =	vunpack.i.u.bf16.f32 v13;
	[tilespmem:v24+s3+$0x0] =	vst.idx.msk $0xffff, v25;
	v24 =	vor.u32 $0x1080, v3;
	v25 =	vld.idx.msk [tilespmem:v42+s2+$0x0], $0xffff  }
0x30f: {  	v16 =	vadd.bf16 v62, v16;
	v26 =	vadd.bf16 v44, v26;
	[tilespmem:v23+s3+$0x0] =	vst.idx.msk $0xffff, v13;
	v23 =	vld.idx.msk [tilespmem:v43+s2+$0x0], $0xffff  }
0x310: {  	v8 =	vadd.s32 $0x5, v8;
	v4 =	vadd.s32 $0x5, v4;
	v13 =	vmax.bf16 v30, v1;
	v29 =	vld.idx.msk [tilespmem:v29+s2+$0x0], $0xffff  }
0x311: {  	v45 =	vor.u32 $0x1000, v14;
	v16 =	vadd.bf16 v26, v16;
	v30 =	vunpack.i.l.bf16.f32 v13;
	v9 =	vld.idx.msk [tilespmem:v9+s2+$0x0], $0xffff  }
0x312: {  	v5 =	vadd.s32 $0x5, v5;
	v13 =	vunpack.i.u.bf16.f32 v13;
	v27 =	vld.idx.msk [tilespmem:v27+s2+$0x0], $0xffff;
	[tilespmem:v28+s3+$0x0] =	vst.idx.msk $0xffff, v30;
	v28 =	vor.u32 $0x1080, v14  }
0x313: {  	v10 =	vadd.s32 $0x5, v10;
	v11 =	vadd.s32 $0x5, v11;
	v16 =	vmax.bf16 v16, v1;
	v6 =	vld.idx.msk [tilespmem:v6+s2+$0x0], $0xffff;
	[tilespmem:v24+s3+$0x0] =	vst.idx.msk $0xffff, v13  }
0x314: {  	v15 =	vadd.bf16 v31, v15;
	v13 =	vadd.s32 $0x5, v22;
	v7 =	vld.idx.msk [tilespmem:v7+s2+$0x0], $0xffff;
	v22 =	vadd.bf16 v23, v25  }
0x315: {  	v18 =	vadd.s32 $0x5, v18;
	v24 =	vor.u32 $0x1000, v12;
	v8 =	vld.idx.msk [tilespmem:v8+s2+$0x0], $0xffff;
	v23 =	vunpack.i.l.bf16.f32 v16  }
0x316: {  	v4 =	vld.idx.msk [tilespmem:v4+s2+$0x0], $0xffff;
	v16 =	vunpack.i.u.bf16.f32 v16;
	[tilespmem:v45+s3+$0x0] =	vst.idx.msk $0xffff, v23;
	v23 =	vor.u32 $0x1080, v12;
	v15 =	vadd.bf16 v22, v15  }
0x317: {  	v5 =	vld.idx.msk [tilespmem:v5+s2+$0x0], $0xffff;
	[tilespmem:v28+s3+$0x0] =	vst.idx.msk $0xffff, v16;
	v16 =	vadd.s32 $0x5, v20  }
0x318: {  	v20 =	vadd.s32 $0x5, v21;
	v10 =	vld.idx.msk [tilespmem:v10+s2+$0x0], $0xffff;
	v15 =	vmax.bf16 v15, v1  }
0x319: {  	v17 =	vadd.s32 $0x5, v17;
	v11 =	vld.idx.msk [tilespmem:v11+s2+$0x0], $0xffff;
	v21 =	vunpack.i.l.bf16.f32 v15  }
0x31a: {  	v19 =	vadd.s32 $0x5, v19;
	v18 =	vld.idx.msk [tilespmem:v18+s2+$0x0], $0xffff;
	v15 =	vunpack.i.u.bf16.f32 v15;
	[tilespmem:v24+s3+$0x0] =	vst.idx.msk $0xffff, v21  }
0x31b: {  	v9 =	vadd.bf16 v9, v29;
	v6 =	vadd.bf16 v6, v27;
	v13 =	vld.idx.msk [tilespmem:v13+s2+$0x0], $0xffff;
	[tilespmem:v23+s3+$0x0] =	vst.idx.msk $0xffff, v15  }
0x31c: {  	v15 =	vld.idx.msk [tilespmem:v16+s2+$0x0], $0xffff  }
0x31d: {  	v6 =	vadd.bf16 v6, v9;
	v9 =	vld.idx.msk [tilespmem:v20+s2+$0x0], $0xffff  }
0x31e: {  	v7 =	vadd.bf16 v8, v7;
	v4 =	vadd.bf16 v5, v4;
	v5 =	vld.idx.msk [tilespmem:v17+s2+$0x0], $0xffff  }
0x31f: {  	v8 =	vor.u32 $0x1100, v2;
	v16 =	vld.idx.msk [tilespmem:v19+s2+$0x0], $0xffff  }
0x320: {  	v6 =	vmax.bf16 v6, v1;
	v2 =	vor.u32 $0x1180, v2;
	v4 =	vadd.bf16 v4, v7  }
0x321: {  	v7 =	vor.u32 $0x1100, v3;
	v11 =	vadd.bf16 v18, v11;
	v10 =	vadd.bf16 v13, v10  }
0x322: {  	v3 =	vor.u32 $0x1180, v3;
	v13 =	vunpack.i.l.bf16.f32 v6;
	v6 =	vunpack.i.u.bf16.f32 v6  }
0x323: {  	v4 =	vmax.bf16 v4, v1;
	v10 =	vadd.bf16 v11, v10;
	v11 =	vor.u32 $0x1100, v14  }
0x324: {  	[tilespmem:v8+s3+$0x0] =	vst.idx.msk $0xffff, v13;
	v8 =	vor.u32 $0x1180, v14;
	v9 =	vadd.bf16 v9, v15;
	v5 =	vadd.bf16 v16, v5  }
0x325: {  	[tilespmem:v2+s3+$0x0] =	vst.idx.msk $0xffff, v6;
	v2 =	vunpack.i.l.bf16.f32 v4;
	v4 =	vunpack.i.u.bf16.f32 v4;
	v6 =	vor.u32 $0x1100, v12  }
0x326: {  	s0 =	sshll.u32 s30, $0x7;
	s4 =	sshll.u32 s31, $0x9;
	[tilespmem:v7+s3+$0x0] =	vst.idx.msk $0xffff, v2;
	v7 =	vor.u32 $0x1180, v12;
	v2 =	vmax.bf16 v10, v1;
	v5 =	vadd.bf16 v5, v9  }
0x327: {  	s0 =	sand.u32 $0x300, s0;
	s12 =	sand.u32 $0x3F000, s4;
	[tilespmem:v3+s3+$0x0] =	vst.idx.msk $0xffff, v4;
	v3 =	vunpack.i.l.bf16.f32 v2  }
0x328: {  	s0 =	sor.u32 s12, s0;
	v2 =	vunpack.i.u.bf16.f32 v2;
	[tilespmem:v11+s3+$0x0] =	vst.idx.msk $0xffff, v3;
	v3 =	vmax.bf16 v5, v1  }
0x329: {  	s0 =	sor.u32 s8, s0;
	[tilespmem:v8+s3+$0x0] =	vst.idx.msk $0xffff, v2;
	v2 =	vunpack.i.l.bf16.f32 v3  }
0x32a: {  	s0 =	sshrl.u32 s0, $0x3;
	v3 =	vunpack.i.u.bf16.f32 v3;
	[tilespmem:v6+s3+$0x0] =	vst.idx.msk $0xffff, v2  }
0x32b: {  	s0 =	sadd.s32 s1, s0;
	[tilespmem:v7+s3+$0x0] =	vst.idx.msk $0xffff, v3  }
0x32c: {  	[hbm4b:s0+s11] =	stream.strided.scatter [tilespmem:s3], [sflag:$0x3], $0x400, s16, s11, $0x38;
	[tilespmem:$0xF400] =	vst v63  }
0x32d: {  	s4 =	simm.s32 $0xB800;
	s31 =	sadd.s32 $0x80, s0  }
0x32e: {  	[hbm4b:s31+s11] =	stream.strided.scatter [tilespmem:s4], [sflag:$0x3], $0x400, s16, s11, $0x38;
	[tilespmem:$0xF400] =	vst v63  }
0x32f: {  	s4 =	sadd.s32 $0x100, s0;
	s31 =	simm.s32 $0xBC00  }
0x330: {  	[hbm4b:s4+s11] =	stream.strided.scatter [tilespmem:s31], [sflag:$0x3], $0x400, s16, s11, $0x38;
	[tilespmem:$0xF400] =	vst v63  }
0x331: {  	s4 =	sadd.s32 $0x180, s0  }
0x332: {  	[hbm4b:s4+s11] =	stream.strided.scatter [tilespmem:s5], [sflag:$0x3], $0x400, s16, s11, $0x38;
	[tilespmem:$0xF400] =	vst v63  }
0x333: {  	s0 =	sadd.s32 $0x40000, s0  }
0x334: {  	[hbm4b:s0+s11] =	stream.strided.scatter [tilespmem:s6], [sflag:$0x3], $0x200, s16, s11, $0x38;
	[tilespmem:$0xF400] =	vst v63  }
0x335: {  	s31 =	sadd.s32 $0x80, s0  }
0x336: {  	[hbm4b:s31+s11] =	stream.strided.scatter [tilespmem:s9], [sflag:$0x3], $0x200, s16, s11, $0x38;
	[tilespmem:$0xF400] =	vst v63  }
0x337: {  	s29 =	sor.u32 $0x3, s29;
	s4 =	sadd.s32 $0x100, s0  }
0x338: {  	[hbm4b:s4+s11] =	stream.strided.scatter [tilespmem:s10], [sflag:$0x3], $0x200, s16, s11, $0x38;
	[tilespmem:$0xF400] =	vst v63  }
0x339: {  	s30 =	sor.u32 s7, s29;
	s0 =	sadd.s32 $0x180, s0  }
0x33a: {  	v2 =	vmov s30;
	[hbm4b:s0+s11] =	stream.strided.scatter [tilespmem:s17], [sflag:$0x3], $0x200, s16, s11, $0x38;
	[tilespmem:$0xF400] =	vst v63  }
0x33b: {  	s31 =	simm.s32 $0x0;
	s0 =	simm.s32 @!p0 $0x4  }
0x33c: {  	v3 =	vor.u32 s31, v0;
	_ =	swait.ge @!p0 [sflag:s0], $0x1800  }
0x33d: {  	[sflag:s0] =	ssyncset.done @!p0 $0x0  }
0x33e: {  	[sflag:s0] =	ssyncadd.s32 @!p0 $0xFFFFE800  }
0x33f: {  	v4 =	vld.idx.msk [tilespmem:v2+s13+$0x0], $0xffff  }
0x340: {  	v2 =	vld.idx.msk [tilespmem:v2+s14+$0x0], $0xffff  }
0x341: {  	v5 =	vld.idx.msk [tilespmem:v3+s13+$0x0], $0xffff  }
0x342: {  	v6 =	vld.idx.msk [tilespmem:v3+s14+$0x0], $0xffff  }
0x343: {  	s4 =	simm.s32 $0x10  }
0x344: {  	v10 =	vor.u32 s4, v0  }
0x345: {  	v4 =	vmul.u32 $0x7, v4  }
0x346: {  	v2 =	vmul.u32 $0x7, v2;
	v5 =	vmul.u32 $0x7, v5  }
0x347: {  	v12 =	vadd.s32 $0xE00, v4;
	v4 =	vmul.u32 $0x7, v6  }
0x348: {  	v13 =	vadd.s32 $0x4600, v2;
	v25 =	vsub.s32 v12, v5  }
0x349: {  	v26 =	vsub.s32 v13, v5;
	v2 =	vadd.s32 $0xFFFFE400, v4;
	v4 =	vld.idx.msk [tilespmem:v10+s13+$0x0], $0xffff  }
0x34a: {  	v5 =	vld.idx.msk [tilespmem:v10+s14+$0x0], $0xffff;
	v9 =	vsub.s32 v12, v2  }
0x34b: {  	v6 =	vsub.s32 v13, v2;
	_ =	sdelay $0x1  }
0x34c: {  	v2 =	vld.idx.msk [tilespmem:v25+s2+$0x0], $0xffff  }
0x34d: {  	v11 =	vld.idx.msk [tilespmem:v26+s2+$0x0], $0xffff;
	v4 =	vmul.u32 $0x7, v4  }
0x34e: {  	v5 =	vmul.u32 $0x7, v5;
	v14 =	vld.idx.msk [tilespmem:v9+s2+$0x0], $0xffff  }
0x34f: {  	v15 =	vld.idx.msk [tilespmem:v6+s2+$0x0], $0xffff;
	v7 =	vsub.s32 v12, v4  }
0x350: {  	v5 =	vadd.s32 $0xFFFFE400, v5;
	v4 =	vsub.s32 v13, v4  }
0x351: {  	v16 =	vmov s31;
	v8 =	vsub.s32 v12, v5;
	v5 =	vsub.s32 v13, v5  }
0x352: {  	v16 =	vshll.u32 v16, $0x3  }
0x353: {  	v17 =	vand.u32 $0x6F, v3;
	v3 =	vand.u32 $0xC00, v16  }
0x354: {  	v14 =	vadd.bf16 v14, v2;
	v11 =	vadd.bf16 v15, v11;
	v2 =	vor.u32 v17, v3;
	v3 =	vld.idx.msk [tilespmem:v7+s2+$0x0], $0xffff  }
0x355: {  	v15 =	vld.idx.msk [tilespmem:v4+s2+$0x0], $0xffff  }
0x356: {  	v18 =	vor.u32 $0x80, v2;
	v21 =	vld.idx.msk [tilespmem:v5+s2+$0x0], $0xffff;
	v11 =	vadd.bf16 v11, v14  }
0x357: {  	v20 =	vadd.s32 $0x1, v25;
	v14 =	vld.idx.msk [tilespmem:v8+s2+$0x0], $0xffff  }
0x358: {  	v22 =	vadd.s32 $0x1, v9;
	v11 =	vmax.bf16 v11, v1  }
0x359: {  	v24 =	vadd.s32 $0x1, v26;
	v19 =	vunpack.i.l.bf16.f32 v11  }
0x35a: {  	v23 =	vmov s4;
	v27 =	vadd.s32 $0x1, v6;
	v11 =	vunpack.i.u.bf16.f32 v11;
	[tilespmem:v2+s18+$0x0] =	vst.idx.msk $0xffff, v19  }
0x35b: {  	v23 =	vshll.u32 v23, $0x3;
	v19 =	vand.u32 $0x7F, v10;
	[tilespmem:v18+s18+$0x0] =	vst.idx.msk $0xffff, v11  }
0x35c: {  	v11 =	vadd.bf16 v14, v3;
	v14 =	vadd.bf16 v21, v15;
	v3 =	vand.u32 $0xC00, v23;
	v10 =	vld.idx.msk [tilespmem:v20+s2+$0x0], $0xffff  }
0x35d: {  	v15 =	vld.idx.msk [tilespmem:v22+s2+$0x0], $0xffff;
	v3 =	vor.u32 v19, v3  }
0x35e: {  	v18 =	vld.idx.msk [tilespmem:v24+s2+$0x0], $0xffff;
	v11 =	vadd.bf16 v14, v11;
	v14 =	vor.u32 $0x80, v3  }
0x35f: {  	v21 =	vadd.s32 $0x1, v7;
	v20 =	vld.idx.msk [tilespmem:v27+s2+$0x0], $0xffff  }
0x360: {  	v22 =	vadd.s32 $0x1, v8;
	v11 =	vmax.bf16 v11, v1  }
0x361: {  	v27 =	vadd.s32 $0x1, v4;
	v24 =	vunpack.i.l.bf16.f32 v11  }
0x362: {  	v11 =	vunpack.i.u.bf16.f32 v11;
	[tilespmem:v3+s18+$0x0] =	vst.idx.msk $0xffff, v24;
	v24 =	vadd.s32 $0x1, v5  }
0x363: {  	[tilespmem:v14+s18+$0x0] =	vst.idx.msk $0xffff, v11  }
0x364: {  	v10 =	vadd.bf16 v15, v10;
	v11 =	vadd.bf16 v20, v18;
	v14 =	vld.idx.msk [tilespmem:v21+s2+$0x0], $0xffff  }
0x365: {  	v15 =	vor.u32 $0x100, v2;
	v18 =	vld.idx.msk [tilespmem:v22+s2+$0x0], $0xffff  }
0x366: {  	v20 =	vld.idx.msk [tilespmem:v27+s2+$0x0], $0xffff;
	v10 =	vadd.bf16 v11, v10;
	v11 =	vor.u32 $0x180, v2  }
0x367: {  	v21 =	vadd.s32 $0x2, v25;
	v22 =	vld.idx.msk [tilespmem:v24+s2+$0x0], $0xffff  }
0x368: {  	v10 =	vmax.bf16 v10, v1;
	v24 =	vadd.s32 $0x2, v9  }
0x369: {  	v27 =	vadd.s32 $0x2, v26;
	v28 =	vunpack.i.l.bf16.f32 v10  }
0x36a: {  	v10 =	vunpack.i.u.bf16.f32 v10;
	[tilespmem:v15+s18+$0x0] =	vst.idx.msk $0xffff, v28;
	v15 =	vadd.s32 $0x2, v6  }
0x36b: {  	[tilespmem:v11+s18+$0x0] =	vst.idx.msk $0xffff, v10  }
0x36c: {  	v14 =	vadd.bf16 v18, v14;
	v10 =	vld.idx.msk [tilespmem:v21+s2+$0x0], $0xffff;
	v18 =	vadd.bf16 v22, v20  }
0x36d: {  	v21 =	vor.u32 $0x100, v3;
	v11 =	vld.idx.msk [tilespmem:v24+s2+$0x0], $0xffff  }
0x36e: {  	v20 =	vld.idx.msk [tilespmem:v27+s2+$0x0], $0xffff;
	v14 =	vadd.bf16 v18, v14;
	v18 =	vor.u32 $0x180, v3  }
0x36f: {  	v22 =	vadd.s32 $0x2, v7;
	v15 =	vld.idx.msk [tilespmem:v15+s2+$0x0], $0xffff  }
0x370: {  	v24 =	vadd.s32 $0x2, v8;
	v14 =	vmax.bf16 v14, v1  }
0x371: {  	v28 =	vadd.s32 $0x2, v4;
	v27 =	vunpack.i.l.bf16.f32 v14  }
0x372: {  	v14 =	vunpack.i.u.bf16.f32 v14;
	[tilespmem:v21+s18+$0x0] =	vst.idx.msk $0xffff, v27;
	v21 =	vadd.s32 $0x2, v5  }
0x373: {  	[tilespmem:v18+s18+$0x0] =	vst.idx.msk $0xffff, v14  }
0x374: {  	s31 =	simm.s32 $0x20;
	v10 =	vadd.bf16 v11, v10;
	v11 =	vadd.bf16 v15, v20;
	v14 =	vld.idx.msk [tilespmem:v22+s2+$0x0], $0xffff  }
0x375: {  	v20 =	vor.u32 s31, v0;
	v15 =	vor.u32 $0x200, v2;
	v18 =	vld.idx.msk [tilespmem:v24+s2+$0x0], $0xffff  }
0x376: {  	v22 =	vld.idx.msk [tilespmem:v28+s2+$0x0], $0xffff;
	v10 =	vadd.bf16 v11, v10;
	v11 =	vor.u32 $0x280, v2  }
0x377: {  	v24 =	vadd.s32 $0x3, v25;
	v21 =	vld.idx.msk [tilespmem:v21+s2+$0x0], $0xffff  }
0x378: {  	v27 =	vadd.s32 $0x3, v9;
	v10 =	vmax.bf16 v10, v1  }
0x379: {  	v29 =	vadd.s32 $0x3, v26;
	v28 =	vunpack.i.l.bf16.f32 v10  }
0x37a: {  	v30 =	vld.idx.msk [tilespmem:v20+s13+$0x0], $0xffff;
	v10 =	vunpack.i.u.bf16.f32 v10;
	[tilespmem:v15+s18+$0x0] =	vst.idx.msk $0xffff, v28;
	v15 =	vadd.s32 $0x3, v6  }
0x37b: {  	v31 =	vld.idx.msk [tilespmem:v20+s14+$0x0], $0xffff;
	[tilespmem:v11+s18+$0x0] =	vst.idx.msk $0xffff, v10  }
0x37c: {  	s12 =	simm.s32 $0x30;
	v10 =	vadd.bf16 v18, v14;
	v11 =	vld.idx.msk [tilespmem:v24+s2+$0x0], $0xffff;
	v14 =	vadd.bf16 v21, v22  }
0x37d: {  	v28 =	vor.u32 s12, v0;
	v24 =	vld.idx.msk [tilespmem:v27+s2+$0x0], $0xffff;
	v21 =	vor.u32 $0x200, v3  }
0x37e: {  	v18 =	vld.idx.msk [tilespmem:v29+s2+$0x0], $0xffff;
	v10 =	vadd.bf16 v14, v10;
	v14 =	vor.u32 $0x280, v3  }
0x37f: {  	v16 =	vor.u32 v16, v17;
	v22 =	vadd.s32 $0x3, v7;
	v15 =	vld.idx.msk [tilespmem:v15+s2+$0x0], $0xffff  }
0x380: {  	v17 =	vadd.s32 $0x3, v8;
	v27 =	vmul.u32 $0x7, v30;
	v10 =	vmax.bf16 v10, v1  }
0x381: {  	v30 =	vadd.s32 $0x3, v4;
	v29 =	vunpack.i.l.bf16.f32 v10  }
0x382: {  	v31 =	vmul.u32 $0x7, v31;
	v46 =	vld.idx.msk [tilespmem:v28+s13+$0x0], $0xffff;
	v47 =	vunpack.i.u.bf16.f32 v10;
	v10 =	vsub.s32 v12, v27;
	[tilespmem:v21+s18+$0x0] =	vst.idx.msk $0xffff, v29  }
0x383: {  	v21 =	vadd.s32 $0x3, v5;
	v29 =	vld.idx.msk [tilespmem:v28+s14+$0x0], $0xffff;
	[tilespmem:v14+s18+$0x0] =	vst.idx.msk $0xffff, v47;
	v14 =	vadd.bf16 v24, v11  }
0x384: {  	v15 =	vadd.bf16 v15, v18;
	v11 =	vsub.s32 v13, v27;
	v18 =	vadd.s32 $0xFFFFE400, v31;
	v24 =	vld.idx.msk [tilespmem:v22+s2+$0x0], $0xffff  }
0x385: {  	v22 =	vsub.s32 v12, v18;
	v31 =	vld.idx.msk [tilespmem:v17+s2+$0x0], $0xffff  }
0x386: {  	v27 =	vor.u32 $0x300, v16;
	v18 =	vsub.s32 v13, v18;
	v30 =	vld.idx.msk [tilespmem:v30+s2+$0x0], $0xffff  }
0x387: {  	v48 =	vadd.s32 $0x4, v25;
	v17 =	vor.u32 $0x380, v16;
	v14 =	vadd.bf16 v15, v14;
	v50 =	vld.idx.msk [tilespmem:v10+s2+$0x0], $0xffff  }
0x388: {  	v51 =	vadd.s32 $0x4, v26;
	v49 =	vadd.s32 $0x4, v9;
	v15 =	vmov s31;
	v21 =	vld.idx.msk [tilespmem:v21+s2+$0x0], $0xffff  }
0x389: {  	v32 =	vmul.u32 $0x7, v46;
	v15 =	vshll.u32 v15, $0x3;
	v14 =	vmax.bf16 v14, v1;
	v52 =	vld.idx.msk [tilespmem:v11+s2+$0x0], $0xffff  }
0x38a: {  	v29 =	vmul.u32 $0x7, v29;
	v16 =	vunpack.i.l.bf16.f32 v14;
	v14 =	vunpack.i.u.bf16.f32 v14;
	v53 =	vld.idx.msk [tilespmem:v22+s2+$0x0], $0xffff  }
0x38b: {  	[tilespmem:v27+s18+$0x0] =	vst.idx.msk $0xffff, v16;
	v27 =	vadd.s32 $0x4, v6;
	v16 =	vand.u32 $0x6F, v20;
	v20 =	vand.u32 $0xC00, v15;
	v54 =	vld.idx.msk [tilespmem:v18+s2+$0x0], $0xffff  }
0x38c: {  	v29 =	vadd.s32 $0xFFFFE400, v29;
	[tilespmem:v17+s18+$0x0] =	vst.idx.msk $0xffff, v14;
	v14 =	vor.u32 v16, v20;
	v20 =	vsub.s32 v12, v32  }
0x38d: {  	v24 =	vadd.bf16 v31, v24;
	v17 =	vsub.s32 v13, v32;
	v55 =	vld.idx.msk [tilespmem:v48+s2+$0x0], $0xffff;
	v30 =	vadd.bf16 v21, v30  }
0x38e: {  	v23 =	vor.u32 v19, v23;
	v56 =	vor.u32 $0x300, v3;
	v19 =	vsub.s32 v13, v29;
	v31 =	vld.idx.msk [tilespmem:v49+s2+$0x0], $0xffff  }
0x38f: {  	v57 =	vld.idx.msk [tilespmem:v51+s2+$0x0], $0xffff;
	v21 =	vsub.s32 v12, v29;
	v29 =	vadd.bf16 v30, v24;
	v30 =	vor.u32 $0x380, v23  }
0x390: {  	v59 =	vadd.s32 $0x4, v7;
	v45 =	vadd.s32 $0x4, v8;
	v33 =	vadd.s32 $0x4, v5;
	v58 =	vld.idx.msk [tilespmem:v27+s2+$0x0], $0xffff  }
0x391: {  	v40 =	vadd.s32 $0x1, v10;
	v32 =	vadd.s32 $0x4, v4;
	v34 =	vld.idx.msk [tilespmem:v20+s2+$0x0], $0xffff;
	v29 =	vmax.bf16 v29, v1  }
0x392: {  	v27 =	vadd.bf16 v53, v50;
	v60 =	vadd.bf16 v54, v52;
	v35 =	vld.idx.msk [tilespmem:v17+s2+$0x0], $0xffff;
	v61 =	vunpack.i.l.bf16.f32 v29  }
0x393: {  	v39 =	vadd.s32 $0x1, v11;
	v41 =	vadd.s32 $0x1, v22;
	v38 =	vld.idx.msk [tilespmem:v19+s2+$0x0], $0xffff;
	v62 =	vunpack.i.u.bf16.f32 v29;
	[tilespmem:v56+s18+$0x0] =	vst.idx.msk $0xffff, v61  }
0x394: {  	v37 =	vor.u32 $0x80, v14;
	v63 =	vadd.bf16 v60, v27;
	v27 =	vadd.s32 $0x5, v26;
	v36 =	vld.idx.msk [tilespmem:v21+s2+$0x0], $0xffff;
	[tilespmem:v30+s18+$0x0] =	vst.idx.msk $0xffff, v62  }
0x395: {  	v29 =	vadd.s32 $0x5, v25;
	v25 =	vadd.bf16 v31, v55;
	v26 =	vadd.bf16 v58, v57;
	v30 =	vld.idx.msk [tilespmem:v59+s2+$0x0], $0xffff  }
0x396: {  	s0 =	simm.s32 $0x40;
	v24 =	vor.u32 $0x1000, v2;
	v23 =	vor.u32 $0x1080, v2;
	v42 =	vmax.bf16 v63, v1;
	v31 =	vld.idx.msk [tilespmem:v45+s2+$0x0], $0xffff  }
.LBB2_9:
0x397: {  	p0 =	slt.u32 s0, $0x1E0;
	v43 =	vunpack.i.l.bf16.f32 v42;
	v44 =	vadd.bf16 v26, v25;
	v45 =	vadd.s32 $0x5, v9;
	v32 =	vld.idx.msk [tilespmem:v32+s2+$0x0], $0xffff;
	v9 =	vmovc v22  }
0x398: {  	v22 =	vunpack.i.u.bf16.f32 v42;
	v42 =	vadd.s32 $0x1, v18;
	v26 =	vmov s12;
	[tilespmem:v14+s18+$0x0] =	vst.idx.msk $0xffff, v43;
	v33 =	vld.idx.msk [tilespmem:v33+s2+$0x0], $0xffff  }
0x399: {  	v25 =	vand.u32 $0x7F, v28;
	v26 =	vshll.u32 v26, $0x3;
	[tilespmem:v37+s18+$0x0] =	vst.idx.msk $0xffff, v22;
	v22 =	vmax.bf16 v44, v1  }
0x39a: {  	v34 =	vadd.bf16 v36, v34;
	v35 =	vadd.bf16 v38, v35;
	v36 =	vand.u32 $0xC00, v26;
	v28 =	vld.idx.msk [tilespmem:v40+s2+$0x0], $0xffff  }
0x39b: {  	v36 =	vor.u32 v25, v36;
	v38 =	vunpack.i.l.bf16.f32 v22;
	v40 =	vadd.s32 $0x5, v6;
	v6 =	vmovc v18;
	v37 =	vld.idx.msk [tilespmem:v41+s2+$0x0], $0xffff  }
0x39c: {  	v22 =	vunpack.i.u.bf16.f32 v22;
	v34 =	vadd.bf16 v35, v34;
	v35 =	vor.u32 $0x80, v36;
	v18 =	vld.idx.msk [tilespmem:v39+s2+$0x0], $0xffff;
	[tilespmem:v24+s18+$0x0] =	vst.idx.msk $0xffff, v38  }
0x39d: {  	v38 =	vadd.s32 $0x1, v20;
	v39 =	vadd.s32 $0x1, v21;
	v24 =	vld.idx.msk [tilespmem:v42+s2+$0x0], $0xffff;
	[tilespmem:v23+s18+$0x0] =	vst.idx.msk $0xffff, v22;
	v22 =	vor.u32 $0x1000, v3  }
0x39e: {  	v30 =	vadd.bf16 v31, v30;
	v23 =	vmax.bf16 v34, v1;
	v31 =	vadd.bf16 v33, v32;
	v29 =	vld.idx.msk [tilespmem:v29+s2+$0x0], $0xffff  }
0x39f: {  	v41 =	vor.u32 $0x1080, v3;
	v33 =	vadd.s32 $0x1, v17;
	v32 =	vunpack.i.l.bf16.f32 v23;
	v34 =	vld.idx.msk [tilespmem:v45+s2+$0x0], $0xffff  }
0x3a0: {  	v23 =	vunpack.i.u.bf16.f32 v23;
	v30 =	vadd.bf16 v31, v30;
	[tilespmem:v36+s18+$0x0] =	vst.idx.msk $0xffff, v32;
	v32 =	vadd.s32 $0x1, v19;
	v27 =	vld.idx.msk [tilespmem:v27+s2+$0x0], $0xffff  }
0x3a1: {  	v31 =	vadd.s32 $0x5, v7;
	v7 =	vmov v20;
	[tilespmem:v35+s18+$0x0] =	vst.idx.msk $0xffff, v23;
	v23 =	vld.idx.msk [tilespmem:v40+s2+$0x0], $0xffff  }
0x3a2: {  	v20 =	vadd.bf16 v37, v28;
	v30 =	vmax.bf16 v30, v1;
	v35 =	vadd.s32 $0x5, v8;
	v8 =	vmovc v21;
	v28 =	vld.idx.msk [tilespmem:v38+s2+$0x0], $0xffff  }
0x3a3: {  	v37 =	vadd.s32 $0x5, v4;
	v4 =	vmovc v17;
	v18 =	vadd.bf16 v24, v18;
	v24 =	vunpack.i.l.bf16.f32 v30;
	v21 =	vld.idx.msk [tilespmem:v39+s2+$0x0], $0xffff  }
0x3a4: {  	v17 =	vor.u32 $0x100, v14;
	v30 =	vunpack.i.u.bf16.f32 v30;
	v33 =	vld.idx.msk [tilespmem:v33+s2+$0x0], $0xffff;
	[tilespmem:v22+s18+$0x0] =	vst.idx.msk $0xffff, v24;
	v22 =	vadd.s32 $0x5, v5;
	v5 =	vmovc v19  }
0x3a5: {  	v18 =	vadd.bf16 v18, v20;
	v19 =	vor.u32 $0x180, v14;
	v20 =	vld.idx.msk [tilespmem:v32+s2+$0x0], $0xffff;
	[tilespmem:v41+s18+$0x0] =	vst.idx.msk $0xffff, v30  }
0x3a6: {  	v24 =	vadd.s32 $0x2, v10;
	v30 =	vld.idx.msk [tilespmem:v31+s2+$0x0], $0xffff  }
0x3a7: {  	v32 =	vadd.s32 $0x2, v11;
	v18 =	vmax.bf16 v18, v1;
	v31 =	vadd.s32 $0x2, v9;
	v35 =	vld.idx.msk [tilespmem:v35+s2+$0x0], $0xffff  }
0x3a8: {  	v29 =	vadd.bf16 v34, v29;
	v23 =	vadd.bf16 v23, v27;
	v38 =	vunpack.i.l.bf16.f32 v18;
	v27 =	vld.idx.msk [tilespmem:v37+s2+$0x0], $0xffff  }
0x3a9: {  	v18 =	vunpack.i.u.bf16.f32 v18;
	[tilespmem:v17+s18+$0x0] =	vst.idx.msk $0xffff, v38;
	v17 =	vadd.s32 $0x2, v6;
	v22 =	vld.idx.msk [tilespmem:v22+s2+$0x0], $0xffff  }
0x3aa: {  	[tilespmem:v19+s18+$0x0] =	vst.idx.msk $0xffff, v18;
	v18 =	vadd.bf16 v23, v29  }
0x3ab: {  	v23 =	vor.u32 $0x1100, v2;
	v19 =	vld.idx.msk [tilespmem:v24+s2+$0x0], $0xffff  }
0x3ac: {  	v21 =	vadd.bf16 v21, v28;
	v20 =	vadd.bf16 v20, v33;
	v24 =	vld.idx.msk [tilespmem:v31+s2+$0x0], $0xffff;
	v18 =	vmax.bf16 v18, v1  }
0x3ad: {  	v29 =	vor.u32 $0x100, v36;
	v28 =	vld.idx.msk [tilespmem:v32+s2+$0x0], $0xffff;
	v31 =	vunpack.i.l.bf16.f32 v18;
	v32 =	vor.u32 $0x1180, v2;
	v2 =	vmovc v14  }
0x3ae: {  	v14 =	vld.idx.msk [tilespmem:v17+s2+$0x0], $0xffff;
	v17 =	vadd.bf16 v20, v21;
	v20 =	vor.u32 $0x180, v36;
	v21 =	vor.u32 $0x1100, v3  }
0x3af: {  	v33 =	vadd.s32 $0x2, v7;
	v30 =	vadd.bf16 v35, v30;
	v22 =	vadd.bf16 v22, v27  }
0x3b0: {  	v34 =	vor.u32 $0x1180, v3;
	v27 =	vadd.s32 $0x2, v8;
	v3 =	vmovc v36;
	v17 =	vmax.bf16 v17, v1  }
0x3b1: {  	v36 =	vadd.s32 $0x2, v4;
	v22 =	vadd.bf16 v22, v30;
	v35 =	vunpack.i.l.bf16.f32 v17;
	[tilespmem:v23+s18+$0x0] =	vst.idx.msk $0xffff, v31  }
0x3b2: {  	v17 =	vunpack.i.u.bf16.f32 v17;
	v23 =	vadd.s32 $0x2, v5;
	[tilespmem:v29+s18+$0x0] =	vst.idx.msk $0xffff, v35  }
0x3b3: {  	v19 =	vadd.bf16 v24, v19;
	[tilespmem:v20+s18+$0x0] =	vst.idx.msk $0xffff, v17;
	v17 =	vunpack.i.u.bf16.f32 v18;
	v18 =	vmax.bf16 v22, v1  }
0x3b4: {  	v14 =	vadd.bf16 v14, v28;
	v20 =	vld.idx.msk [tilespmem:v33+s2+$0x0], $0xffff;
	[tilespmem:v32+s18+$0x0] =	vst.idx.msk $0xffff, v17;
	v17 =	vunpack.i.l.bf16.f32 v18  }
0x3b5: {  	v24 =	vor.u32 s0, v0;
	v22 =	vor.u32 $0x200, v2;
	v18 =	vunpack.i.u.bf16.f32 v18;
	v27 =	vld.idx.msk [tilespmem:v27+s2+$0x0], $0xffff;
	[tilespmem:v21+s18+$0x0] =	vst.idx.msk $0xffff, v17  }
0x3b6: {  	v14 =	vadd.bf16 v14, v19;
	v17 =	vor.u32 $0x280, v2;
	v19 =	vld.idx.msk [tilespmem:v36+s2+$0x0], $0xffff;
	[tilespmem:v34+s18+$0x0] =	vst.idx.msk $0xffff, v18  }
0x3b7: {  	v18 =	vadd.s32 $0x3, v10;
	v21 =	vld.idx.msk [tilespmem:v23+s2+$0x0], $0xffff  }
0x3b8: {  	v14 =	vmax.bf16 v14, v1;
	v23 =	vadd.s32 $0x3, v9  }
0x3b9: {  	v29 =	vadd.s32 $0x3, v11;
	v28 =	vunpack.i.l.bf16.f32 v14  }
0x3ba: {  	v14 =	vunpack.i.u.bf16.f32 v14;
	v30 =	vld.idx.msk [tilespmem:v24+s13+$0x0], $0xffff;
	[tilespmem:v22+s18+$0x0] =	vst.idx.msk $0xffff, v28;
	v22 =	vadd.s32 $0x3, v6  }
0x3bb: {  	v31 =	vld.idx.msk [tilespmem:v24+s14+$0x0], $0xffff;
	[tilespmem:v17+s18+$0x0] =	vst.idx.msk $0xffff, v14  }
0x3bc: {  	v14 =	vld.idx.msk [tilespmem:v18+s2+$0x0], $0xffff  }
0x3bd: {  	s12 =	sadd.s32 $0x10, s0;
	v18 =	vadd.bf16 v27, v20;
	v19 =	vadd.bf16 v21, v19;
	v17 =	vld.idx.msk [tilespmem:v23+s2+$0x0], $0xffff  }
0x3be: {  	v28 =	vor.u32 s12, v0;
	v21 =	vor.u32 $0x200, v3;
	v20 =	vld.idx.msk [tilespmem:v29+s2+$0x0], $0xffff  }
0x3bf: {  	v18 =	vadd.bf16 v19, v18;
	v19 =	vor.u32 $0x280, v3;
	v22 =	vld.idx.msk [tilespmem:v22+s2+$0x0], $0xffff  }
0x3c0: {  	v23 =	vadd.s32 $0x3, v7  }
0x3c1: {  	v15 =	vor.u32 v15, v16;
	v16 =	vmax.bf16 v18, v1;
	v18 =	vadd.s32 $0x3, v8  }
0x3c2: {  	v27 =	vmul.u32 $0x7, v30;
	v30 =	vadd.s32 $0x3, v4;
	v29 =	vunpack.i.l.bf16.f32 v16  }
0x3c3: {  	v31 =	vmul.u32 $0x7, v31;
	v16 =	vunpack.i.u.bf16.f32 v16;
	v32 =	vld.idx.msk [tilespmem:v28+s13+$0x0], $0xffff;
	[tilespmem:v21+s18+$0x0] =	vst.idx.msk $0xffff, v29;
	v21 =	vadd.s32 $0x3, v5  }
0x3c4: {  	v39 =	vsub.s32 v12, v27;
	v43 =	vsub.s32 v13, v27;
	v27 =	vld.idx.msk [tilespmem:v28+s14+$0x0], $0xffff;
	[tilespmem:v19+s18+$0x0] =	vst.idx.msk $0xffff, v16  }
0x3c5: {  	v14 =	vadd.bf16 v17, v14;
	v16 =	vadd.s32 $0xFFFFE400, v31;
	v17 =	vadd.bf16 v22, v20;
	v19 =	vld.idx.msk [tilespmem:v23+s2+$0x0], $0xffff  }
0x3c6: {  	v20 =	vor.u32 $0x300, v15;
	v22 =	vsub.s32 v12, v16;
	v23 =	vld.idx.msk [tilespmem:v18+s2+$0x0], $0xffff  }
0x3c7: {  	v18 =	vsub.s32 v13, v16;
	v14 =	vadd.bf16 v17, v14;
	v17 =	vor.u32 $0x380, v15;
	v29 =	vld.idx.msk [tilespmem:v30+s2+$0x0], $0xffff  }
0x3c8: {  	v30 =	vadd.s32 $0x4, v10;
	v21 =	vld.idx.msk [tilespmem:v21+s2+$0x0], $0xffff  }
0x3c9: {  	v33 =	vadd.s32 $0x4, v9;
	v15 =	vmov s0;
	v14 =	vmax.bf16 v14, v1;
	v31 =	vld.idx.msk [tilespmem:v39+s2+$0x0], $0xffff  }
0x3ca: {  	v34 =	vadd.s32 $0x4, v11;
	v15 =	vshll.u32 v15, $0x3;
	v16 =	vunpack.i.l.bf16.f32 v14;
	v35 =	vld.idx.msk [tilespmem:v43+s2+$0x0], $0xffff  }
0x3cb: {  	v37 =	vadd.s32 $0x4, v6;
	v32 =	vmul.u32 $0x7, v32;
	v14 =	vunpack.i.u.bf16.f32 v14;
	v36 =	vld.idx.msk [tilespmem:v22+s2+$0x0], $0xffff;
	[tilespmem:v20+s18+$0x0] =	vst.idx.msk $0xffff, v16  }
0x3cc: {  	v16 =	vand.u32 $0x6F, v24;
	v20 =	vand.u32 $0xC00, v15;
	v24 =	vmul.u32 $0x7, v27;
	v38 =	vld.idx.msk [tilespmem:v18+s2+$0x0], $0xffff;
	[tilespmem:v17+s18+$0x0] =	vst.idx.msk $0xffff, v14  }
0x3cd: {  	v14 =	vor.u32 v16, v20;
	v20 =	vsub.s32 v12, v32;
	v17 =	vsub.s32 v13, v32;
	v30 =	vld.idx.msk [tilespmem:v30+s2+$0x0], $0xffff  }
0x3ce: {  	v23 =	vadd.bf16 v23, v19;
	v24 =	vadd.s32 $0xFFFFE400, v24;
	v27 =	vadd.bf16 v21, v29;
	v41 =	vld.idx.msk [tilespmem:v33+s2+$0x0], $0xffff  }
0x3cf: {  	v25 =	vor.u32 v25, v26;
	v29 =	vor.u32 $0x300, v3;
	v21 =	vsub.s32 v12, v24;
	v42 =	vld.idx.msk [tilespmem:v34+s2+$0x0], $0xffff  }
0x3d0: {  	v25 =	vor.u32 $0x380, v25;
	v19 =	vsub.s32 v13, v24;
	v27 =	vadd.bf16 v27, v23;
	v26 =	vld.idx.msk [tilespmem:v37+s2+$0x0], $0xffff  }
0x3d1: {  	v44 =	vadd.s32 $0x4, v7;
	v24 =	vor.u32 $0x1000, v2;
	v23 =	vor.u32 $0x1080, v2  }
0x3d2: {  	v45 =	vadd.s32 $0x4, v8;
	v31 =	vadd.bf16 v36, v31;
	v27 =	vmax.bf16 v27, v1;
	v34 =	vld.idx.msk [tilespmem:v20+s2+$0x0], $0xffff  }
.Ltmp3:
0x3d3: {  	v32 =	vadd.s32 $0x4, v4;
	v38 =	vadd.bf16 v38, v35;
	v33 =	vunpack.i.l.bf16.f32 v27;
	v35 =	vld.idx.msk [tilespmem:v17+s2+$0x0], $0xffff;
	(pc) =	sbr.rel @p0 .LBB2_9-.Ltmp3, $4  }
0x3d4: {  	v37 =	vor.u32 $0x80, v14;
	v40 =	vunpack.i.u.bf16.f32 v27;
	v36 =	vld.idx.msk [tilespmem:v21+s2+$0x0], $0xffff;
	[tilespmem:v29+s18+$0x0] =	vst.idx.msk $0xffff, v33;
	v33 =	vadd.s32 $0x4, v5  }
0x3d5: {  	v27 =	vadd.s32 $0x5, v11;
	v31 =	vadd.bf16 v38, v31;
	v29 =	vadd.s32 $0x5, v10;
	v38 =	vld.idx.msk [tilespmem:v19+s2+$0x0], $0xffff;
	[tilespmem:v25+s18+$0x0] =	vst.idx.msk $0xffff, v40  }
0x3d6: {  	v10 =	vmovc v39;
	v40 =	vadd.s32 $0x1, v39;
	v25 =	vadd.bf16 v41, v30;
	v26 =	vadd.bf16 v26, v42;
	v30 =	vld.idx.msk [tilespmem:v44+s2+$0x0], $0xffff  }
0x3d7: {  	s0 =	sadd.s32 $0x20, s0;
	v11 =	vmovc v43;
	v42 =	vmax.bf16 v31, v1;
	v41 =	vadd.s32 $0x1, v22;
	v39 =	vadd.s32 $0x1, v43;
	v31 =	vld.idx.msk [tilespmem:v45+s2+$0x0], $0xffff  }
0x3d8: {  	_ = 	snop  }
0x3d9: {  	v12 =	vunpack.i.l.bf16.f32 v42;
	v45 =	vmov s12  }
0x3da: {  	v13 =	vunpack.i.u.bf16.f32 v42;
	v28 =	vand.u32 $0x7F, v28;
	v42 =	vshll.u32 v45, $0x3  }
0x3db: {  	v34 =	vadd.bf16 v36, v34;
	v35 =	vadd.bf16 v38, v35;
	v46 =	vand.u32 $0xC00, v42  }
0x3dc: {  	[tilespmem:v14+s18+$0x0] =	vst.idx.msk $0xffff, v12;
	v12 =	vor.u32 v28, v46  }
0x3dd: {  	v43 =	vadd.s32 $0x1, v18;
	v34 =	vadd.bf16 v35, v34;
	v47 =	vor.u32 $0x80, v12  }
0x3de: {  	v49 =	vadd.s32 $0x1, v20;
	[tilespmem:v37+s18+$0x0] =	vst.idx.msk $0xffff, v13  }
0x3df: {  	v51 =	vadd.s32 $0x1, v21;
	v13 =	vld.idx.msk [tilespmem:v40+s2+$0x0], $0xffff;
	v34 =	vmax.bf16 v34, v1  }
0x3e0: {  	v54 =	vadd.s32 $0x1, v17;
	v48 =	vld.idx.msk [tilespmem:v41+s2+$0x0], $0xffff;
	v53 =	vunpack.i.l.bf16.f32 v34  }
0x3e1: {  	v55 =	vadd.s32 $0x1, v19;
	v50 =	vld.idx.msk [tilespmem:v39+s2+$0x0], $0xffff;
	v34 =	vunpack.i.u.bf16.f32 v34;
	[tilespmem:v12+s18+$0x0] =	vst.idx.msk $0xffff, v53  }
0x3e2: {  	v52 =	vld.idx.msk [tilespmem:v43+s2+$0x0], $0xffff;
	[tilespmem:v47+s18+$0x0] =	vst.idx.msk $0xffff, v34  }
0x3e3: {  	v34 =	vld.idx.msk [tilespmem:v49+s2+$0x0], $0xffff  }
0x3e4: {  	v35 =	vld.idx.msk [tilespmem:v51+s2+$0x0], $0xffff  }
0x3e5: {  	v57 =	vld.idx.msk [tilespmem:v54+s2+$0x0], $0xffff  }
0x3e6: {  	v59 =	vld.idx.msk [tilespmem:v55+s2+$0x0], $0xffff  }
0x3e7: {  	v13 =	vadd.bf16 v48, v13;
	v56 =	vadd.bf16 v52, v50  }
0x3e8: {  	v58 =	vor.u32 $0x100, v14  }
0x3e9: {  	v60 =	vor.u32 $0x180, v14;
	v13 =	vadd.bf16 v56, v13  }
0x3ea: {  	v61 =	vadd.s32 $0x2, v10;
	v62 =	vadd.s32 $0x2, v22;
	v63 =	vadd.s32 $0x2, v11  }
0x3eb: {  	v13 =	vmax.bf16 v13, v1;
	v34 =	vadd.bf16 v35, v34;
	v49 =	vadd.bf16 v59, v57  }
0x3ec: {  	v48 =	vadd.s32 $0x2, v18;
	v50 =	vor.u32 $0x100, v12;
	v44 =	vunpack.i.l.bf16.f32 v13  }
0x3ed: {  	v51 =	vor.u32 $0x180, v12;
	v13 =	vunpack.i.u.bf16.f32 v13;
	[tilespmem:v58+s18+$0x0] =	vst.idx.msk $0xffff, v44;
	v34 =	vadd.bf16 v49, v34  }
0x3ee: {  	v53 =	vadd.s32 $0x2, v20;
	[tilespmem:v60+s18+$0x0] =	vst.idx.msk $0xffff, v13  }
0x3ef: {  	v55 =	vadd.s32 $0x2, v21;
	v36 =	vld.idx.msk [tilespmem:v61+s2+$0x0], $0xffff;
	v34 =	vmax.bf16 v34, v1  }
0x3f0: {  	v57 =	vadd.s32 $0x2, v17;
	v52 =	vld.idx.msk [tilespmem:v62+s2+$0x0], $0xffff;
	v56 =	vunpack.i.l.bf16.f32 v34  }
0x3f1: {  	v58 =	vadd.s32 $0x2, v19;
	v54 =	vld.idx.msk [tilespmem:v63+s2+$0x0], $0xffff;
	v34 =	vunpack.i.u.bf16.f32 v34;
	[tilespmem:v50+s18+$0x0] =	vst.idx.msk $0xffff, v56  }
0x3f2: {  	v38 =	vld.idx.msk [tilespmem:v48+s2+$0x0], $0xffff;
	[tilespmem:v51+s18+$0x0] =	vst.idx.msk $0xffff, v34  }
0x3f3: {  	v34 =	vld.idx.msk [tilespmem:v53+s2+$0x0], $0xffff  }
0x3f4: {  	v35 =	vld.idx.msk [tilespmem:v55+s2+$0x0], $0xffff  }
0x3f5: {  	v60 =	vld.idx.msk [tilespmem:v57+s2+$0x0], $0xffff  }
0x3f6: {  	v13 =	vld.idx.msk [tilespmem:v58+s2+$0x0], $0xffff  }
0x3f7: {  	v36 =	vadd.bf16 v52, v36;
	v59 =	vadd.bf16 v38, v54  }
0x3f8: {  	v61 =	vor.u32 $0x200, v14  }
0x3f9: {  	v62 =	vor.u32 $0x280, v14;
	v36 =	vadd.bf16 v59, v36  }
0x3fa: {  	v63 =	vadd.s32 $0x3, v10;
	v48 =	vadd.s32 $0x3, v22;
	v50 =	vadd.s32 $0x3, v11  }
0x3fb: {  	v36 =	vmax.bf16 v36, v1;
	v34 =	vadd.bf16 v35, v34;
	v13 =	vadd.bf16 v13, v60  }
0x3fc: {  	v51 =	vadd.s32 $0x3, v18;
	v52 =	vor.u32 $0x200, v12;
	v49 =	vunpack.i.l.bf16.f32 v36  }
0x3fd: {  	v53 =	vor.u32 $0x280, v12;
	v36 =	vunpack.i.u.bf16.f32 v36;
	[tilespmem:v61+s18+$0x0] =	vst.idx.msk $0xffff, v49;
	v13 =	vadd.bf16 v13, v34  }
0x3fe: {  	v54 =	vadd.s32 $0x3, v20;
	[tilespmem:v62+s18+$0x0] =	vst.idx.msk $0xffff, v36  }
0x3ff: {  	v56 =	vadd.s32 $0x3, v21;
	v36 =	vld.idx.msk [tilespmem:v63+s2+$0x0], $0xffff;
	v13 =	vmax.bf16 v13, v1  }
0x400: {  	v58 =	vadd.s32 $0x3, v17;
	v37 =	vld.idx.msk [tilespmem:v48+s2+$0x0], $0xffff;
	v57 =	vunpack.i.l.bf16.f32 v13  }
0x401: {  	v59 =	vadd.s32 $0x3, v19;
	v55 =	vld.idx.msk [tilespmem:v50+s2+$0x0], $0xffff;
	v13 =	vunpack.i.u.bf16.f32 v13;
	[tilespmem:v52+s18+$0x0] =	vst.idx.msk $0xffff, v57  }
0x402: {  	v39 =	vld.idx.msk [tilespmem:v51+s2+$0x0], $0xffff;
	[tilespmem:v53+s18+$0x0] =	vst.idx.msk $0xffff, v13  }
0x403: {  	v13 =	vld.idx.msk [tilespmem:v54+s2+$0x0], $0xffff  }
0x404: {  	v34 =	vld.idx.msk [tilespmem:v56+s2+$0x0], $0xffff  }
0x405: {  	v61 =	vld.idx.msk [tilespmem:v58+s2+$0x0], $0xffff  }
0x406: {  	v35 =	vld.idx.msk [tilespmem:v59+s2+$0x0], $0xffff  }
0x407: {  	v15 =	vor.u32 v15, v16;
	v36 =	vadd.bf16 v37, v36;
	v60 =	vadd.bf16 v39, v55  }
0x408: {  	v63 =	vor.u32 $0x300, v15  }
0x409: {  	v28 =	vor.u32 v28, v42;
	v15 =	vor.u32 $0x380, v15;
	v62 =	vadd.bf16 v60, v36  }
0x40a: {  	v45 =	vadd.s32 $0x4, v22;
	v28 =	vor.u32 $0x380, v28;
	v44 =	vadd.s32 $0x4, v10  }
0x40b: {  	v16 =	vmax.bf16 v62, v1;
	v13 =	vadd.bf16 v34, v13;
	v35 =	vadd.bf16 v35, v61  }
0x40c: {  	v47 =	vadd.s32 $0x4, v11;
	v48 =	vor.u32 $0x300, v12;
	v46 =	vunpack.i.l.bf16.f32 v16  }
0x40d: {  	v32 =	vld.idx.msk [tilespmem:v32+s2+$0x0], $0xffff;
	v49 =	vadd.s32 $0x4, v18;
	v16 =	vunpack.i.u.bf16.f32 v16;
	[tilespmem:v63+s18+$0x0] =	vst.idx.msk $0xffff, v46;
	v13 =	vadd.bf16 v35, v13  }
0x40e: {  	v33 =	vld.idx.msk [tilespmem:v33+s2+$0x0], $0xffff;
	v50 =	vadd.s32 $0x4, v20;
	[tilespmem:v15+s18+$0x0] =	vst.idx.msk $0xffff, v16  }
0x40f: {  	v51 =	vadd.s32 $0x4, v21;
	v16 =	vld.idx.msk [tilespmem:v44+s2+$0x0], $0xffff;
	v13 =	vmax.bf16 v13, v1  }
0x410: {  	v54 =	vadd.s32 $0x4, v17;
	v52 =	vld.idx.msk [tilespmem:v45+s2+$0x0], $0xffff;
	v53 =	vunpack.i.l.bf16.f32 v13  }
0x411: {  	v25 =	vadd.bf16 v26, v25;
	v56 =	vadd.s32 $0x4, v19;
	v55 =	vld.idx.msk [tilespmem:v47+s2+$0x0], $0xffff;
	v13 =	vunpack.i.u.bf16.f32 v13;
	[tilespmem:v48+s18+$0x0] =	vst.idx.msk $0xffff, v53  }
0x412: {  	v9 =	vadd.s32 $0x5, v9;
	v58 =	vld.idx.msk [tilespmem:v49+s2+$0x0], $0xffff;
	[tilespmem:v28+s18+$0x0] =	vst.idx.msk $0xffff, v13  }
0x413: {  	v30 =	vadd.bf16 v31, v30;
	v57 =	vadd.bf16 v33, v32;
	v59 =	vmax.bf16 v25, v1;
	v15 =	vld.idx.msk [tilespmem:v50+s2+$0x0], $0xffff  }
0x414: {  	v6 =	vadd.s32 $0x5, v6;
	v25 =	vunpack.i.l.bf16.f32 v59;
	v60 =	vor.u32 $0x1000, v3;
	v61 =	vld.idx.msk [tilespmem:v51+s2+$0x0], $0xffff  }
0x415: {  	v30 =	vadd.bf16 v57, v30;
	[tilespmem:v24+s18+$0x0] =	vst.idx.msk $0xffff, v25;
	v62 =	vor.u32 $0x1080, v3;
	v13 =	vunpack.i.u.bf16.f32 v59;
	v63 =	vld.idx.msk [tilespmem:v54+s2+$0x0], $0xffff  }
0x416: {  	v7 =	vadd.s32 $0x5, v7;
	v8 =	vadd.s32 $0x5, v8;
	v4 =	vadd.s32 $0x5, v4;
	[tilespmem:v23+s18+$0x0] =	vst.idx.msk $0xffff, v13;
	v38 =	vld.idx.msk [tilespmem:v56+s2+$0x0], $0xffff  }
0x417: {  	v36 =	vmax.bf16 v30, v1;
	v16 =	vadd.bf16 v52, v16;
	v26 =	vadd.bf16 v58, v55;
	v29 =	vld.idx.msk [tilespmem:v29+s2+$0x0], $0xffff  }
0x418: {  	v5 =	vadd.s32 $0x5, v5;
	v39 =	vor.u32 $0x1000, v14;
	v30 =	vunpack.i.l.bf16.f32 v36;
	v9 =	vld.idx.msk [tilespmem:v9+s2+$0x0], $0xffff  }
0x419: {  	v40 =	vor.u32 $0x1080, v14;
	[tilespmem:v60+s18+$0x0] =	vst.idx.msk $0xffff, v30;
	v13 =	vunpack.i.u.bf16.f32 v36;
	v27 =	vld.idx.msk [tilespmem:v27+s2+$0x0], $0xffff;
	v16 =	vadd.bf16 v26, v16  }
0x41a: {  	v41 =	vadd.s32 $0x5, v10;
	v42 =	vadd.s32 $0x5, v11;
	v43 =	vadd.s32 $0x5, v22;
	v6 =	vld.idx.msk [tilespmem:v6+s2+$0x0], $0xffff;
	[tilespmem:v62+s18+$0x0] =	vst.idx.msk $0xffff, v13  }
0x41b: {  	v7 =	vld.idx.msk [tilespmem:v7+s2+$0x0], $0xffff;
	v16 =	vmax.bf16 v16, v1;
	v15 =	vadd.bf16 v61, v15;
	v44 =	vadd.bf16 v38, v63  }
0x41c: {  	v46 =	vadd.s32 $0x5, v18;
	v47 =	vor.u32 $0x1000, v12;
	v8 =	vld.idx.msk [tilespmem:v8+s2+$0x0], $0xffff;
	v45 =	vunpack.i.l.bf16.f32 v16  }
0x41d: {  	v48 =	vor.u32 $0x1080, v12;
	v4 =	vld.idx.msk [tilespmem:v4+s2+$0x0], $0xffff;
	v16 =	vunpack.i.u.bf16.f32 v16;
	[tilespmem:v39+s18+$0x0] =	vst.idx.msk $0xffff, v45;
	v15 =	vadd.bf16 v44, v15  }
0x41e: {  	v49 =	vadd.s32 $0x5, v20;
	v5 =	vld.idx.msk [tilespmem:v5+s2+$0x0], $0xffff;
	[tilespmem:v40+s18+$0x0] =	vst.idx.msk $0xffff, v16  }
0x41f: {  	v50 =	vadd.s32 $0x5, v21;
	v10 =	vld.idx.msk [tilespmem:v41+s2+$0x0], $0xffff;
	v15 =	vmax.bf16 v15, v1  }
0x420: {  	v52 =	vadd.s32 $0x5, v17;
	v13 =	vld.idx.msk [tilespmem:v43+s2+$0x0], $0xffff;
	v51 =	vunpack.i.l.bf16.f32 v15  }
0x421: {  	v53 =	vadd.s32 $0x5, v19;
	v11 =	vld.idx.msk [tilespmem:v42+s2+$0x0], $0xffff;
	v15 =	vunpack.i.u.bf16.f32 v15;
	[tilespmem:v47+s18+$0x0] =	vst.idx.msk $0xffff, v51  }
0x422: {  	v18 =	vld.idx.msk [tilespmem:v46+s2+$0x0], $0xffff;
	[tilespmem:v48+s18+$0x0] =	vst.idx.msk $0xffff, v15  }
0x423: {  	v15 =	vld.idx.msk [tilespmem:v49+s2+$0x0], $0xffff  }
0x424: {  	v9 =	vadd.bf16 v9, v29;
	v6 =	vadd.bf16 v6, v27;
	v54 =	vld.idx.msk [tilespmem:v50+s2+$0x0], $0xffff  }
0x425: {  	v7 =	vadd.bf16 v8, v7;
	v4 =	vadd.bf16 v5, v4;
	v55 =	vld.idx.msk [tilespmem:v52+s2+$0x0], $0xffff  }
0x426: {  	v60 =	vor.u32 $0x1100, v14;
	v56 =	vor.u32 $0x1100, v2;
	v57 =	vld.idx.msk [tilespmem:v53+s2+$0x0], $0xffff  }
0x427: {  	v2 =	vor.u32 $0x1180, v2;
	v6 =	vadd.bf16 v6, v9;
	v4 =	vadd.bf16 v4, v7  }
0x428: {  	v58 =	vor.u32 $0x1100, v3;
	v10 =	vadd.bf16 v13, v10;
	v11 =	vadd.bf16 v18, v11  }
0x429: {  	v3 =	vor.u32 $0x1180, v3;
	v61 =	vor.u32 $0x1180, v14;
	v6 =	vmax.bf16 v6, v1  }
0x42a: {  	v59 =	vunpack.i.l.bf16.f32 v6;
	v4 =	vmax.bf16 v4, v1;
	v10 =	vadd.bf16 v11, v10  }
0x42b: {  	v6 =	vunpack.i.u.bf16.f32 v6;
	[tilespmem:v56+s18+$0x0] =	vst.idx.msk $0xffff, v59;
	v9 =	vadd.bf16 v54, v15;
	v5 =	vadd.bf16 v57, v55  }
0x42c: {  	v62 =	vor.u32 $0x1100, v12;
	v63 =	vor.u32 $0x1180, v12;
	[tilespmem:v2+s18+$0x0] =	vst.idx.msk $0xffff, v6;
	v2 =	vunpack.i.l.bf16.f32 v4  }
0x42d: {  	s0 =	sshll.u32 s29, $0x7;
	s30 =	sshll.u32 s30, $0x9;
	v4 =	vunpack.i.u.bf16.f32 v4;
	[tilespmem:v58+s18+$0x0] =	vst.idx.msk $0xffff, v2;
	v2 =	vmax.bf16 v10, v1;
	v5 =	vadd.bf16 v5, v9  }
0x42e: {  	s0 =	sand.u32 $0x380, s0;
	s12 =	sand.u32 $0x3F000, s30;
	[tilespmem:v3+s18+$0x0] =	vst.idx.msk $0xffff, v4;
	v3 =	vunpack.i.l.bf16.f32 v2  }
0x42f: {  	s0 =	sor.u32 s12, s0;
	v2 =	vunpack.i.u.bf16.f32 v2;
	[tilespmem:v60+s18+$0x0] =	vst.idx.msk $0xffff, v3;
	v3 =	vmax.bf16 v5, v1  }
0x430: {  	s0 =	sor.u32 s8, s0;
	[tilespmem:v61+s18+$0x0] =	vst.idx.msk $0xffff, v2;
	v2 =	vunpack.i.l.bf16.f32 v3  }
0x431: {  	s0 =	sshrl.u32 s0, $0x3;
	v3 =	vunpack.i.u.bf16.f32 v3;
	[tilespmem:v62+s18+$0x0] =	vst.idx.msk $0xffff, v2  }
0x432: {  	s0 =	sadd.s32 s1, s0;
	[tilespmem:v63+s18+$0x0] =	vst.idx.msk $0xffff, v3  }
0x433: {  	[hbm4b:s0+s11] =	stream.strided.scatter [tilespmem:s18], [sflag:$0x4], $0x400, s16, s11, $0x38;
	[tilespmem:$0xF400] =	vst v63  }
0x434: {  	s31 =	sadd.s32 $0x80, s0  }
0x435: {  	[hbm4b:s31+s11] =	stream.strided.scatter [tilespmem:s19], [sflag:$0x4], $0x400, s16, s11, $0x38;
	[tilespmem:$0xF400] =	vst v63  }
0x436: {  	s4 =	sadd.s32 $0x100, s0  }
0x437: {  	[hbm4b:s4+s11] =	stream.strided.scatter [tilespmem:s20], [sflag:$0x4], $0x400, s16, s11, $0x38;
	[tilespmem:$0xF400] =	vst v63  }
0x438: {  	s29 =	sadd.s32 $0x180, s0  }
0x439: {  	[hbm4b:s29+s11] =	stream.strided.scatter [tilespmem:s21], [sflag:$0x4], $0x400, s16, s11, $0x38;
	[tilespmem:$0xF400] =	vst v63  }
0x43a: {  	s28 =	sadd.s32 $0x1, s28;
	s0 =	sadd.s32 $0x40000, s0  }
0x43b: {  	[hbm4b:s0+s11] =	stream.strided.scatter [tilespmem:s22], [sflag:$0x4], $0x200, s16, s11, $0x38;
	[tilespmem:$0xF400] =	vst v63  }
0x43c: {  	p0 =	sne.s32 s28, $0x10;
	s30 =	sadd.s32 $0x80, s0  }
0x43d: {  	[hbm4b:s30+s11] =	stream.strided.scatter [tilespmem:s23], [sflag:$0x4], $0x200, s16, s11, $0x38;
	[tilespmem:$0xF400] =	vst v63  }
.Ltmp4:
0x43e: {  	_ = 	snop;
	(pc) =	sbr.rel @p0 .LBB2_2-.Ltmp4, $4  }
0x43f: {  	s31 =	sadd.s32 $0x100, s0  }
0x440: {  	[hbm4b:s31+s11] =	stream.strided.scatter [tilespmem:s25], [sflag:$0x4], $0x200, s16, s11, $0x38;
	[tilespmem:$0xF400] =	vst v63  }
0x441: {  	s0 =	sadd.s32 $0x180, s0  }
0x442: {  	[hbm4b:s0+s11] =	stream.strided.scatter [tilespmem:s26], [sflag:$0x4], $0x200, s16, s11, $0x38;
	[tilespmem:$0xF400] =	vst v63  }
0x443: {  	s0 =	simm.s32 $0x1  }
0x444: {  	_ =	swait.ge [sflag:s0], $0x1800  }
0x445: {  	[sflag:s0] =	ssyncset.done $0x0  }
0x446: {  	s29 =	simm.s32 $0x2;
	[sflag:s0] =	ssyncadd.s32 $0xFFFFE800  }
0x447: {  	_ =	swait.ge [sflag:s29], $0x1800  }
0x448: {  	[sflag:s29] =	ssyncset.done $0x0  }
0x449: {  	s30 =	simm.s32 $0x3;
	[sflag:s29] =	ssyncadd.s32 $0xFFFFE800  }
0x44a: {  	_ =	swait.ge [sflag:s30], $0x1800  }
0x44b: {  	[sflag:s30] =	ssyncset.done $0x0  }
0x44c: {  	s4 =	simm.s32 $0x4;
	[sflag:s30] =	ssyncadd.s32 $0xFFFFE800  }
0x44d: {  	_ =	swait.ge [sflag:s4], $0x1800  }
0x44e: {  	s12 =	rddreg [dreg:$0x9]  }
0x44f: {  	s31 =	rddreg [dreg:$0x8];
	s12 =	sadd.s32 $0x1, s12  }
0x450: {  	p0 =	sne.s32 s12, s31  }
.Ltmp5:
0x451: {  	_ = 	snop;
	(pc) =	sbr.rel @p0 .LBB2_1-.Ltmp5, $3  }
0x452: {  	_ =	sdelay $0x1  }
0x453: {  	[sflag:s4] =	ssyncset.done $0x0  }
0x454: {  	[sflag:s4] =	ssyncadd.s32 $0xFFFFE800  }
0x455: {  	_ =	sfence.sel $0x180000  }
0x456: {  	[bflag:$0x0] =	sbarrier.arrive $0xFFFF  }
0x457: {  	_ =	strace $0x90000047  }
0x458: {  	s0 =	stileid.u32;
	[bflag:$0x2] =	sbarrier.arrive $0xFFFF  }
0x459: {  	p0 =	sne.s32 s0, $0x0;
	s0 =	rddreg [dreg:$0x4]  }
0x45a: {  	s0 =	sadd.s32 @!p0 $0x100000, s0  }
0x45b: {  	[sflag:s0] =	ssyncadd.tile.s32 @!p0 $0x1;
	_ =	shalt  }
.Lfunc_end2:
_tile_overlayer_lowered:
.L_overlay_start_2:
0x45c: {  	(tag) =	ssettag $0x2  }
0x45d: {  	s0 =	rddreg [dreg:$0x0];
	s2 =	stileid.u32  }
0x45e: {  	s1 =	rddreg [dreg:$0x1];
	p0 =	sne.s32 s2, $0x0  }
0x45f: {  	s3 =	rddreg [dreg:$0x2];
	[bflag:$0x3] =	sbarrier.arrive $0xFFFF;
	s2 =	simm.s32 @!p0 $0x1C05  }
0x460: {  	[timem:s3], [sflag:s2] =	dma.local @!p0 [hbm:s0], s1  }
0x461: {  	s0 =	simm.s32 @!p0 $0x5  }
0x462: {  	_ =	swait.ge @!p0 [sflag:s0], s1  }
0x463: {  	s1 =	ssub.s32 @!p0 $0x0, s1;
	[sflag:s0] =	ssyncset.done @!p0 $0x0  }
0x464: {  	[sflag:s0] =	ssyncadd.s32 @!p0 s1  }
0x465: {  	[bflag:$0x3] =	sbarrier.arrive $0xFFFF  }
0x466: {  	_ =	shalt  }

</sc_bundles>
